<compile_context>
chip_gen: v7x
topology: tpu7x:2x2x1
jax: 0.10.2.dev20260603
libtpu: 0.0.44.dev20260713+nightly
codegen_flags: <defaults>
</compile_context>

<pallas_src>
import jax
import jax.numpy as jnp
from jax.experimental import pallas as pl
from jax.experimental.pallas import tpu as pltpu
from jax.experimental.pallas import tpu_sc as plsc

L = 2048
D_MODEL = 1024
D_FF = 4096
N_EXPERTS = 8
TOP_K = 2

LANES = 128
BT = 256
NT = 23
PADP = NT * BT
NF = 2
FB = D_FF // NF
P = L * TOP_K


def _cumsum0(a, n):
    s = 1
    while s < n:
        shifted = jnp.concatenate(
            [jnp.zeros((s, a.shape[1]), a.dtype), a[:-s, :]], axis=0)
        a = a + shifted
        s *= 2
    return a


def _router_kernel(x_ref, wrt_ref, aux_ref, posa_ref, posb_ref,
                   te_ref, posap_ref, posbp_ref, wpa_ref, wpb_ref):
    x = x_ref[...]
    wrt = wrt_ref[...]
    logits = jnp.dot(x, wrt, preferred_element_type=jnp.float32)
    lane = jax.lax.broadcasted_iota(jnp.int32, logits.shape, 1)
    valid = lane < N_EXPERTS
    logits = jnp.where(valid, logits, -1e30)
    m = jnp.max(logits, axis=1, keepdims=True)
    p = jnp.exp(logits - m)
    p = jnp.where(valid, p, 0.0)
    probs = p / jnp.sum(p, axis=1, keepdims=True)
    t1v = jnp.max(probs, axis=1, keepdims=True)
    cand1 = jnp.where((probs == t1v) & valid, lane, LANES)
    t1i = jnp.min(cand1, axis=1, keepdims=True)
    probs_m = jnp.where(lane == t1i, -1.0, probs)
    t2v = jnp.max(probs_m, axis=1, keepdims=True)
    cand2 = jnp.where((probs_m == t2v) & valid, lane, LANES)
    t2i = jnp.min(cand2, axis=1, keepdims=True)
    denom = t1v + t2v + 1e-9
    w1 = t1v / denom
    w2 = t2v / denom
    tpe = jnp.sum(jnp.where(lane == t1i, 1.0, 0.0), axis=0) / L
    rp = jnp.sum(probs, axis=0) / L
    aux = N_EXPERTS * jnp.sum(tpe * rp)
    aux_ref[...] = jnp.zeros_like(aux_ref) + aux

    onehot = (jnp.where(lane == t1i, 1.0, 0.0)
              + jnp.where(lane == t2i + N_EXPERTS, 1.0, 0.0))
    incl = _cumsum0(onehot, L)
    excl = incl - onehot
    cnt = incl[L - 1:L, :]
    cnt1 = cnt
    cnt_i = cnt.astype(jnp.int32)
    shifted8 = jnp.concatenate(
        [cnt_i[:, N_EXPERTS:], jnp.zeros((1, N_EXPERTS), jnp.int32)], axis=1)
    c_tot = cnt_i + shifted8
    pc = jax.lax.shift_left(
        jax.lax.shift_right_logical(c_tot + (BT - 1), 8), 8)
    lane1 = jax.lax.broadcasted_iota(jnp.int32, (1, LANES), 1)
    pc = jnp.where(lane1 < N_EXPERTS, pc, 0)
    cum_pc = pc
    s = 1
    while s < N_EXPERTS:
        sh = jnp.concatenate(
            [jnp.zeros((1, s), jnp.int32), cum_pc[:, :-s]], axis=1)
        cum_pc = cum_pc + sh
        s *= 2
    pad_off = cum_pc - pc
    pad_off_f = pad_off.astype(jnp.float32)
    posa = jnp.sum(jnp.where(lane == t1i, pad_off_f + excl, 0.0),
                   axis=1, keepdims=True)
    shifted_excl = excl[:, N_EXPERTS:]
    shifted_excl = jnp.concatenate(
        [shifted_excl, jnp.zeros((L, N_EXPERTS), jnp.float32)], axis=1)
    posb = jnp.sum(
        jnp.where(lane == t2i, pad_off_f + cnt1 + shifted_excl, 0.0),
        axis=1, keepdims=True)
    k8 = jax.lax.broadcasted_iota(jnp.int32, (L, 8), 1)
    posa_ref[...] = posa.astype(jnp.int32) * 8 + k8
    posb_ref[...] = posb.astype(jnp.int32) * 8 + k8
    posap_ref[...] = posa.astype(jnp.int32)
    posbp_ref[...] = posb.astype(jnp.int32)
    wpa_ref[...] = jnp.where(lane == 0, w1, 0.0)
    wpb_ref[...] = jnp.where(lane == 0, w2, 0.0)
    jrow = jax.lax.broadcasted_iota(jnp.int32, (32, LANES), 0) * BT
    cumb = jnp.broadcast_to(cum_pc, (32, LANES))
    lane32 = jax.lax.broadcasted_iota(jnp.int32, (32, LANES), 1)
    te = jnp.sum(jnp.where((cumb <= jrow) & (lane32 < N_EXPERTS), 1, 0),
                 axis=1, keepdims=True)
    te = jnp.minimum(te, N_EXPERTS - 1)
    te_ref[...] = jnp.broadcast_to(te, (32, LANES))


def _gffn_kernel(te_ref, xg_ref, w1_ref, w2_ref, ws_ref, ys_ref):
    f = pl.program_id(0)
    t = pl.program_id(1)
    x = xg_ref[...]
    h = jnp.dot(x, w1_ref[0], preferred_element_type=jnp.float32)
    h = (h * jax.nn.sigmoid(h)).astype(jnp.bfloat16)
    y = jnp.dot(h, w2_ref[0], preferred_element_type=jnp.float32)
    rows = pl.ds(t * BT, BT)

    @pl.when(f == 0)
    def _():
        ys_ref[rows, :] = y

    @pl.when(f == NF - 1)
    def _():
        w = ws_ref[:, :1]
        ys_ref[rows, :] = (ys_ref[rows, :] + y) * w


def _vmesh():
    return plsc.VectorSubcoreMesh(core_axis_name="core",
                                  subcore_axis_name="subcore")


_SW = 256
_SUB = 8
_NSUB = P * _SUB


def _sc_scatter(x_rs, pos, posp, wpay):
    @pl.kernel(out_type=(jax.ShapeDtypeStruct((PADP * _SUB, 128),
                                              jnp.float32),
                         jax.ShapeDtypeStruct((PADP, 128), jnp.float32)),
               mesh=_vmesh())
    def k(x_hbm, pos_hbm, posp_hbm, wpay_hbm, o_hbm, ws_hbm):
        def body(x_vmem, p_vmem):
            pltpu.sync_copy(x_vmem, o_hbm.at[p_vmem.at[0]])

        pltpu.emit_pipeline(
            body,
            grid=(_NSUB // _SW,),
            in_specs=[
                pl.BlockSpec((_SW, 128), lambda i: (i % (L * _SUB // _SW), 0)),
                pl.BlockSpec((1, _SW), lambda i: (0, i)),
            ],
            out_specs=[],
            core_axis_name=("core", "subcore"),
            dimension_semantics=(pltpu.PARALLEL,),
        )(x_hbm, pos_hbm)

        def wbody(w_vmem, p_vmem):
            pltpu.sync_copy(w_vmem, ws_hbm.at[p_vmem.at[0]])

        pltpu.emit_pipeline(
            wbody,
            grid=(P // _SW,),
            in_specs=[
                pl.BlockSpec((_SW, 128), lambda i: (i, 0)),
                pl.BlockSpec((1, _SW), lambda i: (0, i)),
            ],
            out_specs=[],
            core_axis_name=("core", "subcore"),
            dimension_semantics=(pltpu.PARALLEL,),
        )(wpay_hbm, posp_hbm)

    return k(x_rs, pos, posp, wpay)


def _sc_gather_add(ys_rs, pos):
    @pl.kernel(out_type=jax.ShapeDtypeStruct((L * _SUB, 128), jnp.float32),
               mesh=_vmesh())
    def k(ys_hbm, pos_hbm, o_hbm):
        def body(pa_vmem, pb_vmem, o_vmem):
            pltpu.sync_copy(ys_hbm.at[pa_vmem.at[0]], o_vmem)
            pltpu.sync_copy(ys_hbm.at[pb_vmem.at[0]], o_vmem, add=True)

        pltpu.emit_pipeline(
            body,
            grid=(L * _SUB // _SW,),
            in_specs=[
                pl.BlockSpec((1, _SW), lambda i: (0, i)),
                pl.BlockSpec((1, _SW), lambda i: (0, i + L * _SUB // _SW)),
            ],
            out_specs=[pl.BlockSpec((_SW, 128), lambda i: (i, 0))],
            core_axis_name=("core", "subcore"),
            dimension_semantics=(pltpu.PARALLEL,),
        )(pos_hbm, pos_hbm, o_hbm)

    return k(ys_rs, pos)


def kernel(x, Wr, W1, W2):
    Bb, Ll, D = x.shape
    flat = x.reshape(Bb * Ll, D)

    wrt = jnp.zeros((D, LANES), dtype=jnp.float32).at[:, :N_EXPERTS].set(Wr.T)

    (aux, posa, posb, te, posap, posbp, wpa, wpb) = pl.pallas_call(
        _router_kernel,
        out_shape=(
            jax.ShapeDtypeStruct((8, 128), jnp.float32),
            jax.ShapeDtypeStruct((L, 8), jnp.int32),
            jax.ShapeDtypeStruct((L, 8), jnp.int32),
            jax.ShapeDtypeStruct((32, LANES), jnp.int32),
            jax.ShapeDtypeStruct((L, 1), jnp.int32),
            jax.ShapeDtypeStruct((L, 1), jnp.int32),
            jax.ShapeDtypeStruct((L, LANES), jnp.float32),
            jax.ShapeDtypeStruct((L, LANES), jnp.float32),
        ),
    )(flat, wrt)
    aux_loss = aux[0, 0]

    pos = jnp.concatenate(
        [posa.reshape(L * _SUB), posb.reshape(L * _SUB)]).reshape(1, _NSUB)
    posp = jnp.concatenate(
        [posap.reshape(L), posbp.reshape(L)]).reshape(1, P)
    wpay = jnp.concatenate([wpa, wpb], axis=0)
    te_vec = te[:NT, 0]

    xg, ws = _sc_scatter(flat.reshape(L * _SUB, 128), pos, posp, wpay)
    xg = xg.reshape(PADP, D)

    grid_spec = pltpu.PrefetchScalarGridSpec(
        num_scalar_prefetch=1,
        grid=(NF, NT),
        in_specs=[
            pl.BlockSpec((BT, D), lambda f, t, te_r: (t, 0)),
            pl.BlockSpec((1, D, FB), lambda f, t, te_r: (te_r[t], 0, f)),
            pl.BlockSpec((1, FB, D), lambda f, t, te_r: (te_r[t], f, 0)),
            pl.BlockSpec((BT, 128), lambda f, t, te_r: (t, 0)),
        ],
        out_specs=pl.BlockSpec((PADP, D), lambda f, t, te_r: (0, 0)),
    )
    ys = pl.pallas_call(
        _gffn_kernel,
        grid_spec=grid_spec,
        out_shape=jax.ShapeDtypeStruct((PADP, D), jnp.float32),
        compiler_params=pltpu.CompilerParams(
            dimension_semantics=("arbitrary", "arbitrary"),
            vmem_limit_bytes=100 * 1024 * 1024,
        ),
    )(te_vec, xg, W1, W2, ws)

    out = _sc_gather_add(ys.reshape(PADP * _SUB, 128), pos).reshape(L, D)

    return out.reshape(Bb, Ll, D), aux_loss

# --- scband reference (transcript-rebuilt; emitter-appended) ---
"""Pipeline reference for scband-top-kmo-e-21715354648868 (READ-ONLY COPY).

The authoritative reference and input builder live on the scoring server;
editing this copy changes nothing except your own understanding.
"""

import jax, jax.numpy as jnp
import numpy as np

B = 1
L = 2048
D_MODEL = 1024
D_FF_MULT = 4
D_FF = D_MODEL * D_FF_MULT
N_EXPERTS = 8
TOP_K = 2


def setup_inputs(seed: int = 0) -> dict:
    key = jax.random.key(seed)
    ks = jax.random.split(key, 4)
    x = jax.random.normal(ks[0], (B, L, D_MODEL), dtype=jnp.float32)
    Wr = jax.random.normal(ks[1], (N_EXPERTS, D_MODEL), dtype=jnp.float32) * (1.0 / np.sqrt(D_MODEL))
    W1 = jax.random.normal(ks[2], (N_EXPERTS, D_MODEL, D_FF), dtype=jnp.float32) * 0.02
    W2 = jax.random.normal(ks[3], (N_EXPERTS, D_FF, D_MODEL), dtype=jnp.float32) * 0.02
    return {"x": x, "Wr": Wr, "W1": W1, "W2": W2}


def reference(x, Wr, W1, W2):
    Bb, Ll, D = x.shape
    flat = x.reshape(Bb * Ll, D)
    # router (no bias)
    logits = flat @ Wr.T
    probs = jax.nn.softmax(logits.astype(jnp.float32), axis=-1).astype(flat.dtype)
    top_val, top_idx = jax.lax.top_k(probs, TOP_K)
    top_val = top_val / (jnp.sum(top_val, axis=-1, keepdims=True) + 1e-09)
    out = jnp.zeros_like(flat)
    for slot in range(TOP_K):
        slot_idx = top_idx[:, slot]
        slot_w = top_val[:, slot][:, None]
        for e in range(N_EXPERTS):
            mask = (slot_idx == e).astype(flat.dtype)[:, None]
            h = jax.nn.silu(flat @ W1[e])
            y = h @ W2[e]
            out = out + y * slot_w * mask
    tokens_per_expert = jax.nn.one_hot(top_idx[:, 0], N_EXPERTS, dtype=jnp.float32).mean(axis=0)
    router_prob = probs.astype(jnp.float32).mean(axis=0)
    aux_loss = N_EXPERTS * jnp.sum(tokens_per_expert * router_prob)
    # dropout p=0.0 -> identity
    return out.reshape(Bb, Ll, D), aux_loss

if __name__ == "__main__":
    import jax
    _d = setup_inputs()
    print(jax.jit(kernel)(*tuple(_d.values())))

</pallas_src>

<mosaic_0001>
#map = affine_map<(d0, d1) -> (0, 0)>
module attributes {stable_mosaic.version = 14 : i64} {
  func.func @k(%arg0: i32, %arg1: i32, %arg2: memref<16384x128xf32, #tpu.memory_space<hbm>>, %arg3: memref<1x32768xi32, #tpu.memory_space<hbm>>, %arg4: memref<1x4096xi32, #tpu.memory_space<hbm>>, %arg5: memref<4096x128xf32, #tpu.memory_space<hbm>>, %arg6: memref<47104x128xf32, #tpu.memory_space<hbm>>, %arg7: memref<5888x128xf32, #tpu.memory_space<hbm>>) attributes {dimension_semantics = [#tpu.dimension_semantics<core_parallel>, #tpu.dimension_semantics<subcore_parallel>], iteration_bounds = array<i64: 2, 16>, scalar_prefetch = 0 : i64, scratch_operands = 0 : i64, tpu.core_type = #tpu.core_type<sc_vector_subcore>, window_params = [{transform_indices = #map}, {transform_indices = #map}, {transform_indices = #map}, {transform_indices = #map}, {transform_indices = #map}, {transform_indices = #map}]} {
    %mul3A = arith.constant 1 : i32
    %mul3A_0 = arith.muli %arg1, %mul3A : i32
    %add3A = arith.constant 0 : i32
    %add3A_1 = arith.addi %add3A, %mul3A_0 : i32
    %mul3A_2 = arith.constant 16 : i32
    %mul3A_3 = arith.muli %arg0, %mul3A_2 : i32
    %add3A_4 = arith.addi %add3A_1, %mul3A_3 : i32
    %mul3A_5 = arith.constant 4 : i32
    %mul3A_6 = arith.muli %add3A_4, %mul3A_5 : i32
    "tpu.region"() ({
      %run_scoped3A = memref.alloca() : memref<2x256x128xf32, #tpu.memory_space<vmem>>
      %run_scoped3A_26 = tpu.sem_alloc : memref<2x!tpu.dma_semaphore, #tpu.memory_space<semaphore_mem>>
      %run_scoped3A_27 = memref.alloca() : memref<2x1x256xi32, #tpu.memory_space<vmem>>
      %run_scoped3A_28 = tpu.sem_alloc : memref<2x!tpu.dma_semaphore, #tpu.memory_space<semaphore_mem>>
      %add3A_29 = arith.constant 0 : i32
      %add3A_30 = arith.addi %add3A_29, %mul3A_6 : i32
      %select_n3A_31 = arith.constant true
      %select_n3A_32 = arith.constant 0 : i32
      %select_n3A_33 = arith.constant -1 : i32
      %select_n3A_34 = arith.select %select_n3A_31, %select_n3A_33, %select_n3A_32 : i32
      %eq3A = arith.constant -1 : i32
      %eq3A_35 = arith.cmpi eq, %select_n3A_34, %eq3A : i32
      %select_n3A_36 = arith.constant 3 : i32
      %select_n3A_37 = arith.select %eq3A_35, %select_n3A_36, %select_n3A_34 : i32
      %add3A_38 = arith.addi %select_n3A_37, %mul3A_6 : i32
      %select_n3A_39 = arith.constant true
      %select_n3A_40 = arith.constant 0 : i32
      %select_n3A_41 = arith.constant 1 : i32
      %select_n3A_42 = arith.select %select_n3A_39, %select_n3A_41, %select_n3A_40 : i32
      %eq3A_43 = arith.constant 4 : i32
      %eq3A_44 = arith.cmpi eq, %select_n3A_42, %eq3A_43 : i32
      %select_n3A_45 = arith.constant 0 : i32
      %select_n3A_46 = arith.select %eq3A_44, %select_n3A_45, %select_n3A_42 : i32
      %add3A_47 = arith.addi %select_n3A_46, %mul3A_6 : i32
      %add3A_48 = arith.constant 1 : i32
      %add3A_49 = arith.addi %select_n3A_46, %add3A_48 : i32
      %select_n3A_50 = arith.constant true
      %select_n3A_51 = arith.select %select_n3A_50, %add3A_49, %select_n3A_46 : i32
      %eq3A_52 = arith.constant 4 : i32
      %eq3A_53 = arith.cmpi eq, %select_n3A_51, %eq3A_52 : i32
      %select_n3A_54 = arith.constant 0 : i32
      %select_n3A_55 = arith.select %eq3A_53, %select_n3A_54, %select_n3A_51 : i32
      %add3A_56 = arith.addi %select_n3A_55, %mul3A_6 : i32
      "tpu.trace_start"() <{level = 10 : i32, message = "ep_initialize_0"}> : () -> ()
      %rem3A = arith.constant 0 : i32
      %rem3A_57 = arith.constant 2 : i32
      %rem3A_58 = arith.remui %rem3A, %rem3A_57 : i32
      %jit3A_59 = arith.constant 64 : i32
      %eq3A_60 = arith.constant 0 : i32
      %eq3A_61 = arith.cmpi eq, %jit3A_59, %eq3A_60 : i32
      %jit3A_62 = arith.constant 1 : i32
      %select_n3A_63 = arith.select %eq3A_61, %jit3A_62, %jit3A_59 : i32
      %rem3A_64 = arith.remsi %add3A_30, %select_n3A_63 : i32
      %ne3A = arith.constant 0 : i32
      %ne3A_65 = arith.cmpi ne, %rem3A_64, %ne3A : i32
      %lt3A_66 = arith.constant 0 : i32
      %lt3A_67 = arith.cmpi slt, %rem3A_64, %lt3A_66 : i32
      %lt3A_68 = arith.constant 0 : i32
      %lt3A_69 = arith.cmpi slt, %select_n3A_63, %lt3A_68 : i32
      %ne3A_70 = arith.xori %lt3A_67, %lt3A_69 : i1
      %and3A = arith.andi %ne3A_70, %ne3A_65 : i1
      %add3A_71 = arith.addi %rem3A_64, %select_n3A_63 : i32
      %select_n3A_72 = arith.select %and3A, %add3A_71, %rem3A_64 : i32
      %mul3A_73 = arith.constant 256 : i32
      %mul3A_74 = arith.muli %mul3A_73, %select_n3A_72 : i32
      %dma_start3A = arith.constant 0 : i32
      %dma_start3A_75 = arith.constant 0 : i32
      %dma_start3A_76 = tpu.memref_slice %run_scoped3A[%rem3A_58, %dma_start3A, %dma_start3A_75] : memref<2x256x128xf32, #tpu.memory_space<vmem>> -> memref<1x256x128xf32, #tpu.memory_space<vmem>>
      %dma_start3A_77 = tpu.memref_squeeze %dma_start3A_76 : memref<1x256x128xf32, #tpu.memory_space<vmem>> -> memref<256x128xf32, #tpu.memory_space<vmem>>
      %dma_start3A_78 = arith.constant 0 : i32
      %dma_start3A_79 = tpu.memref_slice %arg2[%mul3A_74, %dma_start3A_78] : memref<16384x128xf32, #tpu.memory_space<hbm>> -> memref<256x128xf32, #tpu.memory_space<hbm>>
      %dma_start3A_80 = tpu.memref_slice %run_scoped3A_26[%rem3A_58] : memref<2x!tpu.dma_semaphore, #tpu.memory_space<semaphore_mem>> -> memref<1x!tpu.dma_semaphore, #tpu.memory_space<semaphore_mem>>
      %dma_start3A_81 = tpu.memref_squeeze %dma_start3A_80 : memref<1x!tpu.dma_semaphore, #tpu.memory_space<semaphore_mem>> -> memref<!tpu.dma_semaphore, #tpu.memory_space<semaphore_mem>>
      %dma_start3A_82 = arith.constant 0 : i32
      %dma_start3A_83 = arith.constant 0 : i32
      %dma_start3A_84 = tpu.memref_slice %run_scoped3A[%rem3A_58, %dma_start3A_82, %dma_start3A_83] : memref<2x256x128xf32, #tpu.memory_space<vmem>> -> memref<1x256x128xf32, #tpu.memory_space<vmem>>
      %dma_start3A_85 = tpu.memref_squeeze %dma_start3A_84 : memref<1x256x128xf32, #tpu.memory_space<vmem>> -> memref<256x128xf32, #tpu.memory_space<vmem>>
      %dma_start3A_86 = arith.constant 0 : i32
      %dma_start3A_87 = tpu.memref_slice %arg2[%mul3A_74, %dma_start3A_86] : memref<16384x128xf32, #tpu.memory_space<hbm>> -> memref<256x128xf32, #tpu.memory_space<hbm>>
      tpu.enqueue_dma source(%dma_start3A_87 : memref<256x128xf32, #tpu.memory_space<hbm>>) target(%dma_start3A_85 : memref<256x128xf32, #tpu.memory_space<vmem>>) target_semaphore(%dma_start3A_81 : memref<!tpu.dma_semaphore, #tpu.memory_space<semaphore_mem>>)
      %add3A_88 = arith.constant 0 : i32
      %add3A_89 = arith.constant 1 : i32
      %add3A_90 = arith.addi %add3A_88, %add3A_89 : i32
      %select_n3A_91 = arith.constant true
      %select_n3A_92 = arith.constant 0 : i32
      %select_n3A_93 = arith.select %select_n3A_91, %add3A_90, %select_n3A_92 : i32
      %rem3A_94 = arith.constant 0 : i32
      %rem3A_95 = arith.constant 2 : i32
      %rem3A_96 = arith.remui %rem3A_94, %rem3A_95 : i32
      %mul3A_97 = arith.constant 256 : i32
      %mul3A_98 = arith.muli %mul3A_97, %add3A_30 : i32
      %dma_start3A_99 = arith.constant 0 : i32
      %dma_start3A_100 = arith.constant 0 : i32
      %dma_start3A_101 = tpu.memref_slice %run_scoped3A_27[%rem3A_96, %dma_start3A_99, %dma_start3A_100] : memref<2x1x256xi32, #tpu.memory_space<vmem>> -> memref<1x1x256xi32, #tpu.memory_space<vmem>>
      %dma_start3A_102 = tpu.memref_squeeze %dma_start3A_101 : memref<1x1x256xi32, #tpu.memory_space<vmem>> -> memref<1x256xi32, #tpu.memory_space<vmem>>
      %dma_start3A_103 = arith.constant 0 : i32
      %dma_start3A_104 = tpu.memref_slice %arg3[%dma_start3A_103, %mul3A_98] : memref<1x32768xi32, #tpu.memory_space<hbm>> -> memref<1x256xi32, #tpu.memory_space<hbm>>
      %dma_start3A_105 = tpu.memref_slice %run_scoped3A_28[%rem3A_96] : memref<2x!tpu.dma_semaphore, #tpu.memory_space<semaphore_mem>> -> memref<1x!tpu.dma_semaphore, #tpu.memory_space<semaphore_mem>>
      %dma_start3A_106 = tpu.memref_squeeze %dma_start3A_105 : memref<1x!tpu.dma_semaphore, #tpu.memory_space<semaphore_mem>> -> memref<!tpu.dma_semaphore, #tpu.memory_space<semaphore_mem>>
      %dma_start3A_107 = arith.constant 0 : i32
      %dma_start3A_108 = arith.constant 0 : i32
      %dma_start3A_109 = tpu.memref_slice %run_scoped3A_27[%rem3A_96, %dma_start3A_107, %dma_start3A_108] : memref<2x1x256xi32, #tpu.memory_space<vmem>> -> memref<1x1x256xi32, #tpu.memory_space<vmem>>
      %dma_start3A_110 = tpu.memref_squeeze %dma_start3A_109 : memref<1x1x256xi32, #tpu.memory_space<vmem>> -> memref<1x256xi32, #tpu.memory_space<vmem>>
      %dma_start3A_111 = arith.constant 0 : i32
      %dma_start3A_112 = tpu.memref_slice %arg3[%dma_start3A_111, %mul3A_98] : memref<1x32768xi32, #tpu.memory_space<hbm>> -> memref<1x256xi32, #tpu.memory_space<hbm>>
      tpu.enqueue_dma source(%dma_start3A_112 : memref<1x256xi32, #tpu.memory_space<hbm>>) target(%dma_start3A_110 : memref<1x256xi32, #tpu.memory_space<vmem>>) target_semaphore(%dma_start3A_106 : memref<!tpu.dma_semaphore, #tpu.memory_space<semaphore_mem>>)
      %add3A_113 = arith.constant 0 : i32
      %add3A_114 = arith.constant 1 : i32
      %add3A_115 = arith.addi %add3A_113, %add3A_114 : i32
      %select_n3A_116 = arith.constant true
      %select_n3A_117 = arith.constant 0 : i32
      %select_n3A_118 = arith.select %select_n3A_116, %add3A_115, %select_n3A_117 : i32
      "tpu.trace_stop"() : () -> ()
      %scan3A = arith.constant 0 : i32
      %scan3A_119 = arith.constant 0 : i32
      %scan3A_120 = arith.constant 0 : i32
      %scan3A_121 = arith.constant 0 : i32
      %scan3A_122 = arith.constant 4 : i32
      %scan3A_123 = arith.addi %scan3A_121, %scan3A_122 : i32
      %scan3A_124 = arith.constant 1 : i32
      %scan3A_125:5 = scf.for %scan3A_162 = %scan3A_121 to %scan3A_123 step %scan3A_124 iter_args(%scan3A_163 = %select_n3A_93, %scan3A_164 = %scan3A, %scan3A_165 = %select_n3A_118, %scan3A_166 = %scan3A_119, %scan3A_167 = %scan3A_120) -> (i32, i32, i32, i32, i32)  : i32 {
        %eq3A_168 = arith.constant 0 : i32
        %eq3A_169 = arith.cmpi eq, %scan3A_162, %eq3A_168 : i32
        %eq3A_170 = arith.constant 3 : i32
        %eq3A_171 = arith.cmpi eq, %scan3A_162, %eq3A_170 : i32
        %add3A_172 = arith.addi %scan3A_167, %mul3A_6 : i32
        %sub3A_173 = arith.constant 1 : i32
        %sub3A_174 = arith.subi %scan3A_167, %sub3A_173 : i32
        %select_n3A_175 = arith.constant true
        %select_n3A_176 = arith.select %select_n3A_175, %sub3A_174, %scan3A_167 : i32
        %eq3A_177 = arith.constant -1 : i32
        %eq3A_178 = arith.cmpi eq, %select_n3A_176, %eq3A_177 : i32
        %select_n3A_179 = arith.constant 3 : i32
        %select_n3A_180 = arith.select %eq3A_178, %select_n3A_179, %select_n3A_176 : i32
        %add3A_181 = arith.addi %select_n3A_180, %mul3A_6 : i32
        %add3A_182 = arith.constant 1 : i32
        %add3A_183 = arith.addi %scan3A_167, %add3A_182 : i32
        %select_n3A_184 = arith.constant true
        %select_n3A_185 = arith.select %select_n3A_184, %add3A_183, %scan3A_167 : i32
        %eq3A_186 = arith.constant 4 : i32
        %eq3A_187 = arith.cmpi eq, %select_n3A_185, %eq3A_186 : i32
        %select_n3A_188 = arith.constant 0 : i32
        %select_n3A_189 = arith.select %eq3A_187, %select_n3A_188, %select_n3A_185 : i32
        %add3A_190 = arith.addi %select_n3A_189, %mul3A_6 : i32
        %add3A_191 = arith.constant 1 : i32
        %add3A_192 = arith.addi %select_n3A_189, %add3A_191 : i32
        %select_n3A_193 = arith.constant true
        %select_n3A_194 = arith.select %select_n3A_193, %add3A_192, %select_n3A_189 : i32
        %eq3A_195 = arith.constant 4 : i32
        %eq3A_196 = arith.cmpi eq, %select_n3A_194, %eq3A_195 : i32
        %select_n3A_197 = arith.constant 0 : i32
        %select_n3A_198 = arith.select %eq3A_196, %select_n3A_197, %select_n3A_194 : i32
        %add3A_199 = arith.addi %select_n3A_198, %mul3A_6 : i32
        %jit3A_200 = arith.constant 64 : i32
        %eq3A_201 = arith.constant 0 : i32
        %eq3A_202 = arith.cmpi eq, %jit3A_200, %eq3A_201 : i32
        %jit3A_203 = arith.constant 1 : i32
        %select_n3A_204 = arith.select %eq3A_202, %jit3A_203, %jit3A_200 : i32
        %rem3A_205 = arith.remsi %add3A_172, %select_n3A_204 : i32
        %ne3A_206 = arith.constant 0 : i32
        %ne3A_207 = arith.cmpi ne, %rem3A_205, %ne3A_206 : i32
        %lt3A_208 = arith.constant 0 : i32
        %lt3A_209 = arith.cmpi slt, %rem3A_205, %lt3A_208 : i32
        %lt3A_210 = arith.constant 0 : i32
        %lt3A_211 = arith.cmpi slt, %select_n3A_204, %lt3A_210 : i32
        %ne3A_212 = arith.xori %lt3A_209, %lt3A_211 : i1
        %and3A_213 = arith.andi %ne3A_212, %ne3A_207 : i1
        %add3A_214 = arith.addi %rem3A_205, %select_n3A_204 : i32
        %select_n3A_215 = arith.select %and3A_213, %add3A_214, %rem3A_205 : i32
        %jit3A_216 = arith.constant 64 : i32
        %eq3A_217 = arith.constant 0 : i32
        %eq3A_218 = arith.cmpi eq, %jit3A_216, %eq3A_217 : i32
        %jit3A_219 = arith.constant 1 : i32
        %select_n3A_220 = arith.select %eq3A_218, %jit3A_219, %jit3A_216 : i32
        %rem3A_221 = arith.remsi %add3A_190, %select_n3A_220 : i32
        %ne3A_222 = arith.constant 0 : i32
        %ne3A_223 = arith.cmpi ne, %rem3A_221, %ne3A_222 : i32
        %lt3A_224 = arith.constant 0 : i32
        %lt3A_225 = arith.cmpi slt, %rem3A_221, %lt3A_224 : i32
        %lt3A_226 = arith.constant 0 : i32
        %lt3A_227 = arith.cmpi slt, %select_n3A_220, %lt3A_226 : i32
        %ne3A_228 = arith.xori %lt3A_225, %lt3A_227 : i1
        %and3A_229 = arith.andi %ne3A_228, %ne3A_223 : i1
        %add3A_230 = arith.addi %rem3A_221, %select_n3A_220 : i32
        %select_n3A_231 = arith.select %and3A_229, %add3A_230, %rem3A_221 : i32
        %ne3A_232 = arith.cmpi ne, %select_n3A_215, %select_n3A_231 : i32
        %or3A = arith.constant false
        %or3A_233 = arith.ori %or3A, %ne3A_232 : i1
        %or3A_234 = arith.constant false
        %or3A_235 = arith.ori %or3A_233, %or3A_234 : i1
        %ge3A = arith.constant 3 : i32
        %ge3A_236 = arith.cmpi sge, %scan3A_162, %ge3A : i32
        %not3A = arith.constant true
        %not3A_237 = arith.xori %ge3A_236, %not3A : i1
        %and3A_238 = arith.andi %or3A_235, %not3A_237 : i1
        %convert_element_type3A = arith.extui %and3A_238 : i1 to i32
        %cond3A = arith.constant 0 : i32
        %cond3A_239 = arith.cmpi ne, %convert_element_type3A, %cond3A : i32
        scf.if %cond3A_239 {
          "tpu.trace_start"() <{level = 10 : i32, message = "ep_copy_in"}> : () -> ()
          %rem3A_478 = arith.constant 2 : i32
          %rem3A_479 = arith.remui %scan3A_163, %rem3A_478 : i32
          %jit3A_480 = arith.constant 64 : i32
          %eq3A_481 = arith.constant 0 : i32
          %eq3A_482 = arith.cmpi eq, %jit3A_480, %eq3A_481 : i32
          %jit3A_483 = arith.constant 1 : i32
          %select_n3A_484 = arith.select %eq3A_482, %jit3A_483, %jit3A_480 : i32
          %rem3A_485 = arith.remsi %add3A_190, %select_n3A_484 : i32
          %ne3A_486 = arith.constant 0 : i32
          %ne3A_487 = arith.cmpi ne, %rem3A_485, %ne3A_486 : i32
          %lt3A_488 = arith.constant 0 : i32
          %lt3A_489 = arith.cmpi slt, %rem3A_485, %lt3A_488 : i32
          %lt3A_490 = arith.constant 0 : i32
          %lt3A_491 = arith.cmpi slt, %select_n3A_484, %lt3A_490 : i32
          %ne3A_492 = arith.xori %lt3A_489, %lt3A_491 : i1
          %and3A_493 = arith.andi %ne3A_492, %ne3A_487 : i1
          %add3A_494 = arith.addi %rem3A_485, %select_n3A_484 : i32
          %select_n3A_495 = arith.select %and3A_493, %add3A_494, %rem3A_485 : i32
          %mul3A_496 = arith.constant 256 : i32
          %mul3A_497 = arith.muli %mul3A_496, %select_n3A_495 : i32
          %dma_start3A_498 = arith.constant 0 : i32
          %dma_start3A_499 = arith.constant 0 : i32
          %dma_start3A_500 = tpu.memref_slice %run_scoped3A[%rem3A_479, %dma_start3A_498, %dma_start3A_499] : memref<2x256x128xf32, #tpu.memory_space<vmem>> -> memref<1x256x128xf32, #tpu.memory_space<vmem>>
          %dma_start3A_501 = tpu.memref_squeeze %dma_start3A_500 : memref<1x256x128xf32, #tpu.memory_space<vmem>> -> memref<256x128xf32, #tpu.memory_space<vmem>>
          %dma_start3A_502 = arith.constant 0 : i32
          %dma_start3A_503 = tpu.memref_slice %arg2[%mul3A_497, %dma_start3A_502] : memref<16384x128xf32, #tpu.memory_space<hbm>> -> memref<256x128xf32, #tpu.memory_space<hbm>>
          %dma_start3A_504 = tpu.memref_slice %run_scoped3A_26[%rem3A_479] : memref<2x!tpu.dma_semaphore, #tpu.memory_space<semaphore_mem>> -> memref<1x!tpu.dma_semaphore, #tpu.memory_space<semaphore_mem>>
          %dma_start3A_505 = tpu.memref_squeeze %dma_start3A_504 : memref<1x!tpu.dma_semaphore, #tpu.memory_space<semaphore_mem>> -> memref<!tpu.dma_semaphore, #tpu.memory_space<semaphore_mem>>
          %dma_start3A_506 = arith.constant 0 : i32
          %dma_start3A_507 = arith.constant 0 : i32
          %dma_start3A_508 = tpu.memref_slice %run_scoped3A[%rem3A_479, %dma_start3A_506, %dma_start3A_507] : memref<2x256x128xf32, #tpu.memory_space<vmem>> -> memref<1x256x128xf32, #tpu.memory_space<vmem>>
          %dma_start3A_509 = tpu.memref_squeeze %dma_start3A_508 : memref<1x256x128xf32, #tpu.memory_space<vmem>> -> memref<256x128xf32, #tpu.memory_space<vmem>>
          %dma_start3A_510 = arith.constant 0 : i32
          %dma_start3A_511 = tpu.memref_slice %arg2[%mul3A_497, %dma_start3A_510] : memref<16384x128xf32, #tpu.memory_space<hbm>> -> memref<256x128xf32, #tpu.memory_space<hbm>>
          tpu.enqueue_dma source(%dma_start3A_511 : memref<256x128xf32, #tpu.memory_space<hbm>>) target(%dma_start3A_509 : memref<256x128xf32, #tpu.memory_space<vmem>>) target_semaphore(%dma_start3A_505 : memref<!tpu.dma_semaphore, #tpu.memory_space<semaphore_mem>>)
          "tpu.trace_stop"() : () -> ()
        } else {
        }
        %and3A_240 = arith.constant true
        %and3A_241 = arith.andi %and3A_238, %and3A_240 : i1
        %add3A_242 = arith.constant 1 : i32
        %add3A_243 = arith.addi %scan3A_163, %add3A_242 : i32
        %select_n3A_244 = arith.select %and3A_241, %add3A_243, %scan3A_163 : i32
        %ne3A_245 = arith.cmpi ne, %add3A_172, %add3A_190 : i32
        %or3A_246 = arith.constant false
        %or3A_247 = arith.ori %or3A_246, %ne3A_245 : i1
        %ge3A_248 = arith.constant 3 : i32
        %ge3A_249 = arith.cmpi sge, %scan3A_162, %ge3A_248 : i32
        %not3A_250 = arith.constant true
        %not3A_251 = arith.xori %ge3A_249, %not3A_250 : i1
        %and3A_252 = arith.andi %or3A_247, %not3A_251 : i1
        %convert_element_type3A_253 = arith.extui %and3A_252 : i1 to i32
        %cond3A_254 = arith.constant 0 : i32
        %cond3A_255 = arith.cmpi ne, %convert_element_type3A_253, %cond3A_254 : i32
        scf.if %cond3A_255 {
          "tpu.trace_start"() <{level = 10 : i32, message = "ep_copy_in"}> : () -> ()
          %rem3A_478 = arith.constant 2 : i32
          %rem3A_479 = arith.remui %scan3A_165, %rem3A_478 : i32
          %mul3A_480 = arith.constant 256 : i32
          %mul3A_481 = arith.muli %mul3A_480, %add3A_190 : i32
          %dma_start3A_482 = arith.constant 0 : i32
          %dma_start3A_483 = arith.constant 0 : i32
          %dma_start3A_484 = tpu.memref_slice %run_scoped3A_27[%rem3A_479, %dma_start3A_482, %dma_start3A_483] : memref<2x1x256xi32, #tpu.memory_space<vmem>> -> memref<1x1x256xi32, #tpu.memory_space<vmem>>
          %dma_start3A_485 = tpu.memref_squeeze %dma_start3A_484 : memref<1x1x256xi32, #tpu.memory_space<vmem>> -> memref<1x256xi32, #tpu.memory_space<vmem>>
          %dma_start3A_486 = arith.constant 0 : i32
          %dma_start3A_487 = tpu.memref_slice %arg3[%dma_start3A_486, %mul3A_481] : memref<1x32768xi32, #tpu.memory_space<hbm>> -> memref<1x256xi32, #tpu.memory_space<hbm>>
          %dma_start3A_488 = tpu.memref_slice %run_scoped3A_28[%rem3A_479] : memref<2x!tpu.dma_semaphore, #tpu.memory_space<semaphore_mem>> -> memref<1x!tpu.dma_semaphore, #tpu.memory_space<semaphore_mem>>
          %dma_start3A_489 = tpu.memref_squeeze %dma_start3A_488 : memref<1x!tpu.dma_semaphore, #tpu.memory_space<semaphore_mem>> -> memref<!tpu.dma_semaphore, #tpu.memory_space<semaphore_mem>>
          %dma_start3A_490 = arith.constant 0 : i32
          %dma_start3A_491 = arith.constant 0 : i32
          %dma_start3A_492 = tpu.memref_slice %run_scoped3A_27[%rem3A_479, %dma_start3A_490, %dma_start3A_491] : memref<2x1x256xi32, #tpu.memory_space<vmem>> -> memref<1x1x256xi32, #tpu.memory_space<vmem>>
          %dma_start3A_493 = tpu.memref_squeeze %dma_start3A_492 : memref<1x1x256xi32, #tpu.memory_space<vmem>> -> memref<1x256xi32, #tpu.memory_space<vmem>>
          %dma_start3A_494 = arith.constant 0 : i32
          %dma_start3A_495 = tpu.memref_slice %arg3[%dma_start3A_494, %mul3A_481] : memref<1x32768xi32, #tpu.memory_space<hbm>> -> memref<1x256xi32, #tpu.memory_space<hbm>>
          tpu.enqueue_dma source(%dma_start3A_495 : memref<1x256xi32, #tpu.memory_space<hbm>>) target(%dma_start3A_493 : memref<1x256xi32, #tpu.memory_space<vmem>>) target_semaphore(%dma_start3A_489 : memref<!tpu.dma_semaphore, #tpu.memory_space<semaphore_mem>>)
          "tpu.trace_stop"() : () -> ()
        } else {
        }
        %and3A_256 = arith.constant true
        %and3A_257 = arith.andi %and3A_252, %and3A_256 : i1
        %add3A_258 = arith.constant 1 : i32
        %add3A_259 = arith.addi %scan3A_165, %add3A_258 : i32
        %select_n3A_260 = arith.select %and3A_257, %add3A_259, %scan3A_165 : i32
        %jit3A_261 = arith.constant 64 : i32
        %eq3A_262 = arith.constant 0 : i32
        %eq3A_263 = arith.cmpi eq, %jit3A_261, %eq3A_262 : i32
        %jit3A_264 = arith.constant 1 : i32
        %select_n3A_265 = arith.select %eq3A_263, %jit3A_264, %jit3A_261 : i32
        %rem3A_266 = arith.remsi %add3A_172, %select_n3A_265 : i32
        %ne3A_267 = arith.constant 0 : i32
        %ne3A_268 = arith.cmpi ne, %rem3A_266, %ne3A_267 : i32
        %lt3A_269 = arith.constant 0 : i32
        %lt3A_270 = arith.cmpi slt, %rem3A_266, %lt3A_269 : i32
        %lt3A_271 = arith.constant 0 : i32
        %lt3A_272 = arith.cmpi slt, %select_n3A_265, %lt3A_271 : i32
        %ne3A_273 = arith.xori %lt3A_270, %lt3A_272 : i1
        %and3A_274 = arith.andi %ne3A_273, %ne3A_268 : i1
        %add3A_275 = arith.addi %rem3A_266, %select_n3A_265 : i32
        %select_n3A_276 = arith.select %and3A_274, %add3A_275, %rem3A_266 : i32
        %jit3A_277 = arith.constant 64 : i32
        %eq3A_278 = arith.constant 0 : i32
        %eq3A_279 = arith.cmpi eq, %jit3A_277, %eq3A_278 : i32
        %jit3A_280 = arith.constant 1 : i32
        %select_n3A_281 = arith.select %eq3A_279, %jit3A_280, %jit3A_277 : i32
        %rem3A_282 = arith.remsi %add3A_181, %select_n3A_281 : i32
        %ne3A_283 = arith.constant 0 : i32
        %ne3A_284 = arith.cmpi ne, %rem3A_282, %ne3A_283 : i32
        %lt3A_285 = arith.constant 0 : i32
        %lt3A_286 = arith.cmpi slt, %rem3A_282, %lt3A_285 : i32
        %lt3A_287 = arith.constant 0 : i32
        %lt3A_288 = arith.cmpi slt, %select_n3A_281, %lt3A_287 : i32
        %ne3A_289 = arith.xori %lt3A_286, %lt3A_288 : i1
        %and3A_290 = arith.andi %ne3A_289, %ne3A_284 : i1
        %add3A_291 = arith.addi %rem3A_282, %select_n3A_281 : i32
        %select_n3A_292 = arith.select %and3A_290, %add3A_291, %rem3A_282 : i32
        %ne3A_293 = arith.cmpi ne, %select_n3A_276, %select_n3A_292 : i32
        %or3A_294 = arith.constant false
        %or3A_295 = arith.ori %or3A_294, %ne3A_293 : i1
        %or3A_296 = arith.constant false
        %or3A_297 = arith.ori %or3A_295, %or3A_296 : i1
        %or3A_298 = arith.ori %or3A_297, %eq3A_169 : i1
        %convert_element_type3A_299 = arith.extui %or3A_298 : i1 to i32
        %cond3A_300 = arith.constant 0 : i32
        %cond3A_301 = arith.cmpi ne, %convert_element_type3A_299, %cond3A_300 : i32
        scf.if %cond3A_301 {
          %jit3A_478 = arith.constant 64 : i32
          "tpu.trace_start"() <{level = 10 : i32, message = "ep_wait_in"}> : () -> ()
          %eq3A_479 = arith.constant 0 : i32
          %eq3A_480 = arith.cmpi eq, %jit3A_478, %eq3A_479 : i32
          %jit3A_481 = arith.constant 1 : i32
          %select_n3A_482 = arith.select %eq3A_480, %jit3A_481, %jit3A_478 : i32
          %rem3A_483 = arith.remsi %add3A_172, %select_n3A_482 : i32
          %ne3A_484 = arith.constant 0 : i32
          %ne3A_485 = arith.cmpi ne, %rem3A_483, %ne3A_484 : i32
          %lt3A_486 = arith.constant 0 : i32
          %lt3A_487 = arith.cmpi slt, %rem3A_483, %lt3A_486 : i32
          %lt3A_488 = arith.constant 0 : i32
          %lt3A_489 = arith.cmpi slt, %select_n3A_482, %lt3A_488 : i32
          %ne3A_490 = arith.xori %lt3A_487, %lt3A_489 : i1
          %and3A_491 = arith.andi %ne3A_490, %ne3A_485 : i1
          %add3A_492 = arith.addi %rem3A_483, %select_n3A_482 : i32
          %select_n3A_493 = arith.select %and3A_491, %add3A_492, %rem3A_483 : i32
          %mul3A_494 = arith.constant 256 : i32
          %mul3A_495 = arith.muli %mul3A_494, %select_n3A_493 : i32
          %rem3A_496 = arith.constant 2 : i32
          %rem3A_497 = arith.remui %scan3A_164, %rem3A_496 : i32
          %dma_wait3A = arith.constant 0 : i32
          %dma_wait3A_498 = arith.constant 0 : i32
          %dma_wait3A_499 = tpu.memref_slice %run_scoped3A[%rem3A_497, %dma_wait3A, %dma_wait3A_498] : memref<2x256x128xf32, #tpu.memory_space<vmem>> -> memref<1x256x128xf32, #tpu.memory_space<vmem>>
          %dma_wait3A_500 = tpu.memref_squeeze %dma_wait3A_499 : memref<1x256x128xf32, #tpu.memory_space<vmem>> -> memref<256x128xf32, #tpu.memory_space<vmem>>
          %dma_wait3A_501 = arith.constant 0 : i32
          %dma_wait3A_502 = tpu.memref_slice %arg2[%mul3A_495, %dma_wait3A_501] : memref<16384x128xf32, #tpu.memory_space<hbm>> -> memref<256x128xf32, #tpu.memory_space<hbm>>
          %dma_wait3A_503 = tpu.memref_slice %run_scoped3A_26[%rem3A_497] : memref<2x!tpu.dma_semaphore, #tpu.memory_space<semaphore_mem>> -> memref<1x!tpu.dma_semaphore, #tpu.memory_space<semaphore_mem>>
          %dma_wait3A_504 = tpu.memref_squeeze %dma_wait3A_503 : memref<1x!tpu.dma_semaphore, #tpu.memory_space<semaphore_mem>> -> memref<!tpu.dma_semaphore, #tpu.memory_space<semaphore_mem>>
          %dma_wait3A_505 = arith.constant 0 : i32
          %dma_wait3A_506 = arith.constant 0 : i32
          %dma_wait3A_507 = tpu.memref_slice %run_scoped3A[%rem3A_497, %dma_wait3A_505, %dma_wait3A_506] : memref<2x256x128xf32, #tpu.memory_space<vmem>> -> memref<1x256x128xf32, #tpu.memory_space<vmem>>
          %dma_wait3A_508 = tpu.memref_squeeze %dma_wait3A_507 : memref<1x256x128xf32, #tpu.memory_space<vmem>> -> memref<256x128xf32, #tpu.memory_space<vmem>>
          %dma_wait3A_509 = arith.constant 0 : i32
          %dma_wait3A_510 = tpu.memref_slice %arg2[%mul3A_495, %dma_wait3A_509] : memref<16384x128xf32, #tpu.memory_space<hbm>> -> memref<256x128xf32, #tpu.memory_space<hbm>>
          tpu.wait_dma2 semaphore(%dma_wait3A_504 : memref<!tpu.dma_semaphore, #tpu.memory_space<semaphore_mem>>) src(%dma_wait3A_510 : memref<256x128xf32, #tpu.memory_space<hbm>>) dst(%dma_wait3A_508 : memref<256x128xf32, #tpu.memory_space<vmem>>)
          "tpu.trace_stop"() : () -> ()
        } else {
        }
        %ne3A_302 = arith.cmpi ne, %add3A_172, %add3A_181 : i32
        %or3A_303 = arith.constant false
        %or3A_304 = arith.ori %or3A_303, %ne3A_302 : i1
        %or3A_305 = arith.ori %or3A_304, %eq3A_169 : i1
        %convert_element_type3A_306 = arith.extui %or3A_305 : i1 to i32
        %cond3A_307 = arith.constant 0 : i32
        %cond3A_308 = arith.cmpi ne, %convert_element_type3A_306, %cond3A_307 : i32
        scf.if %cond3A_308 {
          "tpu.trace_start"() <{level = 10 : i32, message = "ep_wait_in"}> : () -> ()
          %mul3A_478 = arith.constant 256 : i32
          %mul3A_479 = arith.muli %mul3A_478, %add3A_172 : i32
          %rem3A_480 = arith.constant 2 : i32
          %rem3A_481 = arith.remui %scan3A_166, %rem3A_480 : i32
          %dma_wait3A = arith.constant 0 : i32
          %dma_wait3A_482 = arith.constant 0 : i32
          %dma_wait3A_483 = tpu.memref_slice %run_scoped3A_27[%rem3A_481, %dma_wait3A, %dma_wait3A_482] : memref<2x1x256xi32, #tpu.memory_space<vmem>> -> memref<1x1x256xi32, #tpu.memory_space<vmem>>
          %dma_wait3A_484 = tpu.memref_squeeze %dma_wait3A_483 : memref<1x1x256xi32, #tpu.memory_space<vmem>> -> memref<1x256xi32, #tpu.memory_space<vmem>>
          %dma_wait3A_485 = arith.constant 0 : i32
          %dma_wait3A_486 = tpu.memref_slice %arg3[%dma_wait3A_485, %mul3A_479] : memref<1x32768xi32, #tpu.memory_space<hbm>> -> memref<1x256xi32, #tpu.memory_space<hbm>>
          %dma_wait3A_487 = tpu.memref_slice %run_scoped3A_28[%rem3A_481] : memref<2x!tpu.dma_semaphore, #tpu.memory_space<semaphore_mem>> -> memref<1x!tpu.dma_semaphore, #tpu.memory_space<semaphore_mem>>
          %dma_wait3A_488 = tpu.memref_squeeze %dma_wait3A_487 : memref<1x!tpu.dma_semaphore, #tpu.memory_space<semaphore_mem>> -> memref<!tpu.dma_semaphore, #tpu.memory_space<semaphore_mem>>
          %dma_wait3A_489 = arith.constant 0 : i32
          %dma_wait3A_490 = arith.constant 0 : i32
          %dma_wait3A_491 = tpu.memref_slice %run_scoped3A_27[%rem3A_481, %dma_wait3A_489, %dma_wait3A_490] : memref<2x1x256xi32, #tpu.memory_space<vmem>> -> memref<1x1x256xi32, #tpu.memory_space<vmem>>
          %dma_wait3A_492 = tpu.memref_squeeze %dma_wait3A_491 : memref<1x1x256xi32, #tpu.memory_space<vmem>> -> memref<1x256xi32, #tpu.memory_space<vmem>>
          %dma_wait3A_493 = arith.constant 0 : i32
          %dma_wait3A_494 = tpu.memref_slice %arg3[%dma_wait3A_493, %mul3A_479] : memref<1x32768xi32, #tpu.memory_space<hbm>> -> memref<1x256xi32, #tpu.memory_space<hbm>>
          tpu.wait_dma2 semaphore(%dma_wait3A_488 : memref<!tpu.dma_semaphore, #tpu.memory_space<semaphore_mem>>) src(%dma_wait3A_494 : memref<1x256xi32, #tpu.memory_space<hbm>>) dst(%dma_wait3A_492 : memref<1x256xi32, #tpu.memory_space<vmem>>)
          "tpu.trace_stop"() : () -> ()
        } else {
        }
        %rem3A_309 = arith.constant 2 : i32
        %rem3A_310 = arith.remui %scan3A_164, %rem3A_309 : i32
        %rem3A_311 = arith.constant 2 : i32
        %rem3A_312 = arith.remui %scan3A_166, %rem3A_311 : i32
        %run_scoped3A_313 = arith.constant 0 : i32
        "tpu.trace_start"() <{level = 10 : i32, message = "ep_run_kernel"}> : () -> ()
        "tpu.region"() ({
          %run_scoped3A_478 = tpu.sem_alloc : memref<!tpu.dma_semaphore, #tpu.memory_space<semaphore_mem>>
          %dma_start3A_479 = arith.constant 0 : i32
          %dma_start3A_480 = arith.constant 0 : i32
          %dma_start3A_481 = tpu.memref_slice %run_scoped3A[%rem3A_310, %dma_start3A_479, %dma_start3A_480] : memref<2x256x128xf32, #tpu.memory_space<vmem>> -> memref<1x256x128xf32, #tpu.memory_space<vmem>>
          %dma_start3A_482 = tpu.memref_squeeze %dma_start3A_481 : memref<1x256x128xf32, #tpu.memory_space<vmem>> -> memref<256x128xf32, #tpu.memory_space<vmem>>
          %dma_start3A_483 = arith.constant 0 : i32
          %dma_start3A_484 = arith.constant 0 : i32
          %dma_start3A_485 = tpu.memref_slice %run_scoped3A_27[%rem3A_312, %dma_start3A_483, %dma_start3A_484] : memref<2x1x256xi32, #tpu.memory_space<vmem>> -> memref<1x1x256xi32, #tpu.memory_space<vmem>>
          %dma_start3A_486 = tpu.memref_squeeze %dma_start3A_485 : memref<1x1x256xi32, #tpu.memory_space<vmem>> -> memref<1x256xi32, #tpu.memory_space<vmem>>
          %dma_start3A_487 = arith.constant 0 : i32
          %dma_start3A_488 = tpu.memref_slice %dma_start3A_486[%run_scoped3A_313, %dma_start3A_487] : memref<1x256xi32, #tpu.memory_space<vmem>> -> memref<1x256xi32, #tpu.memory_space<vmem>>
          %dma_start3A_489 = tpu.memref_squeeze %dma_start3A_488 : memref<1x256xi32, #tpu.memory_space<vmem>> -> memref<256xi32, #tpu.memory_space<vmem>>
          %dma_start3A_490 = arith.constant 0 : i32
          %dma_start3A_491 = arith.constant 0 : i32
          %dma_start3A_492 = tpu.memref_slice %arg6[%dma_start3A_490, %dma_start3A_491] : memref<47104x128xf32, #tpu.memory_space<hbm>> -> memref<47104x128xf32, #tpu.memory_space<hbm>>
          tpu.enqueue_indirect_dma source(%dma_start3A_482 : memref<256x128xf32, #tpu.memory_space<vmem>>) target(%dma_start3A_492 : memref<47104x128xf32, #tpu.memory_space<hbm>>) offsets(%dma_start3A_489 : memref<256xi32, #tpu.memory_space<vmem>>) semaphore(%run_scoped3A_478 : memref<!tpu.dma_semaphore, #tpu.memory_space<semaphore_mem>>)
          %dma_wait3A = arith.constant 0 : i32
          %dma_wait3A_493 = arith.constant 0 : i32
          %dma_wait3A_494 = tpu.memref_slice %run_scoped3A[%rem3A_310, %dma_wait3A, %dma_wait3A_493] : memref<2x256x128xf32, #tpu.memory_space<vmem>> -> memref<1x256x128xf32, #tpu.memory_space<vmem>>
          %dma_wait3A_495 = tpu.memref_squeeze %dma_wait3A_494 : memref<1x256x128xf32, #tpu.memory_space<vmem>> -> memref<256x128xf32, #tpu.memory_space<vmem>>
          %dma_wait3A_496 = arith.constant 0 : i32
          %dma_wait3A_497 = arith.constant 0 : i32
          %dma_wait3A_498 = tpu.memref_slice %run_scoped3A_27[%rem3A_312, %dma_wait3A_496, %dma_wait3A_497] : memref<2x1x256xi32, #tpu.memory_space<vmem>> -> memref<1x1x256xi32, #tpu.memory_space<vmem>>
          %dma_wait3A_499 = tpu.memref_squeeze %dma_wait3A_498 : memref<1x1x256xi32, #tpu.memory_space<vmem>> -> memref<1x256xi32, #tpu.memory_space<vmem>>
          %dma_wait3A_500 = arith.constant 0 : i32
          %dma_wait3A_501 = tpu.memref_slice %dma_wait3A_499[%run_scoped3A_313, %dma_wait3A_500] : memref<1x256xi32, #tpu.memory_space<vmem>> -> memref<1x256xi32, #tpu.memory_space<vmem>>
          %dma_wait3A_502 = tpu.memref_squeeze %dma_wait3A_501 : memref<1x256xi32, #tpu.memory_space<vmem>> -> memref<256xi32, #tpu.memory_space<vmem>>
          %dma_wait3A_503 = arith.constant 0 : i32
          %dma_wait3A_504 = arith.constant 0 : i32
          %dma_wait3A_505 = tpu.memref_slice %arg6[%dma_wait3A_503, %dma_wait3A_504] : memref<47104x128xf32, #tpu.memory_space<hbm>> -> memref<47104x128xf32, #tpu.memory_space<hbm>>
          tpu.wait_indirect_dma semaphore(%run_scoped3A_478 : memref<!tpu.dma_semaphore, #tpu.memory_space<semaphore_mem>>) src(%dma_wait3A_495 : memref<256x128xf32, #tpu.memory_space<vmem>>) dst(%dma_wait3A_505 : memref<47104x128xf32, #tpu.memory_space<hbm>>)
          tpu.yield
        }) : () -> ()
        %jit3A_314 = arith.constant 64 : i32
        "tpu.trace_stop"() : () -> ()
        %eq3A_315 = arith.constant 0 : i32
        %eq3A_316 = arith.cmpi eq, %jit3A_314, %eq3A_315 : i32
        %jit3A_317 = arith.constant 1 : i32
        %select_n3A_318 = arith.select %eq3A_316, %jit3A_317, %jit3A_314 : i32
        %rem3A_319 = arith.remsi %add3A_172, %select_n3A_318 : i32
        %ne3A_320 = arith.constant 0 : i32
        %ne3A_321 = arith.cmpi ne, %rem3A_319, %ne3A_320 : i32
        %lt3A_322 = arith.constant 0 : i32
        %lt3A_323 = arith.cmpi slt, %rem3A_319, %lt3A_322 : i32
        %lt3A_324 = arith.constant 0 : i32
        %lt3A_325 = arith.cmpi slt, %select_n3A_318, %lt3A_324 : i32
        %ne3A_326 = arith.xori %lt3A_323, %lt3A_325 : i1
        %and3A_327 = arith.andi %ne3A_326, %ne3A_321 : i1
        %add3A_328 = arith.addi %rem3A_319, %select_n3A_318 : i32
        %select_n3A_329 = arith.select %and3A_327, %add3A_328, %rem3A_319 : i32
        %jit3A_330 = arith.constant 64 : i32
        %eq3A_331 = arith.constant 0 : i32
        %eq3A_332 = arith.cmpi eq, %jit3A_330, %eq3A_331 : i32
        %jit3A_333 = arith.constant 1 : i32
        %select_n3A_334 = arith.select %eq3A_332, %jit3A_333, %jit3A_330 : i32
        %rem3A_335 = arith.remsi %add3A_190, %select_n3A_334 : i32
        %ne3A_336 = arith.constant 0 : i32
        %ne3A_337 = arith.cmpi ne, %rem3A_335, %ne3A_336 : i32
        %lt3A_338 = arith.constant 0 : i32
        %lt3A_339 = arith.cmpi slt, %rem3A_335, %lt3A_338 : i32
        %lt3A_340 = arith.constant 0 : i32
        %lt3A_341 = arith.cmpi slt, %select_n3A_334, %lt3A_340 : i32
        %ne3A_342 = arith.xori %lt3A_339, %lt3A_341 : i1
        %and3A_343 = arith.andi %ne3A_342, %ne3A_337 : i1
        %add3A_344 = arith.addi %rem3A_335, %select_n3A_334 : i32
        %select_n3A_345 = arith.select %and3A_343, %add3A_344, %rem3A_335 : i32
        %ne3A_346 = arith.cmpi ne, %select_n3A_329, %select_n3A_345 : i32
        %or3A_347 = arith.constant false
        %or3A_348 = arith.ori %or3A_347, %ne3A_346 : i1
        %or3A_349 = arith.constant false
        %or3A_350 = arith.ori %or3A_348, %or3A_349 : i1
        %or3A_351 = arith.ori %or3A_350, %eq3A_171 : i1
        %convert_element_type3A_352 = arith.extui %or3A_351 : i1 to i32
        %cond3A_353 = arith.constant 0 : i32
        %cond3A_354 = arith.cmpi ne, %convert_element_type3A_352, %cond3A_353 : i32
        scf.if %cond3A_354 {
        } else {
        }
        %and3A_355 = arith.constant false
        %and3A_356 = arith.andi %or3A_351, %and3A_355 : i1
        %ne3A_357 = arith.cmpi ne, %add3A_172, %add3A_190 : i32
        %or3A_358 = arith.constant false
        %or3A_359 = arith.ori %or3A_358, %ne3A_357 : i1
        %or3A_360 = arith.ori %or3A_359, %eq3A_171 : i1
        %convert_element_type3A_361 = arith.extui %or3A_360 : i1 to i32
        %cond3A_362 = arith.constant 0 : i32
        %cond3A_363 = arith.cmpi ne, %convert_element_type3A_361, %cond3A_362 : i32
        scf.if %cond3A_363 {
        } else {
        }
        %and3A_364 = arith.constant false
        %and3A_365 = arith.andi %or3A_360, %and3A_364 : i1
        %jit3A_366 = arith.constant 64 : i32
        %eq3A_367 = arith.constant 0 : i32
        %eq3A_368 = arith.cmpi eq, %jit3A_366, %eq3A_367 : i32
        %jit3A_369 = arith.constant 1 : i32
        %select_n3A_370 = arith.select %eq3A_368, %jit3A_369, %jit3A_366 : i32
        %rem3A_371 = arith.remsi %add3A_172, %select_n3A_370 : i32
        %ne3A_372 = arith.constant 0 : i32
        %ne3A_373 = arith.cmpi ne, %rem3A_371, %ne3A_372 : i32
        %lt3A_374 = arith.constant 0 : i32
        %lt3A_375 = arith.cmpi slt, %rem3A_371, %lt3A_374 : i32
        %lt3A_376 = arith.constant 0 : i32
        %lt3A_377 = arith.cmpi slt, %select_n3A_370, %lt3A_376 : i32
        %ne3A_378 = arith.xori %lt3A_375, %lt3A_377 : i1
        %and3A_379 = arith.andi %ne3A_378, %ne3A_373 : i1
        %add3A_380 = arith.addi %rem3A_371, %select_n3A_370 : i32
        %select_n3A_381 = arith.select %and3A_379, %add3A_380, %rem3A_371 : i32
        %jit3A_382 = arith.constant 64 : i32
        %eq3A_383 = arith.constant 0 : i32
        %eq3A_384 = arith.cmpi eq, %jit3A_382, %eq3A_383 : i32
        %jit3A_385 = arith.constant 1 : i32
        %select_n3A_386 = arith.select %eq3A_384, %jit3A_385, %jit3A_382 : i32
        %rem3A_387 = arith.remsi %add3A_181, %select_n3A_386 : i32
        %ne3A_388 = arith.constant 0 : i32
        %ne3A_389 = arith.cmpi ne, %rem3A_387, %ne3A_388 : i32
        %lt3A_390 = arith.constant 0 : i32
        %lt3A_391 = arith.cmpi slt, %rem3A_387, %lt3A_390 : i32
        %lt3A_392 = arith.constant 0 : i32
        %lt3A_393 = arith.cmpi slt, %select_n3A_386, %lt3A_392 : i32
        %ne3A_394 = arith.xori %lt3A_391, %lt3A_393 : i1
        %and3A_395 = arith.andi %ne3A_394, %ne3A_389 : i1
        %add3A_396 = arith.addi %rem3A_387, %select_n3A_386 : i32
        %select_n3A_397 = arith.select %and3A_395, %add3A_396, %rem3A_387 : i32
        %ne3A_398 = arith.cmpi ne, %select_n3A_381, %select_n3A_397 : i32
        %or3A_399 = arith.constant false
        %or3A_400 = arith.ori %or3A_399, %ne3A_398 : i1
        %or3A_401 = arith.constant false
        %or3A_402 = arith.ori %or3A_400, %or3A_401 : i1
        %not3A_403 = arith.constant true
        %not3A_404 = arith.xori %eq3A_169, %not3A_403 : i1
        %and3A_405 = arith.andi %or3A_402, %not3A_404 : i1
        %convert_element_type3A_406 = arith.extui %and3A_405 : i1 to i32
        %cond3A_407 = arith.constant 0 : i32
        %cond3A_408 = arith.cmpi ne, %convert_element_type3A_406, %cond3A_407 : i32
        scf.if %cond3A_408 {
        } else {
        }
        %and3A_409 = arith.constant false
        %and3A_410 = arith.andi %and3A_405, %and3A_409 : i1
        %ne3A_411 = arith.cmpi ne, %add3A_172, %add3A_181 : i32
        %or3A_412 = arith.constant false
        %or3A_413 = arith.ori %or3A_412, %ne3A_411 : i1
        %not3A_414 = arith.constant true
        %not3A_415 = arith.xori %eq3A_169, %not3A_414 : i1
        %and3A_416 = arith.andi %or3A_413, %not3A_415 : i1
        %convert_element_type3A_417 = arith.extui %and3A_416 : i1 to i32
        %cond3A_418 = arith.constant 0 : i32
        %cond3A_419 = arith.cmpi ne, %convert_element_type3A_417, %cond3A_418 : i32
        scf.if %cond3A_419 {
        } else {
        }
        %and3A_420 = arith.constant false
        %and3A_421 = arith.andi %and3A_416, %and3A_420 : i1
        %jit3A_422 = arith.constant 64 : i32
        %eq3A_423 = arith.constant 0 : i32
        %eq3A_424 = arith.cmpi eq, %jit3A_422, %eq3A_423 : i32
        %jit3A_425 = arith.constant 1 : i32
        %select_n3A_426 = arith.select %eq3A_424, %jit3A_425, %jit3A_422 : i32
        %rem3A_427 = arith.remsi %add3A_172, %select_n3A_426 : i32
        %ne3A_428 = arith.constant 0 : i32
        %ne3A_429 = arith.cmpi ne, %rem3A_427, %ne3A_428 : i32
        %lt3A_430 = arith.constant 0 : i32
        %lt3A_431 = arith.cmpi slt, %rem3A_427, %lt3A_430 : i32
        %lt3A_432 = arith.constant 0 : i32
        %lt3A_433 = arith.cmpi slt, %select_n3A_426, %lt3A_432 : i32
        %ne3A_434 = arith.xori %lt3A_431, %lt3A_433 : i1
        %and3A_435 = arith.andi %ne3A_434, %ne3A_429 : i1
        %add3A_436 = arith.addi %rem3A_427, %select_n3A_426 : i32
        %select_n3A_437 = arith.select %and3A_435, %add3A_436, %rem3A_427 : i32
        %jit3A_438 = arith.constant 64 : i32
        %eq3A_439 = arith.constant 0 : i32
        %eq3A_440 = arith.cmpi eq, %jit3A_438, %eq3A_439 : i32
        %jit3A_441 = arith.constant 1 : i32
        %select_n3A_442 = arith.select %eq3A_440, %jit3A_441, %jit3A_438 : i32
        %rem3A_443 = arith.remsi %add3A_190, %select_n3A_442 : i32
        %ne3A_444 = arith.constant 0 : i32
        %ne3A_445 = arith.cmpi ne, %rem3A_443, %ne3A_444 : i32
        %lt3A_446 = arith.constant 0 : i32
        %lt3A_447 = arith.cmpi slt, %rem3A_443, %lt3A_446 : i32
        %lt3A_448 = arith.constant 0 : i32
        %lt3A_449 = arith.cmpi slt, %select_n3A_442, %lt3A_448 : i32
        %ne3A_450 = arith.xori %lt3A_447, %lt3A_449 : i1
        %and3A_451 = arith.andi %ne3A_450, %ne3A_445 : i1
        %add3A_452 = arith.addi %rem3A_443, %select_n3A_442 : i32
        %select_n3A_453 = arith.select %and3A_451, %add3A_452, %rem3A_443 : i32
        %ne3A_454 = arith.cmpi ne, %select_n3A_437, %select_n3A_453 : i32
        %or3A_455 = arith.constant false
        %or3A_456 = arith.ori %or3A_455, %ne3A_454 : i1
        %or3A_457 = arith.constant false
        %or3A_458 = arith.ori %or3A_456, %or3A_457 : i1
        %or3A_459 = arith.ori %or3A_458, %eq3A_171 : i1
        %add3A_460 = arith.constant 1 : i32
        %add3A_461 = arith.addi %scan3A_164, %add3A_460 : i32
        %select_n3A_462 = arith.select %or3A_459, %add3A_461, %scan3A_164 : i32
        %ne3A_463 = arith.cmpi ne, %add3A_172, %add3A_190 : i32
        %or3A_464 = arith.constant false
        %or3A_465 = arith.ori %or3A_464, %ne3A_463 : i1
        %or3A_466 = arith.ori %or3A_465, %eq3A_171 : i1
        %add3A_467 = arith.constant 1 : i32
        %add3A_468 = arith.addi %scan3A_166, %add3A_467 : i32
        %select_n3A_469 = arith.select %or3A_466, %add3A_468, %scan3A_166 : i32
        %add3A_470 = arith.constant 1 : i32
        %add3A_471 = arith.addi %scan3A_167, %add3A_470 : i32
        %select_n3A_472 = arith.constant true
        %select_n3A_473 = arith.select %select_n3A_472, %add3A_471, %scan3A_167 : i32
        %eq3A_474 = arith.constant 4 : i32
        %eq3A_475 = arith.cmpi eq, %select_n3A_473, %eq3A_474 : i32
        %select_n3A_476 = arith.constant 0 : i32
        %select_n3A_477 = arith.select %eq3A_475, %select_n3A_476, %select_n3A_473 : i32
        scf.yield %select_n3A_244, %select_n3A_462, %select_n3A_260, %select_n3A_469, %select_n3A_477 : i32, i32, i32, i32, i32
      }
      %scan3A_126 = arith.constant 4 : i32
      %sub3A = arith.constant 1 : i32
      %sub3A_127 = arith.subi %scan3A_125#4, %sub3A : i32
      %select_n3A_128 = arith.constant true
      %select_n3A_129 = arith.select %select_n3A_128, %sub3A_127, %scan3A_125#4 : i32
      %eq3A_130 = arith.constant -1 : i32
      %eq3A_131 = arith.cmpi eq, %select_n3A_129, %eq3A_130 : i32
      %select_n3A_132 = arith.constant 3 : i32
      %select_n3A_133 = arith.select %eq3A_131, %select_n3A_132, %select_n3A_129 : i32
      %add3A_134 = arith.addi %select_n3A_133, %mul3A_6 : i32
      %sub3A_135 = arith.constant 1 : i32
      %sub3A_136 = arith.subi %select_n3A_133, %sub3A_135 : i32
      %select_n3A_137 = arith.constant true
      %select_n3A_138 = arith.select %select_n3A_137, %sub3A_136, %select_n3A_133 : i32
      %eq3A_139 = arith.constant -1 : i32
      %eq3A_140 = arith.cmpi eq, %select_n3A_138, %eq3A_139 : i32
      %select_n3A_141 = arith.constant 3 : i32
      %select_n3A_142 = arith.select %eq3A_140, %select_n3A_141, %select_n3A_138 : i32
      %add3A_143 = arith.addi %select_n3A_142, %mul3A_6 : i32
      %add3A_144 = arith.constant 1 : i32
      %add3A_145 = arith.addi %select_n3A_133, %add3A_144 : i32
      %select_n3A_146 = arith.constant true
      %select_n3A_147 = arith.select %select_n3A_146, %add3A_145, %select_n3A_133 : i32
      %eq3A_148 = arith.constant 4 : i32
      %eq3A_149 = arith.cmpi eq, %select_n3A_147, %eq3A_148 : i32
      %select_n3A_150 = arith.constant 0 : i32
      %select_n3A_151 = arith.select %eq3A_149, %select_n3A_150, %select_n3A_147 : i32
      %add3A_152 = arith.addi %select_n3A_151, %mul3A_6 : i32
      %add3A_153 = arith.constant 1 : i32
      %add3A_154 = arith.addi %select_n3A_151, %add3A_153 : i32
      %select_n3A_155 = arith.constant true
      %select_n3A_156 = arith.select %select_n3A_155, %add3A_154, %select_n3A_151 : i32
      %eq3A_157 = arith.constant 4 : i32
      %eq3A_158 = arith.cmpi eq, %select_n3A_156, %eq3A_157 : i32
      %select_n3A_159 = arith.constant 0 : i32
      %select_n3A_160 = arith.select %eq3A_158, %select_n3A_159, %select_n3A_156 : i32
      %add3A_161 = arith.addi %select_n3A_160, %mul3A_6 : i32
      tpu.yield
    }) : () -> ()
    %mul3A_7 = arith.constant 1 : i32
    %mul3A_8 = arith.muli %arg1, %mul3A_7 : i32
    %add3A_9 = arith.constant 0 : i32
    %add3A_10 = arith.addi %add3A_9, %mul3A_8 : i32
    %mul3A_11 = arith.constant 16 : i32
    %mul3A_12 = arith.muli %arg0, %mul3A_11 : i32
    %add3A_13 = arith.addi %add3A_10, %mul3A_12 : i32
    %lt3A = arith.constant 16 : i32
    %lt3A_14 = arith.cmpi slt, %add3A_13, %lt3A : i32
    %jit3A = arith.constant 1 : i32
    %jit3A_15 = arith.constant 0 : i32
    %select_n3A = arith.select %lt3A_14, %jit3A, %jit3A_15 : i32
    %lt3A_16 = arith.constant 16 : i32
    %lt3A_17 = arith.cmpi slt, %add3A_13, %lt3A_16 : i32
    %mul3A_18 = arith.muli %add3A_13, %select_n3A : i32
    %mul3A_19 = arith.constant 0 : i32
    %mul3A_20 = arith.muli %add3A_13, %mul3A_19 : i32
    %add3A_21 = arith.constant 16 : i32
    %add3A_22 = arith.addi %mul3A_20, %add3A_21 : i32
    %select_n3A_23 = arith.select %lt3A_17, %mul3A_18, %add3A_22 : i32
    %mul3A_24 = arith.constant 1 : i32
    %mul3A_25 = arith.muli %mul3A_24, %select_n3A : i32
    "tpu.region"() ({
      %run_scoped3A = memref.alloca() : memref<2x256x128xf32, #tpu.memory_space<vmem>>
      %run_scoped3A_26 = tpu.sem_alloc : memref<2x!tpu.dma_semaphore, #tpu.memory_space<semaphore_mem>>
      %run_scoped3A_27 = memref.alloca() : memref<2x1x256xi32, #tpu.memory_space<vmem>>
      %run_scoped3A_28 = tpu.sem_alloc : memref<2x!tpu.dma_semaphore, #tpu.memory_space<semaphore_mem>>
      %gt3A = arith.constant 0 : i32
      %gt3A_29 = arith.cmpi sgt, %mul3A_25, %gt3A : i32
      %convert_element_type3A = arith.extui %gt3A_29 : i1 to i32
      %cond3A = arith.constant 0 : i32
      %cond3A_30 = arith.cmpi ne, %convert_element_type3A, %cond3A : i32
      scf.if %cond3A_30 {
        %mul3A_31 = arith.constant 1 : i32
        %mul3A_32 = arith.muli %mul3A_31, %select_n3A : i32
        %sub3A = arith.constant 1 : i32
        %sub3A_33 = arith.subi %mul3A_32, %sub3A : i32
        %eq3A = arith.constant 0 : i32
        %eq3A_34 = arith.cmpi eq, %sub3A_33, %eq3A : i32
        %add3A_35 = arith.constant 0 : i32
        %add3A_36 = arith.addi %add3A_35, %select_n3A_23 : i32
        %select_n3A_37 = arith.constant true
        %select_n3A_38 = arith.constant 0 : i32
        %select_n3A_39 = arith.constant -1 : i32
        %select_n3A_40 = arith.select %select_n3A_37, %select_n3A_39, %select_n3A_38 : i32
        %eq3A_41 = arith.constant -1 : i32
        %eq3A_42 = arith.cmpi eq, %select_n3A_40, %eq3A_41 : i32
        %sub3A_43 = arith.constant 1 : i32
        %sub3A_44 = arith.subi %select_n3A, %sub3A_43 : i32
        %select_n3A_45 = arith.select %eq3A_42, %sub3A_44, %select_n3A_40 : i32
        %add3A_46 = arith.addi %select_n3A_45, %select_n3A_23 : i32
        %select_n3A_47 = arith.constant true
        %select_n3A_48 = arith.constant 0 : i32
        %select_n3A_49 = arith.constant 1 : i32
        %select_n3A_50 = arith.select %select_n3A_47, %select_n3A_49, %select_n3A_48 : i32
        %eq3A_51 = arith.cmpi eq, %select_n3A_50, %select_n3A : i32
        %select_n3A_52 = arith.constant 0 : i32
        %select_n3A_53 = arith.select %eq3A_51, %select_n3A_52, %select_n3A_50 : i32
        %add3A_54 = arith.addi %select_n3A_53, %select_n3A_23 : i32
        %add3A_55 = arith.constant 1 : i32
        %add3A_56 = arith.addi %select_n3A_53, %add3A_55 : i32
        %select_n3A_57 = arith.constant true
        %select_n3A_58 = arith.select %select_n3A_57, %add3A_56, %select_n3A_53 : i32
        %eq3A_59 = arith.cmpi eq, %select_n3A_58, %select_n3A : i32
        %select_n3A_60 = arith.constant 0 : i32
        %select_n3A_61 = arith.select %eq3A_59, %select_n3A_60, %select_n3A_58 : i32
        %add3A_62 = arith.addi %select_n3A_61, %select_n3A_23 : i32
        "tpu.trace_start"() <{level = 10 : i32, message = "ep_initialize_0"}> : () -> ()
        %rem3A = arith.constant 0 : i32
        %rem3A_63 = arith.constant 2 : i32
        %rem3A_64 = arith.remui %rem3A, %rem3A_63 : i32
        %mul3A_65 = arith.constant 256 : i32
        %mul3A_66 = arith.muli %mul3A_65, %add3A_36 : i32
        %dma_start3A = arith.constant 0 : i32
        %dma_start3A_67 = arith.constant 0 : i32
        %dma_start3A_68 = tpu.memref_slice %run_scoped3A[%rem3A_64, %dma_start3A, %dma_start3A_67] : memref<2x256x128xf32, #tpu.memory_space<vmem>> -> memref<1x256x128xf32, #tpu.memory_space<vmem>>
        %dma_start3A_69 = tpu.memref_squeeze %dma_start3A_68 : memref<1x256x128xf32, #tpu.memory_space<vmem>> -> memref<256x128xf32, #tpu.memory_space<vmem>>
        %dma_start3A_70 = arith.constant 0 : i32
        %dma_start3A_71 = tpu.memref_slice %arg5[%mul3A_66, %dma_start3A_70] : memref<4096x128xf32, #tpu.memory_space<hbm>> -> memref<256x128xf32, #tpu.memory_space<hbm>>
        %dma_start3A_72 = tpu.memref_slice %run_scoped3A_26[%rem3A_64] : memref<2x!tpu.dma_semaphore, #tpu.memory_space<semaphore_mem>> -> memref<1x!tpu.dma_semaphore, #tpu.memory_space<semaphore_mem>>
        %dma_start3A_73 = tpu.memref_squeeze %dma_start3A_72 : memref<1x!tpu.dma_semaphore, #tpu.memory_space<semaphore_mem>> -> memref<!tpu.dma_semaphore, #tpu.memory_space<semaphore_mem>>
        %dma_start3A_74 = arith.constant 0 : i32
        %dma_start3A_75 = arith.constant 0 : i32
        %dma_start3A_76 = tpu.memref_slice %run_scoped3A[%rem3A_64, %dma_start3A_74, %dma_start3A_75] : memref<2x256x128xf32, #tpu.memory_space<vmem>> -> memref<1x256x128xf32, #tpu.memory_space<vmem>>
        %dma_start3A_77 = tpu.memref_squeeze %dma_start3A_76 : memref<1x256x128xf32, #tpu.memory_space<vmem>> -> memref<256x128xf32, #tpu.memory_space<vmem>>
        %dma_start3A_78 = arith.constant 0 : i32
        %dma_start3A_79 = tpu.memref_slice %arg5[%mul3A_66, %dma_start3A_78] : memref<4096x128xf32, #tpu.memory_space<hbm>> -> memref<256x128xf32, #tpu.memory_space<hbm>>
        tpu.enqueue_dma source(%dma_start3A_79 : memref<256x128xf32, #tpu.memory_space<hbm>>) target(%dma_start3A_77 : memref<256x128xf32, #tpu.memory_space<vmem>>) target_semaphore(%dma_start3A_73 : memref<!tpu.dma_semaphore, #tpu.memory_space<semaphore_mem>>)
        %add3A_80 = arith.constant 0 : i32
        %add3A_81 = arith.constant 1 : i32
        %add3A_82 = arith.addi %add3A_80, %add3A_81 : i32
        %select_n3A_83 = arith.constant true
        %select_n3A_84 = arith.constant 0 : i32
        %select_n3A_85 = arith.select %select_n3A_83, %add3A_82, %select_n3A_84 : i32
        %rem3A_86 = arith.constant 0 : i32
        %rem3A_87 = arith.constant 2 : i32
        %rem3A_88 = arith.remui %rem3A_86, %rem3A_87 : i32
        %mul3A_89 = arith.constant 256 : i32
        %mul3A_90 = arith.muli %mul3A_89, %add3A_36 : i32
        %dma_start3A_91 = arith.constant 0 : i32
        %dma_start3A_92 = arith.constant 0 : i32
        %dma_start3A_93 = tpu.memref_slice %run_scoped3A_27[%rem3A_88, %dma_start3A_91, %dma_start3A_92] : memref<2x1x256xi32, #tpu.memory_space<vmem>> -> memref<1x1x256xi32, #tpu.memory_space<vmem>>
        %dma_start3A_94 = tpu.memref_squeeze %dma_start3A_93 : memref<1x1x256xi32, #tpu.memory_space<vmem>> -> memref<1x256xi32, #tpu.memory_space<vmem>>
        %dma_start3A_95 = arith.constant 0 : i32
        %dma_start3A_96 = tpu.memref_slice %arg4[%dma_start3A_95, %mul3A_90] : memref<1x4096xi32, #tpu.memory_space<hbm>> -> memref<1x256xi32, #tpu.memory_space<hbm>>
        %dma_start3A_97 = tpu.memref_slice %run_scoped3A_28[%rem3A_88] : memref<2x!tpu.dma_semaphore, #tpu.memory_space<semaphore_mem>> -> memref<1x!tpu.dma_semaphore, #tpu.memory_space<semaphore_mem>>
        %dma_start3A_98 = tpu.memref_squeeze %dma_start3A_97 : memref<1x!tpu.dma_semaphore, #tpu.memory_space<semaphore_mem>> -> memref<!tpu.dma_semaphore, #tpu.memory_space<semaphore_mem>>
        %dma_start3A_99 = arith.constant 0 : i32
        %dma_start3A_100 = arith.constant 0 : i32
        %dma_start3A_101 = tpu.memref_slice %run_scoped3A_27[%rem3A_88, %dma_start3A_99, %dma_start3A_100] : memref<2x1x256xi32, #tpu.memory_space<vmem>> -> memref<1x1x256xi32, #tpu.memory_space<vmem>>
        %dma_start3A_102 = tpu.memref_squeeze %dma_start3A_101 : memref<1x1x256xi32, #tpu.memory_space<vmem>> -> memref<1x256xi32, #tpu.memory_space<vmem>>
        %dma_start3A_103 = arith.constant 0 : i32
        %dma_start3A_104 = tpu.memref_slice %arg4[%dma_start3A_103, %mul3A_90] : memref<1x4096xi32, #tpu.memory_space<hbm>> -> memref<1x256xi32, #tpu.memory_space<hbm>>
        tpu.enqueue_dma source(%dma_start3A_104 : memref<1x256xi32, #tpu.memory_space<hbm>>) target(%dma_start3A_102 : memref<1x256xi32, #tpu.memory_space<vmem>>) target_semaphore(%dma_start3A_98 : memref<!tpu.dma_semaphore, #tpu.memory_space<semaphore_mem>>)
        %add3A_105 = arith.constant 0 : i32
        %add3A_106 = arith.constant 1 : i32
        %add3A_107 = arith.addi %add3A_105, %add3A_106 : i32
        %select_n3A_108 = arith.constant true
        %select_n3A_109 = arith.constant 0 : i32
        %select_n3A_110 = arith.select %select_n3A_108, %add3A_107, %select_n3A_109 : i32
        %while3A = arith.constant 0 : i32
        %while3A_111 = arith.constant 0 : i32
        %while3A_112 = arith.constant 0 : i32
        %while3A_113 = arith.constant 0 : i32
        "tpu.trace_stop"() : () -> ()
        %while3A_114 = arith.subi %mul3A_25, %while3A : i32
        %while3A_115 = arith.addi %while3A, %while3A_114 : i32
        %while3A_116 = arith.constant 1 : i32
        %while3A_117 = arith.divsi %while3A_114, %while3A_116 : i32
        %while3A_118 = arith.muli %while3A_117, %while3A_116 : i32
        %while3A_119 = arith.addi %while3A, %while3A_118 : i32
        %while3A_120 = arith.constant 1 : i32
        %while3A_121:5 = scf.for %while3A_175 = %while3A to %while3A_119 step %while3A_120 iter_args(%while3A_176 = %select_n3A_85, %while3A_177 = %while3A_111, %while3A_178 = %select_n3A_110, %while3A_179 = %while3A_112, %while3A_180 = %while3A_113) -> (i32, i32, i32, i32, i32)  : i32 {
          %mul3A_181 = arith.constant 1 : i32
          %mul3A_182 = arith.muli %mul3A_181, %select_n3A : i32
          %eq3A_183 = arith.constant 0 : i32
          %eq3A_184 = arith.cmpi eq, %while3A_175, %eq3A_183 : i32
          %sub3A_185 = arith.constant 1 : i32
          %sub3A_186 = arith.subi %mul3A_182, %sub3A_185 : i32
          %eq3A_187 = arith.cmpi eq, %while3A_175, %sub3A_186 : i32
          %add3A_188 = arith.addi %while3A_180, %select_n3A_23 : i32
          %sub3A_189 = arith.constant 1 : i32
          %sub3A_190 = arith.subi %while3A_180, %sub3A_189 : i32
          %select_n3A_191 = arith.constant true
          %select_n3A_192 = arith.select %select_n3A_191, %sub3A_190, %while3A_180 : i32
          %eq3A_193 = arith.constant -1 : i32
          %eq3A_194 = arith.cmpi eq, %select_n3A_192, %eq3A_193 : i32
          %sub3A_195 = arith.constant 1 : i32
          %sub3A_196 = arith.subi %select_n3A, %sub3A_195 : i32
          %select_n3A_197 = arith.select %eq3A_194, %sub3A_196, %select_n3A_192 : i32
          %add3A_198 = arith.addi %select_n3A_197, %select_n3A_23 : i32
          %add3A_199 = arith.constant 1 : i32
          %add3A_200 = arith.addi %while3A_180, %add3A_199 : i32
          %select_n3A_201 = arith.constant true
          %select_n3A_202 = arith.select %select_n3A_201, %add3A_200, %while3A_180 : i32
          %eq3A_203 = arith.cmpi eq, %select_n3A_202, %select_n3A : i32
          %select_n3A_204 = arith.constant 0 : i32
          %select_n3A_205 = arith.select %eq3A_203, %select_n3A_204, %select_n3A_202 : i32
          %add3A_206 = arith.addi %select_n3A_205, %select_n3A_23 : i32
          %add3A_207 = arith.constant 1 : i32
          %add3A_208 = arith.addi %select_n3A_205, %add3A_207 : i32
          %select_n3A_209 = arith.constant true
          %select_n3A_210 = arith.select %select_n3A_209, %add3A_208, %select_n3A_205 : i32
          %eq3A_211 = arith.cmpi eq, %select_n3A_210, %select_n3A : i32
          %select_n3A_212 = arith.constant 0 : i32
          %select_n3A_213 = arith.select %eq3A_211, %select_n3A_212, %select_n3A_210 : i32
          %add3A_214 = arith.addi %select_n3A_213, %select_n3A_23 : i32
          %ne3A = arith.cmpi ne, %add3A_188, %add3A_206 : i32
          %or3A = arith.constant false
          %or3A_215 = arith.ori %or3A, %ne3A : i1
          %or3A_216 = arith.constant false
          %or3A_217 = arith.ori %or3A_215, %or3A_216 : i1
          %sub3A_218 = arith.constant 2 : i32
          %sub3A_219 = arith.subi %mul3A_182, %sub3A_218 : i32
          %add3A_220 = arith.constant 1 : i32
          %add3A_221 = arith.addi %sub3A_219, %add3A_220 : i32
          %ge3A = arith.cmpi sge, %while3A_175, %add3A_221 : i32
          %not3A = arith.constant true
          %not3A_222 = arith.xori %ge3A, %not3A : i1
          %and3A = arith.andi %or3A_217, %not3A_222 : i1
          %convert_element_type3A_223 = arith.extui %and3A : i1 to i32
          %cond3A_224 = arith.constant 0 : i32
          %cond3A_225 = arith.cmpi ne, %convert_element_type3A_223, %cond3A_224 : i32
          scf.if %cond3A_225 {
            "tpu.trace_start"() <{level = 10 : i32, message = "ep_copy_in"}> : () -> ()
            %rem3A_338 = arith.constant 2 : i32
            %rem3A_339 = arith.remui %while3A_176, %rem3A_338 : i32
            %mul3A_340 = arith.constant 256 : i32
            %mul3A_341 = arith.muli %mul3A_340, %add3A_206 : i32
            %dma_start3A_342 = arith.constant 0 : i32
            %dma_start3A_343 = arith.constant 0 : i32
            %dma_start3A_344 = tpu.memref_slice %run_scoped3A[%rem3A_339, %dma_start3A_342, %dma_start3A_343] : memref<2x256x128xf32, #tpu.memory_space<vmem>> -> memref<1x256x128xf32, #tpu.memory_space<vmem>>
            %dma_start3A_345 = tpu.memref_squeeze %dma_start3A_344 : memref<1x256x128xf32, #tpu.memory_space<vmem>> -> memref<256x128xf32, #tpu.memory_space<vmem>>
            %dma_start3A_346 = arith.constant 0 : i32
            %dma_start3A_347 = tpu.memref_slice %arg5[%mul3A_341, %dma_start3A_346] : memref<4096x128xf32, #tpu.memory_space<hbm>> -> memref<256x128xf32, #tpu.memory_space<hbm>>
            %dma_start3A_348 = tpu.memref_slice %run_scoped3A_26[%rem3A_339] : memref<2x!tpu.dma_semaphore, #tpu.memory_space<semaphore_mem>> -> memref<1x!tpu.dma_semaphore, #tpu.memory_space<semaphore_mem>>
            %dma_start3A_349 = tpu.memref_squeeze %dma_start3A_348 : memref<1x!tpu.dma_semaphore, #tpu.memory_space<semaphore_mem>> -> memref<!tpu.dma_semaphore, #tpu.memory_space<semaphore_mem>>
            %dma_start3A_350 = arith.constant 0 : i32
            %dma_start3A_351 = arith.constant 0 : i32
            %dma_start3A_352 = tpu.memref_slice %run_scoped3A[%rem3A_339, %dma_start3A_350, %dma_start3A_351] : memref<2x256x128xf32, #tpu.memory_space<vmem>> -> memref<1x256x128xf32, #tpu.memory_space<vmem>>
            %dma_start3A_353 = tpu.memref_squeeze %dma_start3A_352 : memref<1x256x128xf32, #tpu.memory_space<vmem>> -> memref<256x128xf32, #tpu.memory_space<vmem>>
            %dma_start3A_354 = arith.constant 0 : i32
            %dma_start3A_355 = tpu.memref_slice %arg5[%mul3A_341, %dma_start3A_354] : memref<4096x128xf32, #tpu.memory_space<hbm>> -> memref<256x128xf32, #tpu.memory_space<hbm>>
            tpu.enqueue_dma source(%dma_start3A_355 : memref<256x128xf32, #tpu.memory_space<hbm>>) target(%dma_start3A_353 : memref<256x128xf32, #tpu.memory_space<vmem>>) target_semaphore(%dma_start3A_349 : memref<!tpu.dma_semaphore, #tpu.memory_space<semaphore_mem>>)
            "tpu.trace_stop"() : () -> ()
          } else {
          }
          %and3A_226 = arith.constant true
          %and3A_227 = arith.andi %and3A, %and3A_226 : i1
          %add3A_228 = arith.constant 1 : i32
          %add3A_229 = arith.addi %while3A_176, %add3A_228 : i32
          %select_n3A_230 = arith.select %and3A_227, %add3A_229, %while3A_176 : i32
          %ne3A_231 = arith.cmpi ne, %add3A_188, %add3A_206 : i32
          %or3A_232 = arith.constant false
          %or3A_233 = arith.ori %or3A_232, %ne3A_231 : i1
          %sub3A_234 = arith.constant 2 : i32
          %sub3A_235 = arith.subi %mul3A_182, %sub3A_234 : i32
          %add3A_236 = arith.constant 1 : i32
          %add3A_237 = arith.addi %sub3A_235, %add3A_236 : i32
          %ge3A_238 = arith.cmpi sge, %while3A_175, %add3A_237 : i32
          %not3A_239 = arith.constant true
          %not3A_240 = arith.xori %ge3A_238, %not3A_239 : i1
          %and3A_241 = arith.andi %or3A_233, %not3A_240 : i1
          %convert_element_type3A_242 = arith.extui %and3A_241 : i1 to i32
          %cond3A_243 = arith.constant 0 : i32
          %cond3A_244 = arith.cmpi ne, %convert_element_type3A_242, %cond3A_243 : i32
          scf.if %cond3A_244 {
            "tpu.trace_start"() <{level = 10 : i32, message = "ep_copy_in"}> : () -> ()
            %rem3A_338 = arith.constant 2 : i32
            %rem3A_339 = arith.remui %while3A_178, %rem3A_338 : i32
            %mul3A_340 = arith.constant 256 : i32
            %mul3A_341 = arith.muli %mul3A_340, %add3A_206 : i32
            %dma_start3A_342 = arith.constant 0 : i32
            %dma_start3A_343 = arith.constant 0 : i32
            %dma_start3A_344 = tpu.memref_slice %run_scoped3A_27[%rem3A_339, %dma_start3A_342, %dma_start3A_343] : memref<2x1x256xi32, #tpu.memory_space<vmem>> -> memref<1x1x256xi32, #tpu.memory_space<vmem>>
            %dma_start3A_345 = tpu.memref_squeeze %dma_start3A_344 : memref<1x1x256xi32, #tpu.memory_space<vmem>> -> memref<1x256xi32, #tpu.memory_space<vmem>>
            %dma_start3A_346 = arith.constant 0 : i32
            %dma_start3A_347 = tpu.memref_slice %arg4[%dma_start3A_346, %mul3A_341] : memref<1x4096xi32, #tpu.memory_space<hbm>> -> memref<1x256xi32, #tpu.memory_space<hbm>>
            %dma_start3A_348 = tpu.memref_slice %run_scoped3A_28[%rem3A_339] : memref<2x!tpu.dma_semaphore, #tpu.memory_space<semaphore_mem>> -> memref<1x!tpu.dma_semaphore, #tpu.memory_space<semaphore_mem>>
            %dma_start3A_349 = tpu.memref_squeeze %dma_start3A_348 : memref<1x!tpu.dma_semaphore, #tpu.memory_space<semaphore_mem>> -> memref<!tpu.dma_semaphore, #tpu.memory_space<semaphore_mem>>
            %dma_start3A_350 = arith.constant 0 : i32
            %dma_start3A_351 = arith.constant 0 : i32
            %dma_start3A_352 = tpu.memref_slice %run_scoped3A_27[%rem3A_339, %dma_start3A_350, %dma_start3A_351] : memref<2x1x256xi32, #tpu.memory_space<vmem>> -> memref<1x1x256xi32, #tpu.memory_space<vmem>>
            %dma_start3A_353 = tpu.memref_squeeze %dma_start3A_352 : memref<1x1x256xi32, #tpu.memory_space<vmem>> -> memref<1x256xi32, #tpu.memory_space<vmem>>
            %dma_start3A_354 = arith.constant 0 : i32
            %dma_start3A_355 = tpu.memref_slice %arg4[%dma_start3A_354, %mul3A_341] : memref<1x4096xi32, #tpu.memory_space<hbm>> -> memref<1x256xi32, #tpu.memory_space<hbm>>
            tpu.enqueue_dma source(%dma_start3A_355 : memref<1x256xi32, #tpu.memory_space<hbm>>) target(%dma_start3A_353 : memref<1x256xi32, #tpu.memory_space<vmem>>) target_semaphore(%dma_start3A_349 : memref<!tpu.dma_semaphore, #tpu.memory_space<semaphore_mem>>)
            "tpu.trace_stop"() : () -> ()
          } else {
          }
          %and3A_245 = arith.constant true
          %and3A_246 = arith.andi %and3A_241, %and3A_245 : i1
          %add3A_247 = arith.constant 1 : i32
          %add3A_248 = arith.addi %while3A_178, %add3A_247 : i32
          %select_n3A_249 = arith.select %and3A_246, %add3A_248, %while3A_178 : i32
          %ne3A_250 = arith.cmpi ne, %add3A_188, %add3A_198 : i32
          %or3A_251 = arith.constant false
          %or3A_252 = arith.ori %or3A_251, %ne3A_250 : i1
          %or3A_253 = arith.constant false
          %or3A_254 = arith.ori %or3A_252, %or3A_253 : i1
          %or3A_255 = arith.ori %or3A_254, %eq3A_184 : i1
          %convert_element_type3A_256 = arith.extui %or3A_255 : i1 to i32
          %cond3A_257 = arith.constant 0 : i32
          %cond3A_258 = arith.cmpi ne, %convert_element_type3A_256, %cond3A_257 : i32
          scf.if %cond3A_258 {
            "tpu.trace_start"() <{level = 10 : i32, message = "ep_wait_in"}> : () -> ()
            %mul3A_338 = arith.constant 256 : i32
            %mul3A_339 = arith.muli %mul3A_338, %add3A_188 : i32
            %rem3A_340 = arith.constant 2 : i32
            %rem3A_341 = arith.remui %while3A_177, %rem3A_340 : i32
            %dma_wait3A = arith.constant 0 : i32
            %dma_wait3A_342 = arith.constant 0 : i32
            %dma_wait3A_343 = tpu.memref_slice %run_scoped3A[%rem3A_341, %dma_wait3A, %dma_wait3A_342] : memref<2x256x128xf32, #tpu.memory_space<vmem>> -> memref<1x256x128xf32, #tpu.memory_space<vmem>>
            %dma_wait3A_344 = tpu.memref_squeeze %dma_wait3A_343 : memref<1x256x128xf32, #tpu.memory_space<vmem>> -> memref<256x128xf32, #tpu.memory_space<vmem>>
            %dma_wait3A_345 = arith.constant 0 : i32
            %dma_wait3A_346 = tpu.memref_slice %arg5[%mul3A_339, %dma_wait3A_345] : memref<4096x128xf32, #tpu.memory_space<hbm>> -> memref<256x128xf32, #tpu.memory_space<hbm>>
            %dma_wait3A_347 = tpu.memref_slice %run_scoped3A_26[%rem3A_341] : memref<2x!tpu.dma_semaphore, #tpu.memory_space<semaphore_mem>> -> memref<1x!tpu.dma_semaphore, #tpu.memory_space<semaphore_mem>>
            %dma_wait3A_348 = tpu.memref_squeeze %dma_wait3A_347 : memref<1x!tpu.dma_semaphore, #tpu.memory_space<semaphore_mem>> -> memref<!tpu.dma_semaphore, #tpu.memory_space<semaphore_mem>>
            %dma_wait3A_349 = arith.constant 0 : i32
            %dma_wait3A_350 = arith.constant 0 : i32
            %dma_wait3A_351 = tpu.memref_slice %run_scoped3A[%rem3A_341, %dma_wait3A_349, %dma_wait3A_350] : memref<2x256x128xf32, #tpu.memory_space<vmem>> -> memref<1x256x128xf32, #tpu.memory_space<vmem>>
            %dma_wait3A_352 = tpu.memref_squeeze %dma_wait3A_351 : memref<1x256x128xf32, #tpu.memory_space<vmem>> -> memref<256x128xf32, #tpu.memory_space<vmem>>
            %dma_wait3A_353 = arith.constant 0 : i32
            %dma_wait3A_354 = tpu.memref_slice %arg5[%mul3A_339, %dma_wait3A_353] : memref<4096x128xf32, #tpu.memory_space<hbm>> -> memref<256x128xf32, #tpu.memory_space<hbm>>
            tpu.wait_dma2 semaphore(%dma_wait3A_348 : memref<!tpu.dma_semaphore, #tpu.memory_space<semaphore_mem>>) src(%dma_wait3A_354 : memref<256x128xf32, #tpu.memory_space<hbm>>) dst(%dma_wait3A_352 : memref<256x128xf32, #tpu.memory_space<vmem>>)
            "tpu.trace_stop"() : () -> ()
          } else {
          }
          %ne3A_259 = arith.cmpi ne, %add3A_188, %add3A_198 : i32
          %or3A_260 = arith.constant false
          %or3A_261 = arith.ori %or3A_260, %ne3A_259 : i1
          %or3A_262 = arith.ori %or3A_261, %eq3A_184 : i1
          %convert_element_type3A_263 = arith.extui %or3A_262 : i1 to i32
          %cond3A_264 = arith.constant 0 : i32
          %cond3A_265 = arith.cmpi ne, %convert_element_type3A_263, %cond3A_264 : i32
          scf.if %cond3A_265 {
            "tpu.trace_start"() <{level = 10 : i32, message = "ep_wait_in"}> : () -> ()
            %mul3A_338 = arith.constant 256 : i32
            %mul3A_339 = arith.muli %mul3A_338, %add3A_188 : i32
            %rem3A_340 = arith.constant 2 : i32
            %rem3A_341 = arith.remui %while3A_179, %rem3A_340 : i32
            %dma_wait3A = arith.constant 0 : i32
            %dma_wait3A_342 = arith.constant 0 : i32
            %dma_wait3A_343 = tpu.memref_slice %run_scoped3A_27[%rem3A_341, %dma_wait3A, %dma_wait3A_342] : memref<2x1x256xi32, #tpu.memory_space<vmem>> -> memref<1x1x256xi32, #tpu.memory_space<vmem>>
            %dma_wait3A_344 = tpu.memref_squeeze %dma_wait3A_343 : memref<1x1x256xi32, #tpu.memory_space<vmem>> -> memref<1x256xi32, #tpu.memory_space<vmem>>
            %dma_wait3A_345 = arith.constant 0 : i32
            %dma_wait3A_346 = tpu.memref_slice %arg4[%dma_wait3A_345, %mul3A_339] : memref<1x4096xi32, #tpu.memory_space<hbm>> -> memref<1x256xi32, #tpu.memory_space<hbm>>
            %dma_wait3A_347 = tpu.memref_slice %run_scoped3A_28[%rem3A_341] : memref<2x!tpu.dma_semaphore, #tpu.memory_space<semaphore_mem>> -> memref<1x!tpu.dma_semaphore, #tpu.memory_space<semaphore_mem>>
            %dma_wait3A_348 = tpu.memref_squeeze %dma_wait3A_347 : memref<1x!tpu.dma_semaphore, #tpu.memory_space<semaphore_mem>> -> memref<!tpu.dma_semaphore, #tpu.memory_space<semaphore_mem>>
            %dma_wait3A_349 = arith.constant 0 : i32
            %dma_wait3A_350 = arith.constant 0 : i32
            %dma_wait3A_351 = tpu.memref_slice %run_scoped3A_27[%rem3A_341, %dma_wait3A_349, %dma_wait3A_350] : memref<2x1x256xi32, #tpu.memory_space<vmem>> -> memref<1x1x256xi32, #tpu.memory_space<vmem>>
            %dma_wait3A_352 = tpu.memref_squeeze %dma_wait3A_351 : memref<1x1x256xi32, #tpu.memory_space<vmem>> -> memref<1x256xi32, #tpu.memory_space<vmem>>
            %dma_wait3A_353 = arith.constant 0 : i32
            %dma_wait3A_354 = tpu.memref_slice %arg4[%dma_wait3A_353, %mul3A_339] : memref<1x4096xi32, #tpu.memory_space<hbm>> -> memref<1x256xi32, #tpu.memory_space<hbm>>
            tpu.wait_dma2 semaphore(%dma_wait3A_348 : memref<!tpu.dma_semaphore, #tpu.memory_space<semaphore_mem>>) src(%dma_wait3A_354 : memref<1x256xi32, #tpu.memory_space<hbm>>) dst(%dma_wait3A_352 : memref<1x256xi32, #tpu.memory_space<vmem>>)
            "tpu.trace_stop"() : () -> ()
          } else {
          }
          %rem3A_266 = arith.constant 2 : i32
          %rem3A_267 = arith.remui %while3A_177, %rem3A_266 : i32
          %rem3A_268 = arith.constant 2 : i32
          %rem3A_269 = arith.remui %while3A_179, %rem3A_268 : i32
          %run_scoped3A_270 = arith.constant 0 : i32
          "tpu.trace_start"() <{level = 10 : i32, message = "ep_run_kernel"}> : () -> ()
          "tpu.region"() ({
            %run_scoped3A_338 = tpu.sem_alloc : memref<!tpu.dma_semaphore, #tpu.memory_space<semaphore_mem>>
            %dma_start3A_339 = arith.constant 0 : i32
            %dma_start3A_340 = arith.constant 0 : i32
            %dma_start3A_341 = tpu.memref_slice %run_scoped3A[%rem3A_267, %dma_start3A_339, %dma_start3A_340] : memref<2x256x128xf32, #tpu.memory_space<vmem>> -> memref<1x256x128xf32, #tpu.memory_space<vmem>>
            %dma_start3A_342 = tpu.memref_squeeze %dma_start3A_341 : memref<1x256x128xf32, #tpu.memory_space<vmem>> -> memref<256x128xf32, #tpu.memory_space<vmem>>
            %dma_start3A_343 = arith.constant 0 : i32
            %dma_start3A_344 = arith.constant 0 : i32
            %dma_start3A_345 = tpu.memref_slice %run_scoped3A_27[%rem3A_269, %dma_start3A_343, %dma_start3A_344] : memref<2x1x256xi32, #tpu.memory_space<vmem>> -> memref<1x1x256xi32, #tpu.memory_space<vmem>>
            %dma_start3A_346 = tpu.memref_squeeze %dma_start3A_345 : memref<1x1x256xi32, #tpu.memory_space<vmem>> -> memref<1x256xi32, #tpu.memory_space<vmem>>
            %dma_start3A_347 = arith.constant 0 : i32
            %dma_start3A_348 = tpu.memref_slice %dma_start3A_346[%run_scoped3A_270, %dma_start3A_347] : memref<1x256xi32, #tpu.memory_space<vmem>> -> memref<1x256xi32, #tpu.memory_space<vmem>>
            %dma_start3A_349 = tpu.memref_squeeze %dma_start3A_348 : memref<1x256xi32, #tpu.memory_space<vmem>> -> memref<256xi32, #tpu.memory_space<vmem>>
            %dma_start3A_350 = arith.constant 0 : i32
            %dma_start3A_351 = arith.constant 0 : i32
            %dma_start3A_352 = tpu.memref_slice %arg7[%dma_start3A_350, %dma_start3A_351] : memref<5888x128xf32, #tpu.memory_space<hbm>> -> memref<5888x128xf32, #tpu.memory_space<hbm>>
            tpu.enqueue_indirect_dma source(%dma_start3A_342 : memref<256x128xf32, #tpu.memory_space<vmem>>) target(%dma_start3A_352 : memref<5888x128xf32, #tpu.memory_space<hbm>>) offsets(%dma_start3A_349 : memref<256xi32, #tpu.memory_space<vmem>>) semaphore(%run_scoped3A_338 : memref<!tpu.dma_semaphore, #tpu.memory_space<semaphore_mem>>)
            %dma_wait3A = arith.constant 0 : i32
            %dma_wait3A_353 = arith.constant 0 : i32
            %dma_wait3A_354 = tpu.memref_slice %run_scoped3A[%rem3A_267, %dma_wait3A, %dma_wait3A_353] : memref<2x256x128xf32, #tpu.memory_space<vmem>> -> memref<1x256x128xf32, #tpu.memory_space<vmem>>
            %dma_wait3A_355 = tpu.memref_squeeze %dma_wait3A_354 : memref<1x256x128xf32, #tpu.memory_space<vmem>> -> memref<256x128xf32, #tpu.memory_space<vmem>>
            %dma_wait3A_356 = arith.constant 0 : i32
            %dma_wait3A_357 = arith.constant 0 : i32
            %dma_wait3A_358 = tpu.memref_slice %run_scoped3A_27[%rem3A_269, %dma_wait3A_356, %dma_wait3A_357] : memref<2x1x256xi32, #tpu.memory_space<vmem>> -> memref<1x1x256xi32, #tpu.memory_space<vmem>>
            %dma_wait3A_359 = tpu.memref_squeeze %dma_wait3A_358 : memref<1x1x256xi32, #tpu.memory_space<vmem>> -> memref<1x256xi32, #tpu.memory_space<vmem>>
            %dma_wait3A_360 = arith.constant 0 : i32
            %dma_wait3A_361 = tpu.memref_slice %dma_wait3A_359[%run_scoped3A_270, %dma_wait3A_360] : memref<1x256xi32, #tpu.memory_space<vmem>> -> memref<1x256xi32, #tpu.memory_space<vmem>>
            %dma_wait3A_362 = tpu.memref_squeeze %dma_wait3A_361 : memref<1x256xi32, #tpu.memory_space<vmem>> -> memref<256xi32, #tpu.memory_space<vmem>>
            %dma_wait3A_363 = arith.constant 0 : i32
            %dma_wait3A_364 = arith.constant 0 : i32
            %dma_wait3A_365 = tpu.memref_slice %arg7[%dma_wait3A_363, %dma_wait3A_364] : memref<5888x128xf32, #tpu.memory_space<hbm>> -> memref<5888x128xf32, #tpu.memory_space<hbm>>
            tpu.wait_indirect_dma semaphore(%run_scoped3A_338 : memref<!tpu.dma_semaphore, #tpu.memory_space<semaphore_mem>>) src(%dma_wait3A_355 : memref<256x128xf32, #tpu.memory_space<vmem>>) dst(%dma_wait3A_365 : memref<5888x128xf32, #tpu.memory_space<hbm>>)
            tpu.yield
          }) : () -> ()
          "tpu.trace_stop"() : () -> ()
          %ne3A_271 = arith.cmpi ne, %add3A_188, %add3A_206 : i32
          %or3A_272 = arith.constant false
          %or3A_273 = arith.ori %or3A_272, %ne3A_271 : i1
          %or3A_274 = arith.constant false
          %or3A_275 = arith.ori %or3A_273, %or3A_274 : i1
          %or3A_276 = arith.ori %or3A_275, %eq3A_187 : i1
          %convert_element_type3A_277 = arith.extui %or3A_276 : i1 to i32
          %cond3A_278 = arith.constant 0 : i32
          %cond3A_279 = arith.cmpi ne, %convert_element_type3A_277, %cond3A_278 : i32
          scf.if %cond3A_279 {
          } else {
          }
          %and3A_280 = arith.constant false
          %and3A_281 = arith.andi %or3A_276, %and3A_280 : i1
          %ne3A_282 = arith.cmpi ne, %add3A_188, %add3A_206 : i32
          %or3A_283 = arith.constant false
          %or3A_284 = arith.ori %or3A_283, %ne3A_282 : i1
          %or3A_285 = arith.ori %or3A_284, %eq3A_187 : i1
          %convert_element_type3A_286 = arith.extui %or3A_285 : i1 to i32
          %cond3A_287 = arith.constant 0 : i32
          %cond3A_288 = arith.cmpi ne, %convert_element_type3A_286, %cond3A_287 : i32
          scf.if %cond3A_288 {
          } else {
          }
          %and3A_289 = arith.constant false
          %and3A_290 = arith.andi %or3A_285, %and3A_289 : i1
          %ne3A_291 = arith.cmpi ne, %add3A_188, %add3A_198 : i32
          %or3A_292 = arith.constant false
          %or3A_293 = arith.ori %or3A_292, %ne3A_291 : i1
          %or3A_294 = arith.constant false
          %or3A_295 = arith.ori %or3A_293, %or3A_294 : i1
          %not3A_296 = arith.constant true
          %not3A_297 = arith.xori %eq3A_184, %not3A_296 : i1
          %and3A_298 = arith.andi %or3A_295, %not3A_297 : i1
          %convert_element_type3A_299 = arith.extui %and3A_298 : i1 to i32
          %cond3A_300 = arith.constant 0 : i32
          %cond3A_301 = arith.cmpi ne, %convert_element_type3A_299, %cond3A_300 : i32
          scf.if %cond3A_301 {
          } else {
          }
          %and3A_302 = arith.constant false
          %and3A_303 = arith.andi %and3A_298, %and3A_302 : i1
          %ne3A_304 = arith.cmpi ne, %add3A_188, %add3A_198 : i32
          %or3A_305 = arith.constant false
          %or3A_306 = arith.ori %or3A_305, %ne3A_304 : i1
          %not3A_307 = arith.constant true
          %not3A_308 = arith.xori %eq3A_184, %not3A_307 : i1
          %and3A_309 = arith.andi %or3A_306, %not3A_308 : i1
          %convert_element_type3A_310 = arith.extui %and3A_309 : i1 to i32
          %cond3A_311 = arith.constant 0 : i32
          %cond3A_312 = arith.cmpi ne, %convert_element_type3A_310, %cond3A_311 : i32
          scf.if %cond3A_312 {
          } else {
          }
          %and3A_313 = arith.constant false
          %and3A_314 = arith.andi %and3A_309, %and3A_313 : i1
          %ne3A_315 = arith.cmpi ne, %add3A_188, %add3A_206 : i32
          %or3A_316 = arith.constant false
          %or3A_317 = arith.ori %or3A_316, %ne3A_315 : i1
          %or3A_318 = arith.constant false
          %or3A_319 = arith.ori %or3A_317, %or3A_318 : i1
          %or3A_320 = arith.ori %or3A_319, %eq3A_187 : i1
          %add3A_321 = arith.constant 1 : i32
          %add3A_322 = arith.addi %while3A_177, %add3A_321 : i32
          %select_n3A_323 = arith.select %or3A_320, %add3A_322, %while3A_177 : i32
          %ne3A_324 = arith.cmpi ne, %add3A_188, %add3A_206 : i32
          %or3A_325 = arith.constant false
          %or3A_326 = arith.ori %or3A_325, %ne3A_324 : i1
          %or3A_327 = arith.ori %or3A_326, %eq3A_187 : i1
          %add3A_328 = arith.constant 1 : i32
          %add3A_329 = arith.addi %while3A_179, %add3A_328 : i32
          %select_n3A_330 = arith.select %or3A_327, %add3A_329, %while3A_179 : i32
          %add3A_331 = arith.constant 1 : i32
          %add3A_332 = arith.addi %while3A_180, %add3A_331 : i32
          %select_n3A_333 = arith.constant true
          %select_n3A_334 = arith.select %select_n3A_333, %add3A_332, %while3A_180 : i32
          %eq3A_335 = arith.cmpi eq, %select_n3A_334, %select_n3A : i32
          %select_n3A_336 = arith.constant 0 : i32
          %select_n3A_337 = arith.select %eq3A_335, %select_n3A_336, %select_n3A_334 : i32
          scf.yield %select_n3A_230, %select_n3A_323, %select_n3A_249, %select_n3A_330, %select_n3A_337 : i32, i32, i32, i32, i32
        }
        %while3A_122 = arith.constant 1 : i32
        %while3A_123:5 = scf.for %while3A_175 = %while3A_119 to %while3A_115 step %while3A_122 iter_args(%while3A_176 = %while3A_121#0, %while3A_177 = %while3A_121#1, %while3A_178 = %while3A_121#2, %while3A_179 = %while3A_121#3, %while3A_180 = %while3A_121#4) -> (i32, i32, i32, i32, i32)  : i32 {
          %mul3A_181 = arith.constant 1 : i32
          %mul3A_182 = arith.muli %mul3A_181, %select_n3A : i32
          %eq3A_183 = arith.constant 0 : i32
          %eq3A_184 = arith.cmpi eq, %while3A_175, %eq3A_183 : i32
          %sub3A_185 = arith.constant 1 : i32
          %sub3A_186 = arith.subi %mul3A_182, %sub3A_185 : i32
          %eq3A_187 = arith.cmpi eq, %while3A_175, %sub3A_186 : i32
          %add3A_188 = arith.addi %while3A_180, %select_n3A_23 : i32
          %sub3A_189 = arith.constant 1 : i32
          %sub3A_190 = arith.subi %while3A_180, %sub3A_189 : i32
          %select_n3A_191 = arith.constant true
          %select_n3A_192 = arith.select %select_n3A_191, %sub3A_190, %while3A_180 : i32
          %eq3A_193 = arith.constant -1 : i32
          %eq3A_194 = arith.cmpi eq, %select_n3A_192, %eq3A_193 : i32
          %sub3A_195 = arith.constant 1 : i32
          %sub3A_196 = arith.subi %select_n3A, %sub3A_195 : i32
          %select_n3A_197 = arith.select %eq3A_194, %sub3A_196, %select_n3A_192 : i32
          %add3A_198 = arith.addi %select_n3A_197, %select_n3A_23 : i32
          %add3A_199 = arith.constant 1 : i32
          %add3A_200 = arith.addi %while3A_180, %add3A_199 : i32
          %select_n3A_201 = arith.constant true
          %select_n3A_202 = arith.select %select_n3A_201, %add3A_200, %while3A_180 : i32
          %eq3A_203 = arith.cmpi eq, %select_n3A_202, %select_n3A : i32
          %select_n3A_204 = arith.constant 0 : i32
          %select_n3A_205 = arith.select %eq3A_203, %select_n3A_204, %select_n3A_202 : i32
          %add3A_206 = arith.addi %select_n3A_205, %select_n3A_23 : i32
          %add3A_207 = arith.constant 1 : i32
          %add3A_208 = arith.addi %select_n3A_205, %add3A_207 : i32
          %select_n3A_209 = arith.constant true
          %select_n3A_210 = arith.select %select_n3A_209, %add3A_208, %select_n3A_205 : i32
          %eq3A_211 = arith.cmpi eq, %select_n3A_210, %select_n3A : i32
          %select_n3A_212 = arith.constant 0 : i32
          %select_n3A_213 = arith.select %eq3A_211, %select_n3A_212, %select_n3A_210 : i32
          %add3A_214 = arith.addi %select_n3A_213, %select_n3A_23 : i32
          %ne3A = arith.cmpi ne, %add3A_188, %add3A_206 : i32
          %or3A = arith.constant false
          %or3A_215 = arith.ori %or3A, %ne3A : i1
          %or3A_216 = arith.constant false
          %or3A_217 = arith.ori %or3A_215, %or3A_216 : i1
          %sub3A_218 = arith.constant 2 : i32
          %sub3A_219 = arith.subi %mul3A_182, %sub3A_218 : i32
          %add3A_220 = arith.constant 1 : i32
          %add3A_221 = arith.addi %sub3A_219, %add3A_220 : i32
          %ge3A = arith.cmpi sge, %while3A_175, %add3A_221 : i32
          %not3A = arith.constant true
          %not3A_222 = arith.xori %ge3A, %not3A : i1
          %and3A = arith.andi %or3A_217, %not3A_222 : i1
          %convert_element_type3A_223 = arith.extui %and3A : i1 to i32
          %cond3A_224 = arith.constant 0 : i32
          %cond3A_225 = arith.cmpi ne, %convert_element_type3A_223, %cond3A_224 : i32
          scf.if %cond3A_225 {
            "tpu.trace_start"() <{level = 10 : i32, message = "ep_copy_in"}> : () -> ()
            %rem3A_338 = arith.constant 2 : i32
            %rem3A_339 = arith.remui %while3A_176, %rem3A_338 : i32
            %mul3A_340 = arith.constant 256 : i32
            %mul3A_341 = arith.muli %mul3A_340, %add3A_206 : i32
            %dma_start3A_342 = arith.constant 0 : i32
            %dma_start3A_343 = arith.constant 0 : i32
            %dma_start3A_344 = tpu.memref_slice %run_scoped3A[%rem3A_339, %dma_start3A_342, %dma_start3A_343] : memref<2x256x128xf32, #tpu.memory_space<vmem>> -> memref<1x256x128xf32, #tpu.memory_space<vmem>>
            %dma_start3A_345 = tpu.memref_squeeze %dma_start3A_344 : memref<1x256x128xf32, #tpu.memory_space<vmem>> -> memref<256x128xf32, #tpu.memory_space<vmem>>
            %dma_start3A_346 = arith.constant 0 : i32
            %dma_start3A_347 = tpu.memref_slice %arg5[%mul3A_341, %dma_start3A_346] : memref<4096x128xf32, #tpu.memory_space<hbm>> -> memref<256x128xf32, #tpu.memory_space<hbm>>
            %dma_start3A_348 = tpu.memref_slice %run_scoped3A_26[%rem3A_339] : memref<2x!tpu.dma_semaphore, #tpu.memory_space<semaphore_mem>> -> memref<1x!tpu.dma_semaphore, #tpu.memory_space<semaphore_mem>>
            %dma_start3A_349 = tpu.memref_squeeze %dma_start3A_348 : memref<1x!tpu.dma_semaphore, #tpu.memory_space<semaphore_mem>> -> memref<!tpu.dma_semaphore, #tpu.memory_space<semaphore_mem>>
            %dma_start3A_350 = arith.constant 0 : i32
            %dma_start3A_351 = arith.constant 0 : i32
            %dma_start3A_352 = tpu.memref_slice %run_scoped3A[%rem3A_339, %dma_start3A_350, %dma_start3A_351] : memref<2x256x128xf32, #tpu.memory_space<vmem>> -> memref<1x256x128xf32, #tpu.memory_space<vmem>>
            %dma_start3A_353 = tpu.memref_squeeze %dma_start3A_352 : memref<1x256x128xf32, #tpu.memory_space<vmem>> -> memref<256x128xf32, #tpu.memory_space<vmem>>
            %dma_start3A_354 = arith.constant 0 : i32
            %dma_start3A_355 = tpu.memref_slice %arg5[%mul3A_341, %dma_start3A_354] : memref<4096x128xf32, #tpu.memory_space<hbm>> -> memref<256x128xf32, #tpu.memory_space<hbm>>
            tpu.enqueue_dma source(%dma_start3A_355 : memref<256x128xf32, #tpu.memory_space<hbm>>) target(%dma_start3A_353 : memref<256x128xf32, #tpu.memory_space<vmem>>) target_semaphore(%dma_start3A_349 : memref<!tpu.dma_semaphore, #tpu.memory_space<semaphore_mem>>)
            "tpu.trace_stop"() : () -> ()
          } else {
          }
          %and3A_226 = arith.constant true
          %and3A_227 = arith.andi %and3A, %and3A_226 : i1
          %add3A_228 = arith.constant 1 : i32
          %add3A_229 = arith.addi %while3A_176, %add3A_228 : i32
          %select_n3A_230 = arith.select %and3A_227, %add3A_229, %while3A_176 : i32
          %ne3A_231 = arith.cmpi ne, %add3A_188, %add3A_206 : i32
          %or3A_232 = arith.constant false
          %or3A_233 = arith.ori %or3A_232, %ne3A_231 : i1
          %sub3A_234 = arith.constant 2 : i32
          %sub3A_235 = arith.subi %mul3A_182, %sub3A_234 : i32
          %add3A_236 = arith.constant 1 : i32
          %add3A_237 = arith.addi %sub3A_235, %add3A_236 : i32
          %ge3A_238 = arith.cmpi sge, %while3A_175, %add3A_237 : i32
          %not3A_239 = arith.constant true
          %not3A_240 = arith.xori %ge3A_238, %not3A_239 : i1
          %and3A_241 = arith.andi %or3A_233, %not3A_240 : i1
          %convert_element_type3A_242 = arith.extui %and3A_241 : i1 to i32
          %cond3A_243 = arith.constant 0 : i32
          %cond3A_244 = arith.cmpi ne, %convert_element_type3A_242, %cond3A_243 : i32
          scf.if %cond3A_244 {
            "tpu.trace_start"() <{level = 10 : i32, message = "ep_copy_in"}> : () -> ()
            %rem3A_338 = arith.constant 2 : i32
            %rem3A_339 = arith.remui %while3A_178, %rem3A_338 : i32
            %mul3A_340 = arith.constant 256 : i32
            %mul3A_341 = arith.muli %mul3A_340, %add3A_206 : i32
            %dma_start3A_342 = arith.constant 0 : i32
            %dma_start3A_343 = arith.constant 0 : i32
            %dma_start3A_344 = tpu.memref_slice %run_scoped3A_27[%rem3A_339, %dma_start3A_342, %dma_start3A_343] : memref<2x1x256xi32, #tpu.memory_space<vmem>> -> memref<1x1x256xi32, #tpu.memory_space<vmem>>
            %dma_start3A_345 = tpu.memref_squeeze %dma_start3A_344 : memref<1x1x256xi32, #tpu.memory_space<vmem>> -> memref<1x256xi32, #tpu.memory_space<vmem>>
            %dma_start3A_346 = arith.constant 0 : i32
            %dma_start3A_347 = tpu.memref_slice %arg4[%dma_start3A_346, %mul3A_341] : memref<1x4096xi32, #tpu.memory_space<hbm>> -> memref<1x256xi32, #tpu.memory_space<hbm>>
            %dma_start3A_348 = tpu.memref_slice %run_scoped3A_28[%rem3A_339] : memref<2x!tpu.dma_semaphore, #tpu.memory_space<semaphore_mem>> -> memref<1x!tpu.dma_semaphore, #tpu.memory_space<semaphore_mem>>
            %dma_start3A_349 = tpu.memref_squeeze %dma_start3A_348 : memref<1x!tpu.dma_semaphore, #tpu.memory_space<semaphore_mem>> -> memref<!tpu.dma_semaphore, #tpu.memory_space<semaphore_mem>>
            %dma_start3A_350 = arith.constant 0 : i32
            %dma_start3A_351 = arith.constant 0 : i32
            %dma_start3A_352 = tpu.memref_slice %run_scoped3A_27[%rem3A_339, %dma_start3A_350, %dma_start3A_351] : memref<2x1x256xi32, #tpu.memory_space<vmem>> -> memref<1x1x256xi32, #tpu.memory_space<vmem>>
            %dma_start3A_353 = tpu.memref_squeeze %dma_start3A_352 : memref<1x1x256xi32, #tpu.memory_space<vmem>> -> memref<1x256xi32, #tpu.memory_space<vmem>>
            %dma_start3A_354 = arith.constant 0 : i32
            %dma_start3A_355 = tpu.memref_slice %arg4[%dma_start3A_354, %mul3A_341] : memref<1x4096xi32, #tpu.memory_space<hbm>> -> memref<1x256xi32, #tpu.memory_space<hbm>>
            tpu.enqueue_dma source(%dma_start3A_355 : memref<1x256xi32, #tpu.memory_space<hbm>>) target(%dma_start3A_353 : memref<1x256xi32, #tpu.memory_space<vmem>>) target_semaphore(%dma_start3A_349 : memref<!tpu.dma_semaphore, #tpu.memory_space<semaphore_mem>>)
            "tpu.trace_stop"() : () -> ()
          } else {
          }
          %and3A_245 = arith.constant true
          %and3A_246 = arith.andi %and3A_241, %and3A_245 : i1
          %add3A_247 = arith.constant 1 : i32
          %add3A_248 = arith.addi %while3A_178, %add3A_247 : i32
          %select_n3A_249 = arith.select %and3A_246, %add3A_248, %while3A_178 : i32
          %ne3A_250 = arith.cmpi ne, %add3A_188, %add3A_198 : i32
          %or3A_251 = arith.constant false
          %or3A_252 = arith.ori %or3A_251, %ne3A_250 : i1
          %or3A_253 = arith.constant false
          %or3A_254 = arith.ori %or3A_252, %or3A_253 : i1
          %or3A_255 = arith.ori %or3A_254, %eq3A_184 : i1
          %convert_element_type3A_256 = arith.extui %or3A_255 : i1 to i32
          %cond3A_257 = arith.constant 0 : i32
          %cond3A_258 = arith.cmpi ne, %convert_element_type3A_256, %cond3A_257 : i32
          scf.if %cond3A_258 {
            "tpu.trace_start"() <{level = 10 : i32, message = "ep_wait_in"}> : () -> ()
            %mul3A_338 = arith.constant 256 : i32
            %mul3A_339 = arith.muli %mul3A_338, %add3A_188 : i32
            %rem3A_340 = arith.constant 2 : i32
            %rem3A_341 = arith.remui %while3A_177, %rem3A_340 : i32
            %dma_wait3A = arith.constant 0 : i32
            %dma_wait3A_342 = arith.constant 0 : i32
            %dma_wait3A_343 = tpu.memref_slice %run_scoped3A[%rem3A_341, %dma_wait3A, %dma_wait3A_342] : memref<2x256x128xf32, #tpu.memory_space<vmem>> -> memref<1x256x128xf32, #tpu.memory_space<vmem>>
            %dma_wait3A_344 = tpu.memref_squeeze %dma_wait3A_343 : memref<1x256x128xf32, #tpu.memory_space<vmem>> -> memref<256x128xf32, #tpu.memory_space<vmem>>
            %dma_wait3A_345 = arith.constant 0 : i32
            %dma_wait3A_346 = tpu.memref_slice %arg5[%mul3A_339, %dma_wait3A_345] : memref<4096x128xf32, #tpu.memory_space<hbm>> -> memref<256x128xf32, #tpu.memory_space<hbm>>
            %dma_wait3A_347 = tpu.memref_slice %run_scoped3A_26[%rem3A_341] : memref<2x!tpu.dma_semaphore, #tpu.memory_space<semaphore_mem>> -> memref<1x!tpu.dma_semaphore, #tpu.memory_space<semaphore_mem>>
            %dma_wait3A_348 = tpu.memref_squeeze %dma_wait3A_347 : memref<1x!tpu.dma_semaphore, #tpu.memory_space<semaphore_mem>> -> memref<!tpu.dma_semaphore, #tpu.memory_space<semaphore_mem>>
            %dma_wait3A_349 = arith.constant 0 : i32
            %dma_wait3A_350 = arith.constant 0 : i32
            %dma_wait3A_351 = tpu.memref_slice %run_scoped3A[%rem3A_341, %dma_wait3A_349, %dma_wait3A_350] : memref<2x256x128xf32, #tpu.memory_space<vmem>> -> memref<1x256x128xf32, #tpu.memory_space<vmem>>
            %dma_wait3A_352 = tpu.memref_squeeze %dma_wait3A_351 : memref<1x256x128xf32, #tpu.memory_space<vmem>> -> memref<256x128xf32, #tpu.memory_space<vmem>>
            %dma_wait3A_353 = arith.constant 0 : i32
            %dma_wait3A_354 = tpu.memref_slice %arg5[%mul3A_339, %dma_wait3A_353] : memref<4096x128xf32, #tpu.memory_space<hbm>> -> memref<256x128xf32, #tpu.memory_space<hbm>>
            tpu.wait_dma2 semaphore(%dma_wait3A_348 : memref<!tpu.dma_semaphore, #tpu.memory_space<semaphore_mem>>) src(%dma_wait3A_354 : memref<256x128xf32, #tpu.memory_space<hbm>>) dst(%dma_wait3A_352 : memref<256x128xf32, #tpu.memory_space<vmem>>)
            "tpu.trace_stop"() : () -> ()
          } else {
          }
          %ne3A_259 = arith.cmpi ne, %add3A_188, %add3A_198 : i32
          %or3A_260 = arith.constant false
          %or3A_261 = arith.ori %or3A_260, %ne3A_259 : i1
          %or3A_262 = arith.ori %or3A_261, %eq3A_184 : i1
          %convert_element_type3A_263 = arith.extui %or3A_262 : i1 to i32
          %cond3A_264 = arith.constant 0 : i32
          %cond3A_265 = arith.cmpi ne, %convert_element_type3A_263, %cond3A_264 : i32
          scf.if %cond3A_265 {
            "tpu.trace_start"() <{level = 10 : i32, message = "ep_wait_in"}> : () -> ()
            %mul3A_338 = arith.constant 256 : i32
            %mul3A_339 = arith.muli %mul3A_338, %add3A_188 : i32
            %rem3A_340 = arith.constant 2 : i32
            %rem3A_341 = arith.remui %while3A_179, %rem3A_340 : i32
            %dma_wait3A = arith.constant 0 : i32
            %dma_wait3A_342 = arith.constant 0 : i32
            %dma_wait3A_343 = tpu.memref_slice %run_scoped3A_27[%rem3A_341, %dma_wait3A, %dma_wait3A_342] : memref<2x1x256xi32, #tpu.memory_space<vmem>> -> memref<1x1x256xi32, #tpu.memory_space<vmem>>
            %dma_wait3A_344 = tpu.memref_squeeze %dma_wait3A_343 : memref<1x1x256xi32, #tpu.memory_space<vmem>> -> memref<1x256xi32, #tpu.memory_space<vmem>>
            %dma_wait3A_345 = arith.constant 0 : i32
            %dma_wait3A_346 = tpu.memref_slice %arg4[%dma_wait3A_345, %mul3A_339] : memref<1x4096xi32, #tpu.memory_space<hbm>> -> memref<1x256xi32, #tpu.memory_space<hbm>>
            %dma_wait3A_347 = tpu.memref_slice %run_scoped3A_28[%rem3A_341] : memref<2x!tpu.dma_semaphore, #tpu.memory_space<semaphore_mem>> -> memref<1x!tpu.dma_semaphore, #tpu.memory_space<semaphore_mem>>
            %dma_wait3A_348 = tpu.memref_squeeze %dma_wait3A_347 : memref<1x!tpu.dma_semaphore, #tpu.memory_space<semaphore_mem>> -> memref<!tpu.dma_semaphore, #tpu.memory_space<semaphore_mem>>
            %dma_wait3A_349 = arith.constant 0 : i32
            %dma_wait3A_350 = arith.constant 0 : i32
            %dma_wait3A_351 = tpu.memref_slice %run_scoped3A_27[%rem3A_341, %dma_wait3A_349, %dma_wait3A_350] : memref<2x1x256xi32, #tpu.memory_space<vmem>> -> memref<1x1x256xi32, #tpu.memory_space<vmem>>
            %dma_wait3A_352 = tpu.memref_squeeze %dma_wait3A_351 : memref<1x1x256xi32, #tpu.memory_space<vmem>> -> memref<1x256xi32, #tpu.memory_space<vmem>>
            %dma_wait3A_353 = arith.constant 0 : i32
            %dma_wait3A_354 = tpu.memref_slice %arg4[%dma_wait3A_353, %mul3A_339] : memref<1x4096xi32, #tpu.memory_space<hbm>> -> memref<1x256xi32, #tpu.memory_space<hbm>>
            tpu.wait_dma2 semaphore(%dma_wait3A_348 : memref<!tpu.dma_semaphore, #tpu.memory_space<semaphore_mem>>) src(%dma_wait3A_354 : memref<1x256xi32, #tpu.memory_space<hbm>>) dst(%dma_wait3A_352 : memref<1x256xi32, #tpu.memory_space<vmem>>)
            "tpu.trace_stop"() : () -> ()
          } else {
          }
          %rem3A_266 = arith.constant 2 : i32
          %rem3A_267 = arith.remui %while3A_177, %rem3A_266 : i32
          %rem3A_268 = arith.constant 2 : i32
          %rem3A_269 = arith.remui %while3A_179, %rem3A_268 : i32
          %run_scoped3A_270 = arith.constant 0 : i32
          "tpu.trace_start"() <{level = 10 : i32, message = "ep_run_kernel"}> : () -> ()
          "tpu.region"() ({
            %run_scoped3A_338 = tpu.sem_alloc : memref<!tpu.dma_semaphore, #tpu.memory_space<semaphore_mem>>
            %dma_start3A_339 = arith.constant 0 : i32
            %dma_start3A_340 = arith.constant 0 : i32
            %dma_start3A_341 = tpu.memref_slice %run_scoped3A[%rem3A_267, %dma_start3A_339, %dma_start3A_340] : memref<2x256x128xf32, #tpu.memory_space<vmem>> -> memref<1x256x128xf32, #tpu.memory_space<vmem>>
            %dma_start3A_342 = tpu.memref_squeeze %dma_start3A_341 : memref<1x256x128xf32, #tpu.memory_space<vmem>> -> memref<256x128xf32, #tpu.memory_space<vmem>>
            %dma_start3A_343 = arith.constant 0 : i32
            %dma_start3A_344 = arith.constant 0 : i32
            %dma_start3A_345 = tpu.memref_slice %run_scoped3A_27[%rem3A_269, %dma_start3A_343, %dma_start3A_344] : memref<2x1x256xi32, #tpu.memory_space<vmem>> -> memref<1x1x256xi32, #tpu.memory_space<vmem>>
            %dma_start3A_346 = tpu.memref_squeeze %dma_start3A_345 : memref<1x1x256xi32, #tpu.memory_space<vmem>> -> memref<1x256xi32, #tpu.memory_space<vmem>>
            %dma_start3A_347 = arith.constant 0 : i32
            %dma_start3A_348 = tpu.memref_slice %dma_start3A_346[%run_scoped3A_270, %dma_start3A_347] : memref<1x256xi32, #tpu.memory_space<vmem>> -> memref<1x256xi32, #tpu.memory_space<vmem>>
            %dma_start3A_349 = tpu.memref_squeeze %dma_start3A_348 : memref<1x256xi32, #tpu.memory_space<vmem>> -> memref<256xi32, #tpu.memory_space<vmem>>
            %dma_start3A_350 = arith.constant 0 : i32
            %dma_start3A_351 = arith.constant 0 : i32
            %dma_start3A_352 = tpu.memref_slice %arg7[%dma_start3A_350, %dma_start3A_351] : memref<5888x128xf32, #tpu.memory_space<hbm>> -> memref<5888x128xf32, #tpu.memory_space<hbm>>
            tpu.enqueue_indirect_dma source(%dma_start3A_342 : memref<256x128xf32, #tpu.memory_space<vmem>>) target(%dma_start3A_352 : memref<5888x128xf32, #tpu.memory_space<hbm>>) offsets(%dma_start3A_349 : memref<256xi32, #tpu.memory_space<vmem>>) semaphore(%run_scoped3A_338 : memref<!tpu.dma_semaphore, #tpu.memory_space<semaphore_mem>>)
            %dma_wait3A = arith.constant 0 : i32
            %dma_wait3A_353 = arith.constant 0 : i32
            %dma_wait3A_354 = tpu.memref_slice %run_scoped3A[%rem3A_267, %dma_wait3A, %dma_wait3A_353] : memref<2x256x128xf32, #tpu.memory_space<vmem>> -> memref<1x256x128xf32, #tpu.memory_space<vmem>>
            %dma_wait3A_355 = tpu.memref_squeeze %dma_wait3A_354 : memref<1x256x128xf32, #tpu.memory_space<vmem>> -> memref<256x128xf32, #tpu.memory_space<vmem>>
            %dma_wait3A_356 = arith.constant 0 : i32
            %dma_wait3A_357 = arith.constant 0 : i32
            %dma_wait3A_358 = tpu.memref_slice %run_scoped3A_27[%rem3A_269, %dma_wait3A_356, %dma_wait3A_357] : memref<2x1x256xi32, #tpu.memory_space<vmem>> -> memref<1x1x256xi32, #tpu.memory_space<vmem>>
            %dma_wait3A_359 = tpu.memref_squeeze %dma_wait3A_358 : memref<1x1x256xi32, #tpu.memory_space<vmem>> -> memref<1x256xi32, #tpu.memory_space<vmem>>
            %dma_wait3A_360 = arith.constant 0 : i32
            %dma_wait3A_361 = tpu.memref_slice %dma_wait3A_359[%run_scoped3A_270, %dma_wait3A_360] : memref<1x256xi32, #tpu.memory_space<vmem>> -> memref<1x256xi32, #tpu.memory_space<vmem>>
            %dma_wait3A_362 = tpu.memref_squeeze %dma_wait3A_361 : memref<1x256xi32, #tpu.memory_space<vmem>> -> memref<256xi32, #tpu.memory_space<vmem>>
            %dma_wait3A_363 = arith.constant 0 : i32
            %dma_wait3A_364 = arith.constant 0 : i32
            %dma_wait3A_365 = tpu.memref_slice %arg7[%dma_wait3A_363, %dma_wait3A_364] : memref<5888x128xf32, #tpu.memory_space<hbm>> -> memref<5888x128xf32, #tpu.memory_space<hbm>>
            tpu.wait_indirect_dma semaphore(%run_scoped3A_338 : memref<!tpu.dma_semaphore, #tpu.memory_space<semaphore_mem>>) src(%dma_wait3A_355 : memref<256x128xf32, #tpu.memory_space<vmem>>) dst(%dma_wait3A_365 : memref<5888x128xf32, #tpu.memory_space<hbm>>)
            tpu.yield
          }) : () -> ()
          "tpu.trace_stop"() : () -> ()
          %ne3A_271 = arith.cmpi ne, %add3A_188, %add3A_206 : i32
          %or3A_272 = arith.constant false
          %or3A_273 = arith.ori %or3A_272, %ne3A_271 : i1
          %or3A_274 = arith.constant false
          %or3A_275 = arith.ori %or3A_273, %or3A_274 : i1
          %or3A_276 = arith.ori %or3A_275, %eq3A_187 : i1
          %convert_element_type3A_277 = arith.extui %or3A_276 : i1 to i32
          %cond3A_278 = arith.constant 0 : i32
          %cond3A_279 = arith.cmpi ne, %convert_element_type3A_277, %cond3A_278 : i32
          scf.if %cond3A_279 {
          } else {
          }
          %and3A_280 = arith.constant false
          %and3A_281 = arith.andi %or3A_276, %and3A_280 : i1
          %ne3A_282 = arith.cmpi ne, %add3A_188, %add3A_206 : i32
          %or3A_283 = arith.constant false
          %or3A_284 = arith.ori %or3A_283, %ne3A_282 : i1
          %or3A_285 = arith.ori %or3A_284, %eq3A_187 : i1
          %convert_element_type3A_286 = arith.extui %or3A_285 : i1 to i32
          %cond3A_287 = arith.constant 0 : i32
          %cond3A_288 = arith.cmpi ne, %convert_element_type3A_286, %cond3A_287 : i32
          scf.if %cond3A_288 {
          } else {
          }
          %and3A_289 = arith.constant false
          %and3A_290 = arith.andi %or3A_285, %and3A_289 : i1
          %ne3A_291 = arith.cmpi ne, %add3A_188, %add3A_198 : i32
          %or3A_292 = arith.constant false
          %or3A_293 = arith.ori %or3A_292, %ne3A_291 : i1
          %or3A_294 = arith.constant false
          %or3A_295 = arith.ori %or3A_293, %or3A_294 : i1
          %not3A_296 = arith.constant true
          %not3A_297 = arith.xori %eq3A_184, %not3A_296 : i1
          %and3A_298 = arith.andi %or3A_295, %not3A_297 : i1
          %convert_element_type3A_299 = arith.extui %and3A_298 : i1 to i32
          %cond3A_300 = arith.constant 0 : i32
          %cond3A_301 = arith.cmpi ne, %convert_element_type3A_299, %cond3A_300 : i32
          scf.if %cond3A_301 {
          } else {
          }
          %and3A_302 = arith.constant false
          %and3A_303 = arith.andi %and3A_298, %and3A_302 : i1
          %ne3A_304 = arith.cmpi ne, %add3A_188, %add3A_198 : i32
          %or3A_305 = arith.constant false
          %or3A_306 = arith.ori %or3A_305, %ne3A_304 : i1
          %not3A_307 = arith.constant true
          %not3A_308 = arith.xori %eq3A_184, %not3A_307 : i1
          %and3A_309 = arith.andi %or3A_306, %not3A_308 : i1
          %convert_element_type3A_310 = arith.extui %and3A_309 : i1 to i32
          %cond3A_311 = arith.constant 0 : i32
          %cond3A_312 = arith.cmpi ne, %convert_element_type3A_310, %cond3A_311 : i32
          scf.if %cond3A_312 {
          } else {
          }
          %and3A_313 = arith.constant false
          %and3A_314 = arith.andi %and3A_309, %and3A_313 : i1
          %ne3A_315 = arith.cmpi ne, %add3A_188, %add3A_206 : i32
          %or3A_316 = arith.constant false
          %or3A_317 = arith.ori %or3A_316, %ne3A_315 : i1
          %or3A_318 = arith.constant false
          %or3A_319 = arith.ori %or3A_317, %or3A_318 : i1
          %or3A_320 = arith.ori %or3A_319, %eq3A_187 : i1
          %add3A_321 = arith.constant 1 : i32
          %add3A_322 = arith.addi %while3A_177, %add3A_321 : i32
          %select_n3A_323 = arith.select %or3A_320, %add3A_322, %while3A_177 : i32
          %ne3A_324 = arith.cmpi ne, %add3A_188, %add3A_206 : i32
          %or3A_325 = arith.constant false
          %or3A_326 = arith.ori %or3A_325, %ne3A_324 : i1
          %or3A_327 = arith.ori %or3A_326, %eq3A_187 : i1
          %add3A_328 = arith.constant 1 : i32
          %add3A_329 = arith.addi %while3A_179, %add3A_328 : i32
          %select_n3A_330 = arith.select %or3A_327, %add3A_329, %while3A_179 : i32
          %add3A_331 = arith.constant 1 : i32
          %add3A_332 = arith.addi %while3A_180, %add3A_331 : i32
          %select_n3A_333 = arith.constant true
          %select_n3A_334 = arith.select %select_n3A_333, %add3A_332, %while3A_180 : i32
          %eq3A_335 = arith.cmpi eq, %select_n3A_334, %select_n3A : i32
          %select_n3A_336 = arith.constant 0 : i32
          %select_n3A_337 = arith.select %eq3A_335, %select_n3A_336, %select_n3A_334 : i32
          scf.yield %select_n3A_230, %select_n3A_323, %select_n3A_249, %select_n3A_330, %select_n3A_337 : i32, i32, i32, i32, i32
        }
        %sub3A_124 = arith.constant 1 : i32
        %sub3A_125 = arith.subi %while3A_123#4, %sub3A_124 : i32
        %select_n3A_126 = arith.constant true
        %select_n3A_127 = arith.select %select_n3A_126, %sub3A_125, %while3A_123#4 : i32
        %eq3A_128 = arith.constant -1 : i32
        %eq3A_129 = arith.cmpi eq, %select_n3A_127, %eq3A_128 : i32
        %sub3A_130 = arith.constant 1 : i32
        %sub3A_131 = arith.subi %select_n3A, %sub3A_130 : i32
        %select_n3A_132 = arith.select %eq3A_129, %sub3A_131, %select_n3A_127 : i32
        %sub3A_133 = arith.constant 1 : i32
        %sub3A_134 = arith.subi %mul3A_25, %sub3A_133 : i32
        %mul3A_135 = arith.constant 1 : i32
        %mul3A_136 = arith.muli %mul3A_135, %select_n3A : i32
        %eq3A_137 = arith.constant 0 : i32
        %eq3A_138 = arith.cmpi eq, %sub3A_134, %eq3A_137 : i32
        %sub3A_139 = arith.constant 1 : i32
        %sub3A_140 = arith.subi %mul3A_136, %sub3A_139 : i32
        %eq3A_141 = arith.cmpi eq, %sub3A_134, %sub3A_140 : i32
        %add3A_142 = arith.addi %select_n3A_132, %select_n3A_23 : i32
        %sub3A_143 = arith.constant 1 : i32
        %sub3A_144 = arith.subi %select_n3A_132, %sub3A_143 : i32
        %select_n3A_145 = arith.constant true
        %select_n3A_146 = arith.select %select_n3A_145, %sub3A_144, %select_n3A_132 : i32
        %eq3A_147 = arith.constant -1 : i32
        %eq3A_148 = arith.cmpi eq, %select_n3A_146, %eq3A_147 : i32
        %sub3A_149 = arith.constant 1 : i32
        %sub3A_150 = arith.subi %select_n3A, %sub3A_149 : i32
        %select_n3A_151 = arith.select %eq3A_148, %sub3A_150, %select_n3A_146 : i32
        %add3A_152 = arith.addi %select_n3A_151, %select_n3A_23 : i32
        %add3A_153 = arith.constant 1 : i32
        %add3A_154 = arith.addi %select_n3A_132, %add3A_153 : i32
        %select_n3A_155 = arith.constant true
        %select_n3A_156 = arith.select %select_n3A_155, %add3A_154, %select_n3A_132 : i32
        %eq3A_157 = arith.cmpi eq, %select_n3A_156, %select_n3A : i32
        %select_n3A_158 = arith.constant 0 : i32
        %select_n3A_159 = arith.select %eq3A_157, %select_n3A_158, %select_n3A_156 : i32
        %add3A_160 = arith.addi %select_n3A_159, %select_n3A_23 : i32
        %add3A_161 = arith.constant 1 : i32
        %add3A_162 = arith.addi %select_n3A_159, %add3A_161 : i32
        %select_n3A_163 = arith.constant true
        %select_n3A_164 = arith.select %select_n3A_163, %add3A_162, %select_n3A_159 : i32
        %eq3A_165 = arith.cmpi eq, %select_n3A_164, %select_n3A : i32
        %select_n3A_166 = arith.constant 0 : i32
        %select_n3A_167 = arith.select %eq3A_165, %select_n3A_166, %select_n3A_164 : i32
        %add3A_168 = arith.addi %select_n3A_167, %select_n3A_23 : i32
        %convert_element_type3A_169 = arith.extui %eq3A_141 : i1 to i32
        %cond3A_170 = arith.constant 0 : i32
        %cond3A_171 = arith.cmpi ne, %convert_element_type3A_169, %cond3A_170 : i32
        scf.if %cond3A_171 {
        } else {
        }
        %convert_element_type3A_172 = arith.extui %eq3A_141 : i1 to i32
        %cond3A_173 = arith.constant 0 : i32
        %cond3A_174 = arith.cmpi ne, %convert_element_type3A_172, %cond3A_173 : i32
        scf.if %cond3A_174 {
        } else {
        }
      } else {
      }
      tpu.yield
    }) : () -> ()
    return
  }
}

#map = affine_map<(d0, d1) -> (0, 0)>
module attributes {stable_mosaic.version = 14 : i64} {
  func.func @k(%arg0: i32, %arg1: i32, %arg2: memref<47104x128xf32, #tpu.memory_space<hbm>>, %arg3: memref<1x32768xi32, #tpu.memory_space<hbm>>, %arg4: memref<16384x128xf32, #tpu.memory_space<hbm>>) attributes {dimension_semantics = [#tpu.dimension_semantics<core_parallel>, #tpu.dimension_semantics<subcore_parallel>], iteration_bounds = array<i64: 2, 16>, scalar_prefetch = 0 : i64, scratch_operands = 0 : i64, tpu.core_type = #tpu.core_type<sc_vector_subcore>, window_params = [{transform_indices = #map}, {transform_indices = #map}, {transform_indices = #map}]} {
    %mul3A = arith.constant 1 : i32
    %mul3A_0 = arith.muli %arg1, %mul3A : i32
    %add3A = arith.constant 0 : i32
    %add3A_1 = arith.addi %add3A, %mul3A_0 : i32
    %mul3A_2 = arith.constant 16 : i32
    %mul3A_3 = arith.muli %arg0, %mul3A_2 : i32
    %add3A_4 = arith.addi %add3A_1, %mul3A_3 : i32
    %mul3A_5 = arith.constant 2 : i32
    %mul3A_6 = arith.muli %add3A_4, %mul3A_5 : i32
    "tpu.region"() ({
      %run_scoped3A = memref.alloca() : memref<2x1x256xi32, #tpu.memory_space<vmem>>
      %run_scoped3A_7 = tpu.sem_alloc : memref<2x!tpu.dma_semaphore, #tpu.memory_space<semaphore_mem>>
      %run_scoped3A_8 = memref.alloca() : memref<2x1x256xi32, #tpu.memory_space<vmem>>
      %run_scoped3A_9 = tpu.sem_alloc : memref<2x!tpu.dma_semaphore, #tpu.memory_space<semaphore_mem>>
      %run_scoped3A_10 = memref.alloca() : memref<2x256x128xf32, #tpu.memory_space<vmem>>
      %run_scoped3A_11 = tpu.sem_alloc : memref<2x!tpu.dma_semaphore, #tpu.memory_space<semaphore_mem>>
      %add3A_12 = arith.constant 0 : i32
      %add3A_13 = arith.addi %add3A_12, %mul3A_6 : i32
      %select_n3A = arith.constant true
      %select_n3A_14 = arith.constant 0 : i32
      %select_n3A_15 = arith.constant -1 : i32
      %select_n3A_16 = arith.select %select_n3A, %select_n3A_15, %select_n3A_14 : i32
      %eq3A = arith.constant -1 : i32
      %eq3A_17 = arith.cmpi eq, %select_n3A_16, %eq3A : i32
      %select_n3A_18 = arith.constant 1 : i32
      %select_n3A_19 = arith.select %eq3A_17, %select_n3A_18, %select_n3A_16 : i32
      %add3A_20 = arith.addi %select_n3A_19, %mul3A_6 : i32
      %select_n3A_21 = arith.constant true
      %select_n3A_22 = arith.constant 0 : i32
      %select_n3A_23 = arith.constant 1 : i32
      %select_n3A_24 = arith.select %select_n3A_21, %select_n3A_23, %select_n3A_22 : i32
      %eq3A_25 = arith.constant 2 : i32
      %eq3A_26 = arith.cmpi eq, %select_n3A_24, %eq3A_25 : i32
      %select_n3A_27 = arith.constant 0 : i32
      %select_n3A_28 = arith.select %eq3A_26, %select_n3A_27, %select_n3A_24 : i32
      %add3A_29 = arith.addi %select_n3A_28, %mul3A_6 : i32
      %add3A_30 = arith.constant 1 : i32
      %add3A_31 = arith.addi %select_n3A_28, %add3A_30 : i32
      %select_n3A_32 = arith.constant true
      %select_n3A_33 = arith.select %select_n3A_32, %add3A_31, %select_n3A_28 : i32
      %eq3A_34 = arith.constant 2 : i32
      %eq3A_35 = arith.cmpi eq, %select_n3A_33, %eq3A_34 : i32
      %select_n3A_36 = arith.constant 0 : i32
      %select_n3A_37 = arith.select %eq3A_35, %select_n3A_36, %select_n3A_33 : i32
      %add3A_38 = arith.addi %select_n3A_37, %mul3A_6 : i32
      "tpu.trace_start"() <{level = 10 : i32, message = "ep_initialize_0"}> : () -> ()
      %rem3A = arith.constant 0 : i32
      %rem3A_39 = arith.constant 2 : i32
      %rem3A_40 = arith.remui %rem3A, %rem3A_39 : i32
      %mul3A_41 = arith.constant 256 : i32
      %mul3A_42 = arith.muli %mul3A_41, %add3A_13 : i32
      %dma_start3A = arith.constant 0 : i32
      %dma_start3A_43 = arith.constant 0 : i32
      %dma_start3A_44 = tpu.memref_slice %run_scoped3A[%rem3A_40, %dma_start3A, %dma_start3A_43] : memref<2x1x256xi32, #tpu.memory_space<vmem>> -> memref<1x1x256xi32, #tpu.memory_space<vmem>>
      %dma_start3A_45 = tpu.memref_squeeze %dma_start3A_44 : memref<1x1x256xi32, #tpu.memory_space<vmem>> -> memref<1x256xi32, #tpu.memory_space<vmem>>
      %dma_start3A_46 = arith.constant 0 : i32
      %dma_start3A_47 = tpu.memref_slice %arg3[%dma_start3A_46, %mul3A_42] : memref<1x32768xi32, #tpu.memory_space<hbm>> -> memref<1x256xi32, #tpu.memory_space<hbm>>
      %dma_start3A_48 = tpu.memref_slice %run_scoped3A_7[%rem3A_40] : memref<2x!tpu.dma_semaphore, #tpu.memory_space<semaphore_mem>> -> memref<1x!tpu.dma_semaphore, #tpu.memory_space<semaphore_mem>>
      %dma_start3A_49 = tpu.memref_squeeze %dma_start3A_48 : memref<1x!tpu.dma_semaphore, #tpu.memory_space<semaphore_mem>> -> memref<!tpu.dma_semaphore, #tpu.memory_space<semaphore_mem>>
      %dma_start3A_50 = arith.constant 0 : i32
      %dma_start3A_51 = arith.constant 0 : i32
      %dma_start3A_52 = tpu.memref_slice %run_scoped3A[%rem3A_40, %dma_start3A_50, %dma_start3A_51] : memref<2x1x256xi32, #tpu.memory_space<vmem>> -> memref<1x1x256xi32, #tpu.memory_space<vmem>>
      %dma_start3A_53 = tpu.memref_squeeze %dma_start3A_52 : memref<1x1x256xi32, #tpu.memory_space<vmem>> -> memref<1x256xi32, #tpu.memory_space<vmem>>
      %dma_start3A_54 = arith.constant 0 : i32
      %dma_start3A_55 = tpu.memref_slice %arg3[%dma_start3A_54, %mul3A_42] : memref<1x32768xi32, #tpu.memory_space<hbm>> -> memref<1x256xi32, #tpu.memory_space<hbm>>
      tpu.enqueue_dma source(%dma_start3A_55 : memref<1x256xi32, #tpu.memory_space<hbm>>) target(%dma_start3A_53 : memref<1x256xi32, #tpu.memory_space<vmem>>) target_semaphore(%dma_start3A_49 : memref<!tpu.dma_semaphore, #tpu.memory_space<semaphore_mem>>)
      %add3A_56 = arith.constant 0 : i32
      %add3A_57 = arith.constant 1 : i32
      %add3A_58 = arith.addi %add3A_56, %add3A_57 : i32
      %select_n3A_59 = arith.constant true
      %select_n3A_60 = arith.constant 0 : i32
      %select_n3A_61 = arith.select %select_n3A_59, %add3A_58, %select_n3A_60 : i32
      %rem3A_62 = arith.constant 0 : i32
      %rem3A_63 = arith.constant 2 : i32
      %rem3A_64 = arith.remui %rem3A_62, %rem3A_63 : i32
      %add3A_65 = arith.constant 64 : i32
      %add3A_66 = arith.addi %add3A_13, %add3A_65 : i32
      %mul3A_67 = arith.constant 256 : i32
      %mul3A_68 = arith.muli %mul3A_67, %add3A_66 : i32
      %dma_start3A_69 = arith.constant 0 : i32
      %dma_start3A_70 = arith.constant 0 : i32
      %dma_start3A_71 = tpu.memref_slice %run_scoped3A_8[%rem3A_64, %dma_start3A_69, %dma_start3A_70] : memref<2x1x256xi32, #tpu.memory_space<vmem>> -> memref<1x1x256xi32, #tpu.memory_space<vmem>>
      %dma_start3A_72 = tpu.memref_squeeze %dma_start3A_71 : memref<1x1x256xi32, #tpu.memory_space<vmem>> -> memref<1x256xi32, #tpu.memory_space<vmem>>
      %dma_start3A_73 = arith.constant 0 : i32
      %dma_start3A_74 = tpu.memref_slice %arg3[%dma_start3A_73, %mul3A_68] : memref<1x32768xi32, #tpu.memory_space<hbm>> -> memref<1x256xi32, #tpu.memory_space<hbm>>
      %dma_start3A_75 = tpu.memref_slice %run_scoped3A_9[%rem3A_64] : memref<2x!tpu.dma_semaphore, #tpu.memory_space<semaphore_mem>> -> memref<1x!tpu.dma_semaphore, #tpu.memory_space<semaphore_mem>>
      %dma_start3A_76 = tpu.memref_squeeze %dma_start3A_75 : memref<1x!tpu.dma_semaphore, #tpu.memory_space<semaphore_mem>> -> memref<!tpu.dma_semaphore, #tpu.memory_space<semaphore_mem>>
      %dma_start3A_77 = arith.constant 0 : i32
      %dma_start3A_78 = arith.constant 0 : i32
      %dma_start3A_79 = tpu.memref_slice %run_scoped3A_8[%rem3A_64, %dma_start3A_77, %dma_start3A_78] : memref<2x1x256xi32, #tpu.memory_space<vmem>> -> memref<1x1x256xi32, #tpu.memory_space<vmem>>
      %dma_start3A_80 = tpu.memref_squeeze %dma_start3A_79 : memref<1x1x256xi32, #tpu.memory_space<vmem>> -> memref<1x256xi32, #tpu.memory_space<vmem>>
      %dma_start3A_81 = arith.constant 0 : i32
      %dma_start3A_82 = tpu.memref_slice %arg3[%dma_start3A_81, %mul3A_68] : memref<1x32768xi32, #tpu.memory_space<hbm>> -> memref<1x256xi32, #tpu.memory_space<hbm>>
      tpu.enqueue_dma source(%dma_start3A_82 : memref<1x256xi32, #tpu.memory_space<hbm>>) target(%dma_start3A_80 : memref<1x256xi32, #tpu.memory_space<vmem>>) target_semaphore(%dma_start3A_76 : memref<!tpu.dma_semaphore, #tpu.memory_space<semaphore_mem>>)
      %add3A_83 = arith.constant 0 : i32
      %add3A_84 = arith.constant 1 : i32
      %add3A_85 = arith.addi %add3A_83, %add3A_84 : i32
      %select_n3A_86 = arith.constant true
      %select_n3A_87 = arith.constant 0 : i32
      %select_n3A_88 = arith.select %select_n3A_86, %add3A_85, %select_n3A_87 : i32
      "tpu.trace_stop"() : () -> ()
      %scan3A = arith.constant 0 : i32
      %scan3A_89 = arith.constant 0 : i32
      %scan3A_90 = arith.constant 0 : i32
      %scan3A_91 = arith.constant 0 : i32
      %scan3A_92 = arith.constant 0 : i32
      %scan3A_93 = arith.constant 0 : i32
      %scan3A_94 = arith.constant 2 : i32
      %scan3A_95 = arith.addi %scan3A_93, %scan3A_94 : i32
      %scan3A_96 = arith.constant 1 : i32
      %scan3A_97:7 = scf.for %scan3A_151 = %scan3A_93 to %scan3A_95 step %scan3A_96 iter_args(%scan3A_152 = %select_n3A_61, %scan3A_153 = %scan3A, %scan3A_154 = %select_n3A_88, %scan3A_155 = %scan3A_89, %scan3A_156 = %scan3A_90, %scan3A_157 = %scan3A_91, %scan3A_158 = %scan3A_92) -> (i32, i32, i32, i32, i32, i32, i32)  : i32 {
        %eq3A_159 = arith.constant 0 : i32
        %eq3A_160 = arith.cmpi eq, %scan3A_151, %eq3A_159 : i32
        %eq3A_161 = arith.constant 1 : i32
        %eq3A_162 = arith.cmpi eq, %scan3A_151, %eq3A_161 : i32
        %add3A_163 = arith.addi %scan3A_158, %mul3A_6 : i32
        %sub3A_164 = arith.constant 1 : i32
        %sub3A_165 = arith.subi %scan3A_158, %sub3A_164 : i32
        %select_n3A_166 = arith.constant true
        %select_n3A_167 = arith.select %select_n3A_166, %sub3A_165, %scan3A_158 : i32
        %eq3A_168 = arith.constant -1 : i32
        %eq3A_169 = arith.cmpi eq, %select_n3A_167, %eq3A_168 : i32
        %select_n3A_170 = arith.constant 1 : i32
        %select_n3A_171 = arith.select %eq3A_169, %select_n3A_170, %select_n3A_167 : i32
        %add3A_172 = arith.addi %select_n3A_171, %mul3A_6 : i32
        %add3A_173 = arith.constant 1 : i32
        %add3A_174 = arith.addi %scan3A_158, %add3A_173 : i32
        %select_n3A_175 = arith.constant true
        %select_n3A_176 = arith.select %select_n3A_175, %add3A_174, %scan3A_158 : i32
        %eq3A_177 = arith.constant 2 : i32
        %eq3A_178 = arith.cmpi eq, %select_n3A_176, %eq3A_177 : i32
        %select_n3A_179 = arith.constant 0 : i32
        %select_n3A_180 = arith.select %eq3A_178, %select_n3A_179, %select_n3A_176 : i32
        %add3A_181 = arith.addi %select_n3A_180, %mul3A_6 : i32
        %add3A_182 = arith.constant 1 : i32
        %add3A_183 = arith.addi %select_n3A_180, %add3A_182 : i32
        %select_n3A_184 = arith.constant true
        %select_n3A_185 = arith.select %select_n3A_184, %add3A_183, %select_n3A_180 : i32
        %eq3A_186 = arith.constant 2 : i32
        %eq3A_187 = arith.cmpi eq, %select_n3A_185, %eq3A_186 : i32
        %select_n3A_188 = arith.constant 0 : i32
        %select_n3A_189 = arith.select %eq3A_187, %select_n3A_188, %select_n3A_185 : i32
        %add3A_190 = arith.addi %select_n3A_189, %mul3A_6 : i32
        %ne3A = arith.cmpi ne, %add3A_163, %add3A_181 : i32
        %or3A = arith.constant false
        %or3A_191 = arith.ori %or3A, %ne3A : i1
        %ge3A = arith.constant 1 : i32
        %ge3A_192 = arith.cmpi sge, %scan3A_151, %ge3A : i32
        %not3A = arith.constant true
        %not3A_193 = arith.xori %ge3A_192, %not3A : i1
        %and3A = arith.andi %or3A_191, %not3A_193 : i1
        %convert_element_type3A = arith.extui %and3A : i1 to i32
        %cond3A = arith.constant 0 : i32
        %cond3A_194 = arith.cmpi ne, %convert_element_type3A, %cond3A : i32
        scf.if %cond3A_194 {
          "tpu.trace_start"() <{level = 10 : i32, message = "ep_copy_in"}> : () -> ()
          %rem3A_369 = arith.constant 2 : i32
          %rem3A_370 = arith.remui %scan3A_152, %rem3A_369 : i32
          %mul3A_371 = arith.constant 256 : i32
          %mul3A_372 = arith.muli %mul3A_371, %add3A_181 : i32
          %dma_start3A_373 = arith.constant 0 : i32
          %dma_start3A_374 = arith.constant 0 : i32
          %dma_start3A_375 = tpu.memref_slice %run_scoped3A[%rem3A_370, %dma_start3A_373, %dma_start3A_374] : memref<2x1x256xi32, #tpu.memory_space<vmem>> -> memref<1x1x256xi32, #tpu.memory_space<vmem>>
          %dma_start3A_376 = tpu.memref_squeeze %dma_start3A_375 : memref<1x1x256xi32, #tpu.memory_space<vmem>> -> memref<1x256xi32, #tpu.memory_space<vmem>>
          %dma_start3A_377 = arith.constant 0 : i32
          %dma_start3A_378 = tpu.memref_slice %arg3[%dma_start3A_377, %mul3A_372] : memref<1x32768xi32, #tpu.memory_space<hbm>> -> memref<1x256xi32, #tpu.memory_space<hbm>>
          %dma_start3A_379 = tpu.memref_slice %run_scoped3A_7[%rem3A_370] : memref<2x!tpu.dma_semaphore, #tpu.memory_space<semaphore_mem>> -> memref<1x!tpu.dma_semaphore, #tpu.memory_space<semaphore_mem>>
          %dma_start3A_380 = tpu.memref_squeeze %dma_start3A_379 : memref<1x!tpu.dma_semaphore, #tpu.memory_space<semaphore_mem>> -> memref<!tpu.dma_semaphore, #tpu.memory_space<semaphore_mem>>
          %dma_start3A_381 = arith.constant 0 : i32
          %dma_start3A_382 = arith.constant 0 : i32
          %dma_start3A_383 = tpu.memref_slice %run_scoped3A[%rem3A_370, %dma_start3A_381, %dma_start3A_382] : memref<2x1x256xi32, #tpu.memory_space<vmem>> -> memref<1x1x256xi32, #tpu.memory_space<vmem>>
          %dma_start3A_384 = tpu.memref_squeeze %dma_start3A_383 : memref<1x1x256xi32, #tpu.memory_space<vmem>> -> memref<1x256xi32, #tpu.memory_space<vmem>>
          %dma_start3A_385 = arith.constant 0 : i32
          %dma_start3A_386 = tpu.memref_slice %arg3[%dma_start3A_385, %mul3A_372] : memref<1x32768xi32, #tpu.memory_space<hbm>> -> memref<1x256xi32, #tpu.memory_space<hbm>>
          tpu.enqueue_dma source(%dma_start3A_386 : memref<1x256xi32, #tpu.memory_space<hbm>>) target(%dma_start3A_384 : memref<1x256xi32, #tpu.memory_space<vmem>>) target_semaphore(%dma_start3A_380 : memref<!tpu.dma_semaphore, #tpu.memory_space<semaphore_mem>>)
          "tpu.trace_stop"() : () -> ()
        } else {
        }
        %and3A_195 = arith.constant true
        %and3A_196 = arith.andi %and3A, %and3A_195 : i1
        %add3A_197 = arith.constant 1 : i32
        %add3A_198 = arith.addi %scan3A_152, %add3A_197 : i32
        %select_n3A_199 = arith.select %and3A_196, %add3A_198, %scan3A_152 : i32
        %add3A_200 = arith.constant 64 : i32
        %add3A_201 = arith.addi %add3A_163, %add3A_200 : i32
        %add3A_202 = arith.constant 64 : i32
        %add3A_203 = arith.addi %add3A_181, %add3A_202 : i32
        %ne3A_204 = arith.cmpi ne, %add3A_201, %add3A_203 : i32
        %or3A_205 = arith.constant false
        %or3A_206 = arith.ori %or3A_205, %ne3A_204 : i1
        %ge3A_207 = arith.constant 1 : i32
        %ge3A_208 = arith.cmpi sge, %scan3A_151, %ge3A_207 : i32
        %not3A_209 = arith.constant true
        %not3A_210 = arith.xori %ge3A_208, %not3A_209 : i1
        %and3A_211 = arith.andi %or3A_206, %not3A_210 : i1
        %convert_element_type3A_212 = arith.extui %and3A_211 : i1 to i32
        %cond3A_213 = arith.constant 0 : i32
        %cond3A_214 = arith.cmpi ne, %convert_element_type3A_212, %cond3A_213 : i32
        scf.if %cond3A_214 {
          "tpu.trace_start"() <{level = 10 : i32, message = "ep_copy_in"}> : () -> ()
          %rem3A_369 = arith.constant 2 : i32
          %rem3A_370 = arith.remui %scan3A_154, %rem3A_369 : i32
          %add3A_371 = arith.constant 64 : i32
          %add3A_372 = arith.addi %add3A_181, %add3A_371 : i32
          %mul3A_373 = arith.constant 256 : i32
          %mul3A_374 = arith.muli %mul3A_373, %add3A_372 : i32
          %dma_start3A_375 = arith.constant 0 : i32
          %dma_start3A_376 = arith.constant 0 : i32
          %dma_start3A_377 = tpu.memref_slice %run_scoped3A_8[%rem3A_370, %dma_start3A_375, %dma_start3A_376] : memref<2x1x256xi32, #tpu.memory_space<vmem>> -> memref<1x1x256xi32, #tpu.memory_space<vmem>>
          %dma_start3A_378 = tpu.memref_squeeze %dma_start3A_377 : memref<1x1x256xi32, #tpu.memory_space<vmem>> -> memref<1x256xi32, #tpu.memory_space<vmem>>
          %dma_start3A_379 = arith.constant 0 : i32
          %dma_start3A_380 = tpu.memref_slice %arg3[%dma_start3A_379, %mul3A_374] : memref<1x32768xi32, #tpu.memory_space<hbm>> -> memref<1x256xi32, #tpu.memory_space<hbm>>
          %dma_start3A_381 = tpu.memref_slice %run_scoped3A_9[%rem3A_370] : memref<2x!tpu.dma_semaphore, #tpu.memory_space<semaphore_mem>> -> memref<1x!tpu.dma_semaphore, #tpu.memory_space<semaphore_mem>>
          %dma_start3A_382 = tpu.memref_squeeze %dma_start3A_381 : memref<1x!tpu.dma_semaphore, #tpu.memory_space<semaphore_mem>> -> memref<!tpu.dma_semaphore, #tpu.memory_space<semaphore_mem>>
          %dma_start3A_383 = arith.constant 0 : i32
          %dma_start3A_384 = arith.constant 0 : i32
          %dma_start3A_385 = tpu.memref_slice %run_scoped3A_8[%rem3A_370, %dma_start3A_383, %dma_start3A_384] : memref<2x1x256xi32, #tpu.memory_space<vmem>> -> memref<1x1x256xi32, #tpu.memory_space<vmem>>
          %dma_start3A_386 = tpu.memref_squeeze %dma_start3A_385 : memref<1x1x256xi32, #tpu.memory_space<vmem>> -> memref<1x256xi32, #tpu.memory_space<vmem>>
          %dma_start3A_387 = arith.constant 0 : i32
          %dma_start3A_388 = tpu.memref_slice %arg3[%dma_start3A_387, %mul3A_374] : memref<1x32768xi32, #tpu.memory_space<hbm>> -> memref<1x256xi32, #tpu.memory_space<hbm>>
          tpu.enqueue_dma source(%dma_start3A_388 : memref<1x256xi32, #tpu.memory_space<hbm>>) target(%dma_start3A_386 : memref<1x256xi32, #tpu.memory_space<vmem>>) target_semaphore(%dma_start3A_382 : memref<!tpu.dma_semaphore, #tpu.memory_space<semaphore_mem>>)
          "tpu.trace_stop"() : () -> ()
        } else {
        }
        %and3A_215 = arith.constant true
        %and3A_216 = arith.andi %and3A_211, %and3A_215 : i1
        %add3A_217 = arith.constant 1 : i32
        %add3A_218 = arith.addi %scan3A_154, %add3A_217 : i32
        %select_n3A_219 = arith.select %and3A_216, %add3A_218, %scan3A_154 : i32
        %ne3A_220 = arith.cmpi ne, %add3A_163, %add3A_181 : i32
        %or3A_221 = arith.constant false
        %or3A_222 = arith.ori %or3A_221, %ne3A_220 : i1
        %or3A_223 = arith.constant false
        %or3A_224 = arith.ori %or3A_222, %or3A_223 : i1
        %ge3A_225 = arith.constant 1 : i32
        %ge3A_226 = arith.cmpi sge, %scan3A_151, %ge3A_225 : i32
        %not3A_227 = arith.constant true
        %not3A_228 = arith.xori %ge3A_226, %not3A_227 : i1
        %and3A_229 = arith.andi %or3A_224, %not3A_228 : i1
        %ne3A_230 = arith.cmpi ne, %add3A_163, %add3A_172 : i32
        %or3A_231 = arith.constant false
        %or3A_232 = arith.ori %or3A_231, %ne3A_230 : i1
        %or3A_233 = arith.ori %or3A_232, %eq3A_160 : i1
        %convert_element_type3A_234 = arith.extui %or3A_233 : i1 to i32
        %cond3A_235 = arith.constant 0 : i32
        %cond3A_236 = arith.cmpi ne, %convert_element_type3A_234, %cond3A_235 : i32
        scf.if %cond3A_236 {
          "tpu.trace_start"() <{level = 10 : i32, message = "ep_wait_in"}> : () -> ()
          %mul3A_369 = arith.constant 256 : i32
          %mul3A_370 = arith.muli %mul3A_369, %add3A_163 : i32
          %rem3A_371 = arith.constant 2 : i32
          %rem3A_372 = arith.remui %scan3A_153, %rem3A_371 : i32
          %dma_wait3A_373 = arith.constant 0 : i32
          %dma_wait3A_374 = arith.constant 0 : i32
          %dma_wait3A_375 = tpu.memref_slice %run_scoped3A[%rem3A_372, %dma_wait3A_373, %dma_wait3A_374] : memref<2x1x256xi32, #tpu.memory_space<vmem>> -> memref<1x1x256xi32, #tpu.memory_space<vmem>>
          %dma_wait3A_376 = tpu.memref_squeeze %dma_wait3A_375 : memref<1x1x256xi32, #tpu.memory_space<vmem>> -> memref<1x256xi32, #tpu.memory_space<vmem>>
          %dma_wait3A_377 = arith.constant 0 : i32
          %dma_wait3A_378 = tpu.memref_slice %arg3[%dma_wait3A_377, %mul3A_370] : memref<1x32768xi32, #tpu.memory_space<hbm>> -> memref<1x256xi32, #tpu.memory_space<hbm>>
          %dma_wait3A_379 = tpu.memref_slice %run_scoped3A_7[%rem3A_372] : memref<2x!tpu.dma_semaphore, #tpu.memory_space<semaphore_mem>> -> memref<1x!tpu.dma_semaphore, #tpu.memory_space<semaphore_mem>>
          %dma_wait3A_380 = tpu.memref_squeeze %dma_wait3A_379 : memref<1x!tpu.dma_semaphore, #tpu.memory_space<semaphore_mem>> -> memref<!tpu.dma_semaphore, #tpu.memory_space<semaphore_mem>>
          %dma_wait3A_381 = arith.constant 0 : i32
          %dma_wait3A_382 = arith.constant 0 : i32
          %dma_wait3A_383 = tpu.memref_slice %run_scoped3A[%rem3A_372, %dma_wait3A_381, %dma_wait3A_382] : memref<2x1x256xi32, #tpu.memory_space<vmem>> -> memref<1x1x256xi32, #tpu.memory_space<vmem>>
          %dma_wait3A_384 = tpu.memref_squeeze %dma_wait3A_383 : memref<1x1x256xi32, #tpu.memory_space<vmem>> -> memref<1x256xi32, #tpu.memory_space<vmem>>
          %dma_wait3A_385 = arith.constant 0 : i32
          %dma_wait3A_386 = tpu.memref_slice %arg3[%dma_wait3A_385, %mul3A_370] : memref<1x32768xi32, #tpu.memory_space<hbm>> -> memref<1x256xi32, #tpu.memory_space<hbm>>
          tpu.wait_dma2 semaphore(%dma_wait3A_380 : memref<!tpu.dma_semaphore, #tpu.memory_space<semaphore_mem>>) src(%dma_wait3A_386 : memref<1x256xi32, #tpu.memory_space<hbm>>) dst(%dma_wait3A_384 : memref<1x256xi32, #tpu.memory_space<vmem>>)
          "tpu.trace_stop"() : () -> ()
        } else {
        }
        %add3A_237 = arith.constant 64 : i32
        %add3A_238 = arith.addi %add3A_163, %add3A_237 : i32
        %add3A_239 = arith.constant 64 : i32
        %add3A_240 = arith.addi %add3A_172, %add3A_239 : i32
        %ne3A_241 = arith.cmpi ne, %add3A_238, %add3A_240 : i32
        %or3A_242 = arith.constant false
        %or3A_243 = arith.ori %or3A_242, %ne3A_241 : i1
        %or3A_244 = arith.ori %or3A_243, %eq3A_160 : i1
        %convert_element_type3A_245 = arith.extui %or3A_244 : i1 to i32
        %cond3A_246 = arith.constant 0 : i32
        %cond3A_247 = arith.cmpi ne, %convert_element_type3A_245, %cond3A_246 : i32
        scf.if %cond3A_247 {
          "tpu.trace_start"() <{level = 10 : i32, message = "ep_wait_in"}> : () -> ()
          %add3A_369 = arith.constant 64 : i32
          %add3A_370 = arith.addi %add3A_163, %add3A_369 : i32
          %mul3A_371 = arith.constant 256 : i32
          %mul3A_372 = arith.muli %mul3A_371, %add3A_370 : i32
          %rem3A_373 = arith.constant 2 : i32
          %rem3A_374 = arith.remui %scan3A_155, %rem3A_373 : i32
          %dma_wait3A_375 = arith.constant 0 : i32
          %dma_wait3A_376 = arith.constant 0 : i32
          %dma_wait3A_377 = tpu.memref_slice %run_scoped3A_8[%rem3A_374, %dma_wait3A_375, %dma_wait3A_376] : memref<2x1x256xi32, #tpu.memory_space<vmem>> -> memref<1x1x256xi32, #tpu.memory_space<vmem>>
          %dma_wait3A_378 = tpu.memref_squeeze %dma_wait3A_377 : memref<1x1x256xi32, #tpu.memory_space<vmem>> -> memref<1x256xi32, #tpu.memory_space<vmem>>
          %dma_wait3A_379 = arith.constant 0 : i32
          %dma_wait3A_380 = tpu.memref_slice %arg3[%dma_wait3A_379, %mul3A_372] : memref<1x32768xi32, #tpu.memory_space<hbm>> -> memref<1x256xi32, #tpu.memory_space<hbm>>
          %dma_wait3A_381 = tpu.memref_slice %run_scoped3A_9[%rem3A_374] : memref<2x!tpu.dma_semaphore, #tpu.memory_space<semaphore_mem>> -> memref<1x!tpu.dma_semaphore, #tpu.memory_space<semaphore_mem>>
          %dma_wait3A_382 = tpu.memref_squeeze %dma_wait3A_381 : memref<1x!tpu.dma_semaphore, #tpu.memory_space<semaphore_mem>> -> memref<!tpu.dma_semaphore, #tpu.memory_space<semaphore_mem>>
          %dma_wait3A_383 = arith.constant 0 : i32
          %dma_wait3A_384 = arith.constant 0 : i32
          %dma_wait3A_385 = tpu.memref_slice %run_scoped3A_8[%rem3A_374, %dma_wait3A_383, %dma_wait3A_384] : memref<2x1x256xi32, #tpu.memory_space<vmem>> -> memref<1x1x256xi32, #tpu.memory_space<vmem>>
          %dma_wait3A_386 = tpu.memref_squeeze %dma_wait3A_385 : memref<1x1x256xi32, #tpu.memory_space<vmem>> -> memref<1x256xi32, #tpu.memory_space<vmem>>
          %dma_wait3A_387 = arith.constant 0 : i32
          %dma_wait3A_388 = tpu.memref_slice %arg3[%dma_wait3A_387, %mul3A_372] : memref<1x32768xi32, #tpu.memory_space<hbm>> -> memref<1x256xi32, #tpu.memory_space<hbm>>
          tpu.wait_dma2 semaphore(%dma_wait3A_382 : memref<!tpu.dma_semaphore, #tpu.memory_space<semaphore_mem>>) src(%dma_wait3A_388 : memref<1x256xi32, #tpu.memory_space<hbm>>) dst(%dma_wait3A_386 : memref<1x256xi32, #tpu.memory_space<vmem>>)
          "tpu.trace_stop"() : () -> ()
        } else {
        }
        %ne3A_248 = arith.cmpi ne, %add3A_163, %add3A_172 : i32
        %or3A_249 = arith.constant false
        %or3A_250 = arith.ori %or3A_249, %ne3A_248 : i1
        %or3A_251 = arith.constant false
        %or3A_252 = arith.ori %or3A_250, %or3A_251 : i1
        %or3A_253 = arith.ori %or3A_252, %eq3A_160 : i1
        %convert_element_type3A_254 = arith.extui %or3A_253 : i1 to i32
        %cond3A_255 = arith.constant 0 : i32
        %cond3A_256 = arith.cmpi ne, %convert_element_type3A_254, %cond3A_255 : i32
        scf.if %cond3A_256 {
        } else {
        }
        %rem3A_257 = arith.constant 2 : i32
        %rem3A_258 = arith.remui %scan3A_153, %rem3A_257 : i32
        %rem3A_259 = arith.constant 2 : i32
        %rem3A_260 = arith.remui %scan3A_155, %rem3A_259 : i32
        %rem3A_261 = arith.constant 2 : i32
        %rem3A_262 = arith.remui %scan3A_156, %rem3A_261 : i32
        %run_scoped3A_263 = arith.constant 0 : i32
        "tpu.trace_start"() <{level = 10 : i32, message = "ep_run_kernel"}> : () -> ()
        "tpu.region"() ({
          %run_scoped3A_369 = tpu.sem_alloc : memref<!tpu.dma_semaphore, #tpu.memory_space<semaphore_mem>>
          %dma_start3A_370 = arith.constant 0 : i32
          %dma_start3A_371 = arith.constant 0 : i32
          %dma_start3A_372 = tpu.memref_slice %run_scoped3A_10[%rem3A_262, %dma_start3A_370, %dma_start3A_371] : memref<2x256x128xf32, #tpu.memory_space<vmem>> -> memref<1x256x128xf32, #tpu.memory_space<vmem>>
          %dma_start3A_373 = tpu.memref_squeeze %dma_start3A_372 : memref<1x256x128xf32, #tpu.memory_space<vmem>> -> memref<256x128xf32, #tpu.memory_space<vmem>>
          %dma_start3A_374 = arith.constant 0 : i32
          %dma_start3A_375 = arith.constant 0 : i32
          %dma_start3A_376 = tpu.memref_slice %run_scoped3A[%rem3A_258, %dma_start3A_374, %dma_start3A_375] : memref<2x1x256xi32, #tpu.memory_space<vmem>> -> memref<1x1x256xi32, #tpu.memory_space<vmem>>
          %dma_start3A_377 = tpu.memref_squeeze %dma_start3A_376 : memref<1x1x256xi32, #tpu.memory_space<vmem>> -> memref<1x256xi32, #tpu.memory_space<vmem>>
          %dma_start3A_378 = arith.constant 0 : i32
          %dma_start3A_379 = tpu.memref_slice %dma_start3A_377[%run_scoped3A_263, %dma_start3A_378] : memref<1x256xi32, #tpu.memory_space<vmem>> -> memref<1x256xi32, #tpu.memory_space<vmem>>
          %dma_start3A_380 = tpu.memref_squeeze %dma_start3A_379 : memref<1x256xi32, #tpu.memory_space<vmem>> -> memref<256xi32, #tpu.memory_space<vmem>>
          %dma_start3A_381 = arith.constant 0 : i32
          %dma_start3A_382 = arith.constant 0 : i32
          %dma_start3A_383 = tpu.memref_slice %arg2[%dma_start3A_381, %dma_start3A_382] : memref<47104x128xf32, #tpu.memory_space<hbm>> -> memref<47104x128xf32, #tpu.memory_space<hbm>>
          tpu.enqueue_indirect_dma source(%dma_start3A_383 : memref<47104x128xf32, #tpu.memory_space<hbm>>) target(%dma_start3A_373 : memref<256x128xf32, #tpu.memory_space<vmem>>) offsets(%dma_start3A_380 : memref<256xi32, #tpu.memory_space<vmem>>) semaphore(%run_scoped3A_369 : memref<!tpu.dma_semaphore, #tpu.memory_space<semaphore_mem>>)
          %dma_wait3A_384 = arith.constant 0 : i32
          %dma_wait3A_385 = arith.constant 0 : i32
          %dma_wait3A_386 = tpu.memref_slice %run_scoped3A_10[%rem3A_262, %dma_wait3A_384, %dma_wait3A_385] : memref<2x256x128xf32, #tpu.memory_space<vmem>> -> memref<1x256x128xf32, #tpu.memory_space<vmem>>
          %dma_wait3A_387 = tpu.memref_squeeze %dma_wait3A_386 : memref<1x256x128xf32, #tpu.memory_space<vmem>> -> memref<256x128xf32, #tpu.memory_space<vmem>>
          %dma_wait3A_388 = arith.constant 0 : i32
          %dma_wait3A_389 = arith.constant 0 : i32
          %dma_wait3A_390 = tpu.memref_slice %run_scoped3A[%rem3A_258, %dma_wait3A_388, %dma_wait3A_389] : memref<2x1x256xi32, #tpu.memory_space<vmem>> -> memref<1x1x256xi32, #tpu.memory_space<vmem>>
          %dma_wait3A_391 = tpu.memref_squeeze %dma_wait3A_390 : memref<1x1x256xi32, #tpu.memory_space<vmem>> -> memref<1x256xi32, #tpu.memory_space<vmem>>
          %dma_wait3A_392 = arith.constant 0 : i32
          %dma_wait3A_393 = tpu.memref_slice %dma_wait3A_391[%run_scoped3A_263, %dma_wait3A_392] : memref<1x256xi32, #tpu.memory_space<vmem>> -> memref<1x256xi32, #tpu.memory_space<vmem>>
          %dma_wait3A_394 = tpu.memref_squeeze %dma_wait3A_393 : memref<1x256xi32, #tpu.memory_space<vmem>> -> memref<256xi32, #tpu.memory_space<vmem>>
          %dma_wait3A_395 = arith.constant 0 : i32
          %dma_wait3A_396 = arith.constant 0 : i32
          %dma_wait3A_397 = tpu.memref_slice %arg2[%dma_wait3A_395, %dma_wait3A_396] : memref<47104x128xf32, #tpu.memory_space<hbm>> -> memref<47104x128xf32, #tpu.memory_space<hbm>>
          tpu.wait_indirect_dma semaphore(%run_scoped3A_369 : memref<!tpu.dma_semaphore, #tpu.memory_space<semaphore_mem>>) src(%dma_wait3A_397 : memref<47104x128xf32, #tpu.memory_space<hbm>>) dst(%dma_wait3A_387 : memref<256x128xf32, #tpu.memory_space<vmem>>)
          tpu.yield
        }) : () -> ()
        %run_scoped3A_264 = arith.constant 0 : i32
        "tpu.region"() ({
          %run_scoped3A_369 = tpu.sem_alloc : memref<!tpu.dma_semaphore, #tpu.memory_space<semaphore_mem>>
          %dma_start3A_370 = arith.constant 0 : i32
          %dma_start3A_371 = arith.constant 0 : i32
          %dma_start3A_372 = tpu.memref_slice %run_scoped3A_10[%rem3A_262, %dma_start3A_370, %dma_start3A_371] : memref<2x256x128xf32, #tpu.memory_space<vmem>> -> memref<1x256x128xf32, #tpu.memory_space<vmem>>
          %dma_start3A_373 = tpu.memref_squeeze %dma_start3A_372 : memref<1x256x128xf32, #tpu.memory_space<vmem>> -> memref<256x128xf32, #tpu.memory_space<vmem>>
          %dma_start3A_374 = arith.constant 0 : i32
          %dma_start3A_375 = arith.constant 0 : i32
          %dma_start3A_376 = tpu.memref_slice %run_scoped3A_8[%rem3A_260, %dma_start3A_374, %dma_start3A_375] : memref<2x1x256xi32, #tpu.memory_space<vmem>> -> memref<1x1x256xi32, #tpu.memory_space<vmem>>
          %dma_start3A_377 = tpu.memref_squeeze %dma_start3A_376 : memref<1x1x256xi32, #tpu.memory_space<vmem>> -> memref<1x256xi32, #tpu.memory_space<vmem>>
          %dma_start3A_378 = arith.constant 0 : i32
          %dma_start3A_379 = tpu.memref_slice %dma_start3A_377[%run_scoped3A_264, %dma_start3A_378] : memref<1x256xi32, #tpu.memory_space<vmem>> -> memref<1x256xi32, #tpu.memory_space<vmem>>
          %dma_start3A_380 = tpu.memref_squeeze %dma_start3A_379 : memref<1x256xi32, #tpu.memory_space<vmem>> -> memref<256xi32, #tpu.memory_space<vmem>>
          %dma_start3A_381 = arith.constant 0 : i32
          %dma_start3A_382 = arith.constant 0 : i32
          %dma_start3A_383 = tpu.memref_slice %arg2[%dma_start3A_381, %dma_start3A_382] : memref<47104x128xf32, #tpu.memory_space<hbm>> -> memref<47104x128xf32, #tpu.memory_space<hbm>>
          tpu.enqueue_indirect_dma source(%dma_start3A_383 : memref<47104x128xf32, #tpu.memory_space<hbm>>) target(%dma_start3A_373 : memref<256x128xf32, #tpu.memory_space<vmem>>) offsets(%dma_start3A_380 : memref<256xi32, #tpu.memory_space<vmem>>) semaphore(%run_scoped3A_369 : memref<!tpu.dma_semaphore, #tpu.memory_space<semaphore_mem>>) {add = true}
          %dma_wait3A_384 = arith.constant 0 : i32
          %dma_wait3A_385 = arith.constant 0 : i32
          %dma_wait3A_386 = tpu.memref_slice %run_scoped3A_10[%rem3A_262, %dma_wait3A_384, %dma_wait3A_385] : memref<2x256x128xf32, #tpu.memory_space<vmem>> -> memref<1x256x128xf32, #tpu.memory_space<vmem>>
          %dma_wait3A_387 = tpu.memref_squeeze %dma_wait3A_386 : memref<1x256x128xf32, #tpu.memory_space<vmem>> -> memref<256x128xf32, #tpu.memory_space<vmem>>
          %dma_wait3A_388 = arith.constant 0 : i32
          %dma_wait3A_389 = arith.constant 0 : i32
          %dma_wait3A_390 = tpu.memref_slice %run_scoped3A_8[%rem3A_260, %dma_wait3A_388, %dma_wait3A_389] : memref<2x1x256xi32, #tpu.memory_space<vmem>> -> memref<1x1x256xi32, #tpu.memory_space<vmem>>
          %dma_wait3A_391 = tpu.memref_squeeze %dma_wait3A_390 : memref<1x1x256xi32, #tpu.memory_space<vmem>> -> memref<1x256xi32, #tpu.memory_space<vmem>>
          %dma_wait3A_392 = arith.constant 0 : i32
          %dma_wait3A_393 = tpu.memref_slice %dma_wait3A_391[%run_scoped3A_264, %dma_wait3A_392] : memref<1x256xi32, #tpu.memory_space<vmem>> -> memref<1x256xi32, #tpu.memory_space<vmem>>
          %dma_wait3A_394 = tpu.memref_squeeze %dma_wait3A_393 : memref<1x256xi32, #tpu.memory_space<vmem>> -> memref<256xi32, #tpu.memory_space<vmem>>
          %dma_wait3A_395 = arith.constant 0 : i32
          %dma_wait3A_396 = arith.constant 0 : i32
          %dma_wait3A_397 = tpu.memref_slice %arg2[%dma_wait3A_395, %dma_wait3A_396] : memref<47104x128xf32, #tpu.memory_space<hbm>> -> memref<47104x128xf32, #tpu.memory_space<hbm>>
          tpu.wait_indirect_dma semaphore(%run_scoped3A_369 : memref<!tpu.dma_semaphore, #tpu.memory_space<semaphore_mem>>) src(%dma_wait3A_397 : memref<47104x128xf32, #tpu.memory_space<hbm>>) dst(%dma_wait3A_387 : memref<256x128xf32, #tpu.memory_space<vmem>>)
          tpu.yield
        }) : () -> ()
        "tpu.trace_stop"() : () -> ()
        %ne3A_265 = arith.cmpi ne, %add3A_163, %add3A_181 : i32
        %or3A_266 = arith.constant false
        %or3A_267 = arith.ori %or3A_266, %ne3A_265 : i1
        %or3A_268 = arith.ori %or3A_267, %eq3A_162 : i1
        %convert_element_type3A_269 = arith.extui %or3A_268 : i1 to i32
        %cond3A_270 = arith.constant 0 : i32
        %cond3A_271 = arith.cmpi ne, %convert_element_type3A_269, %cond3A_270 : i32
        scf.if %cond3A_271 {
        } else {
        }
        %and3A_272 = arith.constant false
        %and3A_273 = arith.andi %or3A_268, %and3A_272 : i1
        %add3A_274 = arith.constant 64 : i32
        %add3A_275 = arith.addi %add3A_163, %add3A_274 : i32
        %add3A_276 = arith.constant 64 : i32
        %add3A_277 = arith.addi %add3A_181, %add3A_276 : i32
        %ne3A_278 = arith.cmpi ne, %add3A_275, %add3A_277 : i32
        %or3A_279 = arith.constant false
        %or3A_280 = arith.ori %or3A_279, %ne3A_278 : i1
        %or3A_281 = arith.ori %or3A_280, %eq3A_162 : i1
        %convert_element_type3A_282 = arith.extui %or3A_281 : i1 to i32
        %cond3A_283 = arith.constant 0 : i32
        %cond3A_284 = arith.cmpi ne, %convert_element_type3A_282, %cond3A_283 : i32
        scf.if %cond3A_284 {
        } else {
        }
        %and3A_285 = arith.constant false
        %and3A_286 = arith.andi %or3A_281, %and3A_285 : i1
        %ne3A_287 = arith.cmpi ne, %add3A_163, %add3A_181 : i32
        %or3A_288 = arith.constant false
        %or3A_289 = arith.ori %or3A_288, %ne3A_287 : i1
        %or3A_290 = arith.constant false
        %or3A_291 = arith.ori %or3A_289, %or3A_290 : i1
        %or3A_292 = arith.ori %or3A_291, %eq3A_162 : i1
        %convert_element_type3A_293 = arith.extui %or3A_292 : i1 to i32
        %cond3A_294 = arith.constant 0 : i32
        %cond3A_295 = arith.cmpi ne, %convert_element_type3A_293, %cond3A_294 : i32
        scf.if %cond3A_295 {
          "tpu.trace_start"() <{level = 10 : i32, message = "ep_copy_out"}> : () -> ()
          %rem3A_369 = arith.constant 2 : i32
          %rem3A_370 = arith.remui %scan3A_156, %rem3A_369 : i32
          %mul3A_371 = arith.constant 256 : i32
          %mul3A_372 = arith.muli %mul3A_371, %add3A_163 : i32
          %dma_start3A_373 = arith.constant 0 : i32
          %dma_start3A_374 = arith.constant 0 : i32
          %dma_start3A_375 = tpu.memref_slice %run_scoped3A_10[%rem3A_370, %dma_start3A_373, %dma_start3A_374] : memref<2x256x128xf32, #tpu.memory_space<vmem>> -> memref<1x256x128xf32, #tpu.memory_space<vmem>>
          %dma_start3A_376 = tpu.memref_squeeze %dma_start3A_375 : memref<1x256x128xf32, #tpu.memory_space<vmem>> -> memref<256x128xf32, #tpu.memory_space<vmem>>
          %dma_start3A_377 = arith.constant 0 : i32
          %dma_start3A_378 = tpu.memref_slice %arg4[%mul3A_372, %dma_start3A_377] : memref<16384x128xf32, #tpu.memory_space<hbm>> -> memref<256x128xf32, #tpu.memory_space<hbm>>
          %dma_start3A_379 = tpu.memref_slice %run_scoped3A_11[%rem3A_370] : memref<2x!tpu.dma_semaphore, #tpu.memory_space<semaphore_mem>> -> memref<1x!tpu.dma_semaphore, #tpu.memory_space<semaphore_mem>>
          %dma_start3A_380 = tpu.memref_squeeze %dma_start3A_379 : memref<1x!tpu.dma_semaphore, #tpu.memory_space<semaphore_mem>> -> memref<!tpu.dma_semaphore, #tpu.memory_space<semaphore_mem>>
          %dma_start3A_381 = arith.constant 0 : i32
          %dma_start3A_382 = tpu.memref_slice %arg4[%mul3A_372, %dma_start3A_381] : memref<16384x128xf32, #tpu.memory_space<hbm>> -> memref<256x128xf32, #tpu.memory_space<hbm>>
          %dma_start3A_383 = arith.constant 0 : i32
          %dma_start3A_384 = arith.constant 0 : i32
          %dma_start3A_385 = tpu.memref_slice %run_scoped3A_10[%rem3A_370, %dma_start3A_383, %dma_start3A_384] : memref<2x256x128xf32, #tpu.memory_space<vmem>> -> memref<1x256x128xf32, #tpu.memory_space<vmem>>
          %dma_start3A_386 = tpu.memref_squeeze %dma_start3A_385 : memref<1x256x128xf32, #tpu.memory_space<vmem>> -> memref<256x128xf32, #tpu.memory_space<vmem>>
          tpu.enqueue_dma source(%dma_start3A_386 : memref<256x128xf32, #tpu.memory_space<vmem>>) target(%dma_start3A_382 : memref<256x128xf32, #tpu.memory_space<hbm>>) target_semaphore(%dma_start3A_380 : memref<!tpu.dma_semaphore, #tpu.memory_space<semaphore_mem>>)
          "tpu.trace_stop"() : () -> ()
        } else {
        }
        %and3A_296 = arith.constant true
        %and3A_297 = arith.andi %or3A_292, %and3A_296 : i1
        %add3A_298 = arith.constant 1 : i32
        %add3A_299 = arith.addi %scan3A_156, %add3A_298 : i32
        %select_n3A_300 = arith.select %and3A_297, %add3A_299, %scan3A_156 : i32
        %ne3A_301 = arith.cmpi ne, %add3A_163, %add3A_172 : i32
        %or3A_302 = arith.constant false
        %or3A_303 = arith.ori %or3A_302, %ne3A_301 : i1
        %not3A_304 = arith.constant true
        %not3A_305 = arith.xori %eq3A_160, %not3A_304 : i1
        %and3A_306 = arith.andi %or3A_303, %not3A_305 : i1
        %convert_element_type3A_307 = arith.extui %and3A_306 : i1 to i32
        %cond3A_308 = arith.constant 0 : i32
        %cond3A_309 = arith.cmpi ne, %convert_element_type3A_307, %cond3A_308 : i32
        scf.if %cond3A_309 {
        } else {
        }
        %and3A_310 = arith.constant false
        %and3A_311 = arith.andi %and3A_306, %and3A_310 : i1
        %add3A_312 = arith.constant 64 : i32
        %add3A_313 = arith.addi %add3A_163, %add3A_312 : i32
        %add3A_314 = arith.constant 64 : i32
        %add3A_315 = arith.addi %add3A_172, %add3A_314 : i32
        %ne3A_316 = arith.cmpi ne, %add3A_313, %add3A_315 : i32
        %or3A_317 = arith.constant false
        %or3A_318 = arith.ori %or3A_317, %ne3A_316 : i1
        %not3A_319 = arith.constant true
        %not3A_320 = arith.xori %eq3A_160, %not3A_319 : i1
        %and3A_321 = arith.andi %or3A_318, %not3A_320 : i1
        %convert_element_type3A_322 = arith.extui %and3A_321 : i1 to i32
        %cond3A_323 = arith.constant 0 : i32
        %cond3A_324 = arith.cmpi ne, %convert_element_type3A_322, %cond3A_323 : i32
        scf.if %cond3A_324 {
        } else {
        }
        %and3A_325 = arith.constant false
        %and3A_326 = arith.andi %and3A_321, %and3A_325 : i1
        %ne3A_327 = arith.cmpi ne, %add3A_163, %add3A_172 : i32
        %or3A_328 = arith.constant false
        %or3A_329 = arith.ori %or3A_328, %ne3A_327 : i1
        %or3A_330 = arith.constant false
        %or3A_331 = arith.ori %or3A_329, %or3A_330 : i1
        %not3A_332 = arith.constant true
        %not3A_333 = arith.xori %eq3A_160, %not3A_332 : i1
        %and3A_334 = arith.andi %or3A_331, %not3A_333 : i1
        %convert_element_type3A_335 = arith.extui %and3A_334 : i1 to i32
        %cond3A_336 = arith.constant 0 : i32
        %cond3A_337 = arith.cmpi ne, %convert_element_type3A_335, %cond3A_336 : i32
        scf.if %cond3A_337 {
          "tpu.trace_start"() <{level = 10 : i32, message = "ep_wait_out"}> : () -> ()
          %rem3A_369 = arith.constant 2 : i32
          %rem3A_370 = arith.remui %scan3A_157, %rem3A_369 : i32
          %mul3A_371 = arith.constant 256 : i32
          %mul3A_372 = arith.muli %mul3A_371, %add3A_172 : i32
          %dma_wait3A_373 = arith.constant 0 : i32
          %dma_wait3A_374 = arith.constant 0 : i32
          %dma_wait3A_375 = tpu.memref_slice %run_scoped3A_10[%rem3A_370, %dma_wait3A_373, %dma_wait3A_374] : memref<2x256x128xf32, #tpu.memory_space<vmem>> -> memref<1x256x128xf32, #tpu.memory_space<vmem>>
          %dma_wait3A_376 = tpu.memref_squeeze %dma_wait3A_375 : memref<1x256x128xf32, #tpu.memory_space<vmem>> -> memref<256x128xf32, #tpu.memory_space<vmem>>
          %dma_wait3A_377 = arith.constant 0 : i32
          %dma_wait3A_378 = tpu.memref_slice %arg4[%mul3A_372, %dma_wait3A_377] : memref<16384x128xf32, #tpu.memory_space<hbm>> -> memref<256x128xf32, #tpu.memory_space<hbm>>
          %dma_wait3A_379 = tpu.memref_slice %run_scoped3A_11[%rem3A_370] : memref<2x!tpu.dma_semaphore, #tpu.memory_space<semaphore_mem>> -> memref<1x!tpu.dma_semaphore, #tpu.memory_space<semaphore_mem>>
          %dma_wait3A_380 = tpu.memref_squeeze %dma_wait3A_379 : memref<1x!tpu.dma_semaphore, #tpu.memory_space<semaphore_mem>> -> memref<!tpu.dma_semaphore, #tpu.memory_space<semaphore_mem>>
          %dma_wait3A_381 = arith.constant 0 : i32
          %dma_wait3A_382 = tpu.memref_slice %arg4[%mul3A_372, %dma_wait3A_381] : memref<16384x128xf32, #tpu.memory_space<hbm>> -> memref<256x128xf32, #tpu.memory_space<hbm>>
          %dma_wait3A_383 = arith.constant 0 : i32
          %dma_wait3A_384 = arith.constant 0 : i32
          %dma_wait3A_385 = tpu.memref_slice %run_scoped3A_10[%rem3A_370, %dma_wait3A_383, %dma_wait3A_384] : memref<2x256x128xf32, #tpu.memory_space<vmem>> -> memref<1x256x128xf32, #tpu.memory_space<vmem>>
          %dma_wait3A_386 = tpu.memref_squeeze %dma_wait3A_385 : memref<1x256x128xf32, #tpu.memory_space<vmem>> -> memref<256x128xf32, #tpu.memory_space<vmem>>
          tpu.wait_dma2 semaphore(%dma_wait3A_380 : memref<!tpu.dma_semaphore, #tpu.memory_space<semaphore_mem>>) src(%dma_wait3A_386 : memref<256x128xf32, #tpu.memory_space<vmem>>) dst(%dma_wait3A_382 : memref<256x128xf32, #tpu.memory_space<hbm>>)
          "tpu.trace_stop"() : () -> ()
        } else {
        }
        %and3A_338 = arith.constant true
        %and3A_339 = arith.andi %and3A_334, %and3A_338 : i1
        %add3A_340 = arith.constant 1 : i32
        %add3A_341 = arith.addi %scan3A_157, %add3A_340 : i32
        %select_n3A_342 = arith.select %and3A_339, %add3A_341, %scan3A_157 : i32
        %ne3A_343 = arith.cmpi ne, %add3A_163, %add3A_181 : i32
        %or3A_344 = arith.constant false
        %or3A_345 = arith.ori %or3A_344, %ne3A_343 : i1
        %or3A_346 = arith.ori %or3A_345, %eq3A_162 : i1
        %add3A_347 = arith.constant 1 : i32
        %add3A_348 = arith.addi %scan3A_153, %add3A_347 : i32
        %select_n3A_349 = arith.select %or3A_346, %add3A_348, %scan3A_153 : i32
        %add3A_350 = arith.constant 64 : i32
        %add3A_351 = arith.addi %add3A_163, %add3A_350 : i32
        %add3A_352 = arith.constant 64 : i32
        %add3A_353 = arith.addi %add3A_181, %add3A_352 : i32
        %ne3A_354 = arith.cmpi ne, %add3A_351, %add3A_353 : i32
        %or3A_355 = arith.constant false
        %or3A_356 = arith.ori %or3A_355, %ne3A_354 : i1
        %or3A_357 = arith.ori %or3A_356, %eq3A_162 : i1
        %add3A_358 = arith.constant 1 : i32
        %add3A_359 = arith.addi %scan3A_155, %add3A_358 : i32
        %select_n3A_360 = arith.select %or3A_357, %add3A_359, %scan3A_155 : i32
        %add3A_361 = arith.constant 1 : i32
        %add3A_362 = arith.addi %scan3A_158, %add3A_361 : i32
        %select_n3A_363 = arith.constant true
        %select_n3A_364 = arith.select %select_n3A_363, %add3A_362, %scan3A_158 : i32
        %eq3A_365 = arith.constant 2 : i32
        %eq3A_366 = arith.cmpi eq, %select_n3A_364, %eq3A_365 : i32
        %select_n3A_367 = arith.constant 0 : i32
        %select_n3A_368 = arith.select %eq3A_366, %select_n3A_367, %select_n3A_364 : i32
        scf.yield %select_n3A_199, %select_n3A_349, %select_n3A_219, %select_n3A_360, %select_n3A_300, %select_n3A_342, %select_n3A_368 : i32, i32, i32, i32, i32, i32, i32
      }
      %scan3A_98 = arith.constant 2 : i32
      %sub3A = arith.constant 1 : i32
      %sub3A_99 = arith.subi %scan3A_97#6, %sub3A : i32
      %select_n3A_100 = arith.constant true
      %select_n3A_101 = arith.select %select_n3A_100, %sub3A_99, %scan3A_97#6 : i32
      %eq3A_102 = arith.constant -1 : i32
      %eq3A_103 = arith.cmpi eq, %select_n3A_101, %eq3A_102 : i32
      %select_n3A_104 = arith.constant 1 : i32
      %select_n3A_105 = arith.select %eq3A_103, %select_n3A_104, %select_n3A_101 : i32
      %add3A_106 = arith.addi %select_n3A_105, %mul3A_6 : i32
      %sub3A_107 = arith.constant 1 : i32
      %sub3A_108 = arith.subi %select_n3A_105, %sub3A_107 : i32
      %select_n3A_109 = arith.constant true
      %select_n3A_110 = arith.select %select_n3A_109, %sub3A_108, %select_n3A_105 : i32
      %eq3A_111 = arith.constant -1 : i32
      %eq3A_112 = arith.cmpi eq, %select_n3A_110, %eq3A_111 : i32
      %select_n3A_113 = arith.constant 1 : i32
      %select_n3A_114 = arith.select %eq3A_112, %select_n3A_113, %select_n3A_110 : i32
      %add3A_115 = arith.addi %select_n3A_114, %mul3A_6 : i32
      %add3A_116 = arith.constant 1 : i32
      %add3A_117 = arith.addi %select_n3A_105, %add3A_116 : i32
      %select_n3A_118 = arith.constant true
      %select_n3A_119 = arith.select %select_n3A_118, %add3A_117, %select_n3A_105 : i32
      %eq3A_120 = arith.constant 2 : i32
      %eq3A_121 = arith.cmpi eq, %select_n3A_119, %eq3A_120 : i32
      %select_n3A_122 = arith.constant 0 : i32
      %select_n3A_123 = arith.select %eq3A_121, %select_n3A_122, %select_n3A_119 : i32
      %add3A_124 = arith.addi %select_n3A_123, %mul3A_6 : i32
      %add3A_125 = arith.constant 1 : i32
      %add3A_126 = arith.addi %select_n3A_123, %add3A_125 : i32
      %select_n3A_127 = arith.constant true
      %select_n3A_128 = arith.select %select_n3A_127, %add3A_126, %select_n3A_123 : i32
      %eq3A_129 = arith.constant 2 : i32
      %eq3A_130 = arith.cmpi eq, %select_n3A_128, %eq3A_129 : i32
      %select_n3A_131 = arith.constant 0 : i32
      %select_n3A_132 = arith.select %eq3A_130, %select_n3A_131, %select_n3A_128 : i32
      %add3A_133 = arith.addi %select_n3A_132, %mul3A_6 : i32
      "tpu.trace_start"() <{level = 10 : i32, message = "ep_finalize"}> : () -> ()
      %rem3A_134 = arith.constant 2 : i32
      %rem3A_135 = arith.remui %scan3A_97#5, %rem3A_134 : i32
      %mul3A_136 = arith.constant 256 : i32
      %mul3A_137 = arith.muli %mul3A_136, %add3A_106 : i32
      %dma_wait3A = arith.constant 0 : i32
      %dma_wait3A_138 = arith.constant 0 : i32
      %dma_wait3A_139 = tpu.memref_slice %run_scoped3A_10[%rem3A_135, %dma_wait3A, %dma_wait3A_138] : memref<2x256x128xf32, #tpu.memory_space<vmem>> -> memref<1x256x128xf32, #tpu.memory_space<vmem>>
      %dma_wait3A_140 = tpu.memref_squeeze %dma_wait3A_139 : memref<1x256x128xf32, #tpu.memory_space<vmem>> -> memref<256x128xf32, #tpu.memory_space<vmem>>
      %dma_wait3A_141 = arith.constant 0 : i32
      %dma_wait3A_142 = tpu.memref_slice %arg4[%mul3A_137, %dma_wait3A_141] : memref<16384x128xf32, #tpu.memory_space<hbm>> -> memref<256x128xf32, #tpu.memory_space<hbm>>
      %dma_wait3A_143 = tpu.memref_slice %run_scoped3A_11[%rem3A_135] : memref<2x!tpu.dma_semaphore, #tpu.memory_space<semaphore_mem>> -> memref<1x!tpu.dma_semaphore, #tpu.memory_space<semaphore_mem>>
      %dma_wait3A_144 = tpu.memref_squeeze %dma_wait3A_143 : memref<1x!tpu.dma_semaphore, #tpu.memory_space<semaphore_mem>> -> memref<!tpu.dma_semaphore, #tpu.memory_space<semaphore_mem>>
      %dma_wait3A_145 = arith.constant 0 : i32
      %dma_wait3A_146 = tpu.memref_slice %arg4[%mul3A_137, %dma_wait3A_145] : memref<16384x128xf32, #tpu.memory_space<hbm>> -> memref<256x128xf32, #tpu.memory_space<hbm>>
      %dma_wait3A_147 = arith.constant 0 : i32
      %dma_wait3A_148 = arith.constant 0 : i32
      %dma_wait3A_149 = tpu.memref_slice %run_scoped3A_10[%rem3A_135, %dma_wait3A_147, %dma_wait3A_148] : memref<2x256x128xf32, #tpu.memory_space<vmem>> -> memref<1x256x128xf32, #tpu.memory_space<vmem>>
      %dma_wait3A_150 = tpu.memref_squeeze %dma_wait3A_149 : memref<1x256x128xf32, #tpu.memory_space<vmem>> -> memref<256x128xf32, #tpu.memory_space<vmem>>
      tpu.wait_dma2 semaphore(%dma_wait3A_144 : memref<!tpu.dma_semaphore, #tpu.memory_space<semaphore_mem>>) src(%dma_wait3A_150 : memref<256x128xf32, #tpu.memory_space<vmem>>) dst(%dma_wait3A_146 : memref<256x128xf32, #tpu.memory_space<hbm>>)
      "tpu.trace_stop"() : () -> ()
      tpu.yield
    }) : () -> ()
    return
  }
}

module attributes {stable_mosaic.version = 14 : i64} {
  func.func @_router_kernel(%arg0: memref<2048x1024xf32, #tpu.memory_space<vmem>>, %arg1: memref<1024x128xf32, #tpu.memory_space<vmem>>, %arg2: memref<8x128xf32, #tpu.memory_space<vmem>>, %arg3: memref<2048x8xi32, #tpu.memory_space<vmem>>, %arg4: memref<2048x8xi32, #tpu.memory_space<vmem>>, %arg5: memref<32x128xi32, #tpu.memory_space<vmem>>, %arg6: memref<2048x1xi32, #tpu.memory_space<vmem>>, %arg7: memref<2048x1xi32, #tpu.memory_space<vmem>>, %arg8: memref<2048x128xf32, #tpu.memory_space<vmem>>, %arg9: memref<2048x128xf32, #tpu.memory_space<vmem>>) attributes {dimension_semantics = [], scalar_prefetch = 0 : i64, scratch_operands = 0 : i64, tpu.core_type = #tpu.core_type<tc>} {
    %get3A = arith.constant 0 : index
    %get3A_0 = arith.constant 0 : index
    %get3A_1 = vector.load %arg0[%get3A, %get3A_0] : memref<2048x1024xf32, #tpu.memory_space<vmem>>, vector<2048x1024xf32>
    %get3A_2 = arith.constant 0 : index
    %get3A_3 = arith.constant 0 : index
    %get3A_4 = vector.load %arg1[%get3A_2, %get3A_3] : memref<1024x128xf32, #tpu.memory_space<vmem>>, vector<1024x128xf32>
    %dot_general3A = arith.constant dense<0.000000e+00> : vector<2048x128xf32>
    %dot_general3A_5 = tpu.matmul %get3A_1, %get3A_4, %dot_general3A {dimension_numbers = #tpu.dot_dimension_numbers<[1], [0], [0], [1], [0, 0, 1, 1], [], []>, transpose_lhs_hint = false} : vector<2048x1024xf32>, vector<1024x128xf32>, vector<2048x128xf32> -> vector<2048x128xf32>
    %iota3A = tpu.iota {dimensions = array<i32: 1>} : vector<2048x128xi32>
    %lt3A = arith.constant 8 : i32
    %lt3A_6 = vector.broadcast %lt3A : i32 to vector<2048x128xi32>
    %lt3A_7 = arith.cmpi slt, %iota3A, %lt3A_6 : vector<2048x128xi32>
    %jit3A = arith.constant -1.000000e+30 : f32
    %broadcast_in_dim3A = vector.broadcast %jit3A : f32 to vector<2048x128xf32>
    %select_n3A = arith.select %lt3A_7, %dot_general3A_5, %broadcast_in_dim3A : vector<2048x128xi1>, vector<2048x128xf32>
    %reduce_max3A = arith.constant dense<0xFF800000> : vector<2048xf32>
    %reduce_max3A_8 = vector.multi_reduction <maximumf>, %select_n3A, %reduce_max3A [1] : vector<2048x128xf32> to vector<2048xf32>
    %broadcast_in_dim3A_9 = vector.shape_cast %reduce_max3A_8 : vector<2048xf32> to vector<2048x1xf32>
    %sub3A = vector.broadcast %broadcast_in_dim3A_9 : vector<2048x1xf32> to vector<2048x128xf32>
    %sub3A_10 = arith.subf %select_n3A, %sub3A : vector<2048x128xf32>
    %exp3A = math.exp %sub3A_10 : vector<2048x128xf32>
    %jit3A_11 = arith.constant 0.000000e+00 : f32
    %broadcast_in_dim3A_12 = vector.broadcast %jit3A_11 : f32 to vector<2048x128xf32>
    %select_n3A_13 = arith.select %lt3A_7, %exp3A, %broadcast_in_dim3A_12 : vector<2048x128xi1>, vector<2048x128xf32>
    %reduce_sum3A = arith.constant dense<0.000000e+00> : vector<2048xf32>
    %reduce_sum3A_14 = vector.multi_reduction <add>, %select_n3A_13, %reduce_sum3A [1] : vector<2048x128xf32> to vector<2048xf32>
    %broadcast_in_dim3A_15 = vector.shape_cast %reduce_sum3A_14 : vector<2048xf32> to vector<2048x1xf32>
    %div3A = vector.broadcast %broadcast_in_dim3A_15 : vector<2048x1xf32> to vector<2048x128xf32>
    %div3A_16 = arith.divf %select_n3A_13, %div3A : vector<2048x128xf32>
    %reduce_max3A_17 = arith.constant dense<0xFF800000> : vector<2048xf32>
    %reduce_max3A_18 = vector.multi_reduction <maximumf>, %div3A_16, %reduce_max3A_17 [1] : vector<2048x128xf32> to vector<2048xf32>
    %broadcast_in_dim3A_19 = vector.shape_cast %reduce_max3A_18 : vector<2048xf32> to vector<2048x1xf32>
    %eq3A = vector.broadcast %broadcast_in_dim3A_19 : vector<2048x1xf32> to vector<2048x128xf32>
    %eq3A_20 = arith.cmpf oeq, %div3A_16, %eq3A : vector<2048x128xf32>
    %and3A = arith.andi %eq3A_20, %lt3A_7 : vector<2048x128xi1>
    %jit3A_21 = arith.constant 128 : i32
    %broadcast_in_dim3A_22 = vector.broadcast %jit3A_21 : i32 to vector<2048x128xi32>
    %select_n3A_23 = arith.select %and3A, %iota3A, %broadcast_in_dim3A_22 : vector<2048x128xi1>, vector<2048x128xi32>
    %reduce_min3A = arith.constant dense<2147483647> : vector<2048xi32>
    %reduce_min3A_24 = vector.multi_reduction <minsi>, %select_n3A_23, %reduce_min3A [1] : vector<2048x128xi32> to vector<2048xi32>
    %broadcast_in_dim3A_25 = vector.shape_cast %reduce_min3A_24 : vector<2048xi32> to vector<2048x1xi32>
    %eq3A_26 = vector.broadcast %broadcast_in_dim3A_25 : vector<2048x1xi32> to vector<2048x128xi32>
    %eq3A_27 = arith.cmpi eq, %iota3A, %eq3A_26 : vector<2048x128xi32>
    %jit3A_28 = arith.constant -1.000000e+00 : f32
    %broadcast_in_dim3A_29 = vector.broadcast %jit3A_28 : f32 to vector<2048x128xf32>
    %select_n3A_30 = arith.select %eq3A_27, %broadcast_in_dim3A_29, %div3A_16 : vector<2048x128xi1>, vector<2048x128xf32>
    %reduce_max3A_31 = arith.constant dense<0xFF800000> : vector<2048xf32>
    %reduce_max3A_32 = vector.multi_reduction <maximumf>, %select_n3A_30, %reduce_max3A_31 [1] : vector<2048x128xf32> to vector<2048xf32>
    %broadcast_in_dim3A_33 = vector.shape_cast %reduce_max3A_32 : vector<2048xf32> to vector<2048x1xf32>
    %eq3A_34 = vector.broadcast %broadcast_in_dim3A_33 : vector<2048x1xf32> to vector<2048x128xf32>
    %eq3A_35 = arith.cmpf oeq, %select_n3A_30, %eq3A_34 : vector<2048x128xf32>
    %and3A_36 = arith.andi %eq3A_35, %lt3A_7 : vector<2048x128xi1>
    %jit3A_37 = arith.constant 128 : i32
    %broadcast_in_dim3A_38 = vector.broadcast %jit3A_37 : i32 to vector<2048x128xi32>
    %select_n3A_39 = arith.select %and3A_36, %iota3A, %broadcast_in_dim3A_38 : vector<2048x128xi1>, vector<2048x128xi32>
    %reduce_min3A_40 = arith.constant dense<2147483647> : vector<2048xi32>
    %reduce_min3A_41 = vector.multi_reduction <minsi>, %select_n3A_39, %reduce_min3A_40 [1] : vector<2048x128xi32> to vector<2048xi32>
    %broadcast_in_dim3A_42 = vector.shape_cast %reduce_min3A_41 : vector<2048xi32> to vector<2048x1xi32>
    %add3A = arith.addf %broadcast_in_dim3A_19, %broadcast_in_dim3A_33 : vector<2048x1xf32>
    %add3A_43 = arith.constant 9.99999971E-10 : f32
    %add3A_44 = vector.broadcast %add3A_43 : f32 to vector<2048x1xf32>
    %add3A_45 = arith.addf %add3A, %add3A_44 : vector<2048x1xf32>
    %div3A_46 = arith.divf %broadcast_in_dim3A_19, %add3A_45 : vector<2048x1xf32>
    %div3A_47 = arith.divf %broadcast_in_dim3A_33, %add3A_45 : vector<2048x1xf32>
    %eq3A_48 = vector.broadcast %broadcast_in_dim3A_25 : vector<2048x1xi32> to vector<2048x128xi32>
    %eq3A_49 = arith.cmpi eq, %iota3A, %eq3A_48 : vector<2048x128xi32>
    %jit3A_50 = arith.constant 1.000000e+00 : f32
    %jit3A_51 = arith.constant 0.000000e+00 : f32
    %broadcast_in_dim3A_52 = vector.broadcast %jit3A_50 : f32 to vector<2048x128xf32>
    %broadcast_in_dim3A_53 = vector.broadcast %jit3A_51 : f32 to vector<2048x128xf32>
    %select_n3A_54 = arith.select %eq3A_49, %broadcast_in_dim3A_52, %broadcast_in_dim3A_53 : vector<2048x128xi1>, vector<2048x128xf32>
    %reduce_sum3A_55 = arith.constant dense<0.000000e+00> : vector<128xf32>
    %reduce_sum3A_56 = vector.multi_reduction <add>, %select_n3A_54, %reduce_sum3A_55 [0] : vector<2048x128xf32> to vector<128xf32>
    %div3A_57 = arith.constant 2.048000e+03 : f32
    %div3A_58 = vector.broadcast %div3A_57 : f32 to vector<128xf32>
    %div3A_59 = arith.divf %reduce_sum3A_56, %div3A_58 : vector<128xf32>
    %reduce_sum3A_60 = arith.constant dense<0.000000e+00> : vector<128xf32>
    %reduce_sum3A_61 = vector.multi_reduction <add>, %div3A_16, %reduce_sum3A_60 [0] : vector<2048x128xf32> to vector<128xf32>
    %div3A_62 = arith.constant 2.048000e+03 : f32
    %div3A_63 = vector.broadcast %div3A_62 : f32 to vector<128xf32>
    %div3A_64 = arith.divf %reduce_sum3A_61, %div3A_63 : vector<128xf32>
    %mul3A = arith.mulf %div3A_59, %div3A_64 : vector<128xf32>
    %reduce_sum3A_65 = vector.shape_cast %mul3A : vector<128xf32> to vector<1x128xf32>
    %reduce_sum3A_66 = arith.constant dense<0.000000e+00> : vector<1xf32>
    %reduce_sum3A_67 = vector.multi_reduction <add>, %reduce_sum3A_65, %reduce_sum3A_66 [1] : vector<1x128xf32> to vector<1xf32>
    %reduce_sum3A_68 = vector.shape_cast %reduce_sum3A_67 : vector<1xf32> to vector<1x1xf32>
    %reduce_sum3A_69 = vector.extract %reduce_sum3A_68[0, 0] : f32 from vector<1x1xf32>
    %mul3A_70 = arith.constant 8.000000e+00 : f32
    %mul3A_71 = arith.mulf %mul3A_70, %reduce_sum3A_69 : f32
    %broadcast_in_dim3A_72 = arith.constant 0.000000e+00 : f32
    %broadcast_in_dim3A_73 = vector.broadcast %broadcast_in_dim3A_72 : f32 to vector<8x128xf32>
    %add3A_74 = vector.broadcast %mul3A_71 : f32 to vector<8x128xf32>
    %add3A_75 = arith.addf %broadcast_in_dim3A_73, %add3A_74 : vector<8x128xf32>
    %swap3A = arith.constant 0 : index
    %swap3A_76 = arith.constant 0 : index
    %swap3A_77 = vector.load %arg2[%swap3A, %swap3A_76] : memref<8x128xf32, #tpu.memory_space<vmem>>, vector<8x128xf32>
    tpu.vector_store %arg2[%swap3A, %swap3A_76], %add3A_75 {strides = array<i32>} : memref<8x128xf32, #tpu.memory_space<vmem>>, vector<8x128xf32>,
    %eq3A_78 = vector.broadcast %broadcast_in_dim3A_25 : vector<2048x1xi32> to vector<2048x128xi32>
    %eq3A_79 = arith.cmpi eq, %iota3A, %eq3A_78 : vector<2048x128xi32>
    %jit3A_80 = arith.constant 1.000000e+00 : f32
    %jit3A_81 = arith.constant 0.000000e+00 : f32
    %broadcast_in_dim3A_82 = vector.broadcast %jit3A_80 : f32 to vector<2048x128xf32>
    %broadcast_in_dim3A_83 = vector.broadcast %jit3A_81 : f32 to vector<2048x128xf32>
    %select_n3A_84 = arith.select %eq3A_79, %broadcast_in_dim3A_82, %broadcast_in_dim3A_83 : vector<2048x128xi1>, vector<2048x128xf32>
    %add3A_85 = arith.constant 8 : i32
    %add3A_86 = vector.broadcast %add3A_85 : i32 to vector<2048x1xi32>
    %add3A_87 = arith.addi %broadcast_in_dim3A_42, %add3A_86 : vector<2048x1xi32>
    %eq3A_88 = vector.broadcast %add3A_87 : vector<2048x1xi32> to vector<2048x128xi32>
    %eq3A_89 = arith.cmpi eq, %iota3A, %eq3A_88 : vector<2048x128xi32>
    %jit3A_90 = arith.constant 1.000000e+00 : f32
    %jit3A_91 = arith.constant 0.000000e+00 : f32
    %broadcast_in_dim3A_92 = vector.broadcast %jit3A_90 : f32 to vector<2048x128xf32>
    %broadcast_in_dim3A_93 = vector.broadcast %jit3A_91 : f32 to vector<2048x128xf32>
    %select_n3A_94 = arith.select %eq3A_89, %broadcast_in_dim3A_92, %broadcast_in_dim3A_93 : vector<2048x128xi1>, vector<2048x128xf32>
    %add3A_95 = arith.addf %select_n3A_84, %select_n3A_94 : vector<2048x128xf32>
    %broadcast_in_dim3A_96 = arith.constant 0.000000e+00 : f32
    %broadcast_in_dim3A_97 = vector.broadcast %broadcast_in_dim3A_96 : f32 to vector<1x128xf32>
    %slice3A = vector.extract_strided_slice %add3A_95 {offsets = [0, 0], sizes = [2047, 128], strides = [1, 1]} : vector<2048x128xf32> to vector<2047x128xf32>
    %concatenate3A = tpu.concatenate %broadcast_in_dim3A_97, %slice3A in 0 : vector<1x128xf32>, vector<2047x128xf32> -> vector<2048x128xf32>
    %add3A_98 = arith.addf %add3A_95, %concatenate3A : vector<2048x128xf32>
    %broadcast_in_dim3A_99 = arith.constant 0.000000e+00 : f32
    %broadcast_in_dim3A_100 = vector.broadcast %broadcast_in_dim3A_99 : f32 to vector<2x128xf32>
    %slice3A_101 = vector.extract_strided_slice %add3A_98 {offsets = [0, 0], sizes = [2046, 128], strides = [1, 1]} : vector<2048x128xf32> to vector<2046x128xf32>
    %concatenate3A_102 = tpu.concatenate %broadcast_in_dim3A_100, %slice3A_101 in 0 : vector<2x128xf32>, vector<2046x128xf32> -> vector<2048x128xf32>
    %add3A_103 = arith.addf %add3A_98, %concatenate3A_102 : vector<2048x128xf32>
    %broadcast_in_dim3A_104 = arith.constant 0.000000e+00 : f32
    %broadcast_in_dim3A_105 = vector.broadcast %broadcast_in_dim3A_104 : f32 to vector<4x128xf32>
    %slice3A_106 = vector.extract_strided_slice %add3A_103 {offsets = [0, 0], sizes = [2044, 128], strides = [1, 1]} : vector<2048x128xf32> to vector<2044x128xf32>
    %concatenate3A_107 = tpu.concatenate %broadcast_in_dim3A_105, %slice3A_106 in 0 : vector<4x128xf32>, vector<2044x128xf32> -> vector<2048x128xf32>
    %add3A_108 = arith.addf %add3A_103, %concatenate3A_107 : vector<2048x128xf32>
    %broadcast_in_dim3A_109 = arith.constant 0.000000e+00 : f32
    %broadcast_in_dim3A_110 = vector.broadcast %broadcast_in_dim3A_109 : f32 to vector<8x128xf32>
    %slice3A_111 = vector.extract_strided_slice %add3A_108 {offsets = [0, 0], sizes = [2040, 128], strides = [1, 1]} : vector<2048x128xf32> to vector<2040x128xf32>
    %concatenate3A_112 = tpu.concatenate %broadcast_in_dim3A_110, %slice3A_111 in 0 : vector<8x128xf32>, vector<2040x128xf32> -> vector<2048x128xf32>
    %add3A_113 = arith.addf %add3A_108, %concatenate3A_112 : vector<2048x128xf32>
    %broadcast_in_dim3A_114 = arith.constant 0.000000e+00 : f32
    %broadcast_in_dim3A_115 = vector.broadcast %broadcast_in_dim3A_114 : f32 to vector<16x128xf32>
    %slice3A_116 = vector.extract_strided_slice %add3A_113 {offsets = [0, 0], sizes = [2032, 128], strides = [1, 1]} : vector<2048x128xf32> to vector<2032x128xf32>
    %concatenate3A_117 = tpu.concatenate %broadcast_in_dim3A_115, %slice3A_116 in 0 : vector<16x128xf32>, vector<2032x128xf32> -> vector<2048x128xf32>
    %add3A_118 = arith.addf %add3A_113, %concatenate3A_117 : vector<2048x128xf32>
    %broadcast_in_dim3A_119 = arith.constant 0.000000e+00 : f32
    %broadcast_in_dim3A_120 = vector.broadcast %broadcast_in_dim3A_119 : f32 to vector<32x128xf32>
    %slice3A_121 = vector.extract_strided_slice %add3A_118 {offsets = [0, 0], sizes = [2016, 128], strides = [1, 1]} : vector<2048x128xf32> to vector<2016x128xf32>
    %concatenate3A_122 = tpu.concatenate %broadcast_in_dim3A_120, %slice3A_121 in 0 : vector<32x128xf32>, vector<2016x128xf32> -> vector<2048x128xf32>
    %add3A_123 = arith.addf %add3A_118, %concatenate3A_122 : vector<2048x128xf32>
    %broadcast_in_dim3A_124 = arith.constant 0.000000e+00 : f32
    %broadcast_in_dim3A_125 = vector.broadcast %broadcast_in_dim3A_124 : f32 to vector<64x128xf32>
    %slice3A_126 = vector.extract_strided_slice %add3A_123 {offsets = [0, 0], sizes = [1984, 128], strides = [1, 1]} : vector<2048x128xf32> to vector<1984x128xf32>
    %concatenate3A_127 = tpu.concatenate %broadcast_in_dim3A_125, %slice3A_126 in 0 : vector<64x128xf32>, vector<1984x128xf32> -> vector<2048x128xf32>
    %add3A_128 = arith.addf %add3A_123, %concatenate3A_127 : vector<2048x128xf32>
    %broadcast_in_dim3A_129 = arith.constant 0.000000e+00 : f32
    %broadcast_in_dim3A_130 = vector.broadcast %broadcast_in_dim3A_129 : f32 to vector<128x128xf32>
    %slice3A_131 = vector.extract_strided_slice %add3A_128 {offsets = [0, 0], sizes = [1920, 128], strides = [1, 1]} : vector<2048x128xf32> to vector<1920x128xf32>
    %concatenate3A_132 = tpu.concatenate %broadcast_in_dim3A_130, %slice3A_131 in 0 : vector<128x128xf32>, vector<1920x128xf32> -> vector<2048x128xf32>
    %add3A_133 = arith.addf %add3A_128, %concatenate3A_132 : vector<2048x128xf32>
    %broadcast_in_dim3A_134 = arith.constant 0.000000e+00 : f32
    %broadcast_in_dim3A_135 = vector.broadcast %broadcast_in_dim3A_134 : f32 to vector<256x128xf32>
    %slice3A_136 = vector.extract_strided_slice %add3A_133 {offsets = [0, 0], sizes = [1792, 128], strides = [1, 1]} : vector<2048x128xf32> to vector<1792x128xf32>
    %concatenate3A_137 = tpu.concatenate %broadcast_in_dim3A_135, %slice3A_136 in 0 : vector<256x128xf32>, vector<1792x128xf32> -> vector<2048x128xf32>
    %add3A_138 = arith.addf %add3A_133, %concatenate3A_137 : vector<2048x128xf32>
    %broadcast_in_dim3A_139 = arith.constant 0.000000e+00 : f32
    %broadcast_in_dim3A_140 = vector.broadcast %broadcast_in_dim3A_139 : f32 to vector<512x128xf32>
    %slice3A_141 = vector.extract_strided_slice %add3A_138 {offsets = [0, 0], sizes = [1536, 128], strides = [1, 1]} : vector<2048x128xf32> to vector<1536x128xf32>
    %concatenate3A_142 = tpu.concatenate %broadcast_in_dim3A_140, %slice3A_141 in 0 : vector<512x128xf32>, vector<1536x128xf32> -> vector<2048x128xf32>
    %add3A_143 = arith.addf %add3A_138, %concatenate3A_142 : vector<2048x128xf32>
    %broadcast_in_dim3A_144 = arith.constant 0.000000e+00 : f32
    %broadcast_in_dim3A_145 = vector.broadcast %broadcast_in_dim3A_144 : f32 to vector<1024x128xf32>
    %slice3A_146 = vector.extract_strided_slice %add3A_143 {offsets = [0, 0], sizes = [1024, 128], strides = [1, 1]} : vector<2048x128xf32> to vector<1024x128xf32>
    %concatenate3A_147 = tpu.concatenate %broadcast_in_dim3A_145, %slice3A_146 in 0 : vector<1024x128xf32>, vector<1024x128xf32> -> vector<2048x128xf32>
    %add3A_148 = arith.addf %add3A_143, %concatenate3A_147 : vector<2048x128xf32>
    %sub3A_149 = arith.subf %add3A_148, %add3A_95 : vector<2048x128xf32>
    %slice3A_150 = vector.extract_strided_slice %add3A_148 {offsets = [2047, 0], sizes = [1, 128], strides = [1, 1]} : vector<2048x128xf32> to vector<1x128xf32>
    %convert_element_type3A = arith.fptosi %slice3A_150 : vector<1x128xf32> to vector<1x128xi32>
    %slice3A_151 = vector.extract_strided_slice %convert_element_type3A {offsets = [0, 8], sizes = [1, 120], strides = [1, 1]} : vector<1x128xi32> to vector<1x120xi32>
    %broadcast_in_dim3A_152 = arith.constant 0 : i32
    %broadcast_in_dim3A_153 = vector.broadcast %broadcast_in_dim3A_152 : i32 to vector<1x8xi32>
    %concatenate3A_154 = tpu.concatenate %slice3A_151, %broadcast_in_dim3A_153 in 1 : vector<1x120xi32>, vector<1x8xi32> -> vector<1x128xi32>
    %add3A_155 = arith.addi %convert_element_type3A, %concatenate3A_154 : vector<1x128xi32>
    %add3A_156 = arith.constant 255 : i32
    %add3A_157 = vector.broadcast %add3A_156 : i32 to vector<1x128xi32>
    %add3A_158 = arith.addi %add3A_155, %add3A_157 : vector<1x128xi32>
    %shift_right_logical3A = arith.constant 8 : i32
    %shift_right_logical3A_159 = vector.broadcast %shift_right_logical3A : i32 to vector<1x128xi32>
    %shift_right_logical3A_160 = arith.shrui %add3A_158, %shift_right_logical3A_159 : vector<1x128xi32>
    %shift_left3A = arith.constant 8 : i32
    %shift_left3A_161 = vector.broadcast %shift_left3A : i32 to vector<1x128xi32>
    %shift_left3A_162 = arith.shli %shift_right_logical3A_160, %shift_left3A_161 : vector<1x128xi32>
    %iota3A_163 = tpu.iota {dimensions = array<i32: 1>} : vector<1x128xi32>
    %lt3A_164 = arith.constant 8 : i32
    %lt3A_165 = vector.broadcast %lt3A_164 : i32 to vector<1x128xi32>
    %lt3A_166 = arith.cmpi slt, %iota3A_163, %lt3A_165 : vector<1x128xi32>
    %jit3A_167 = arith.constant 0 : i32
    %broadcast_in_dim3A_168 = vector.broadcast %jit3A_167 : i32 to vector<1x128xi32>
    %select_n3A_169 = arith.select %lt3A_166, %shift_left3A_162, %broadcast_in_dim3A_168 : vector<1x128xi1>, vector<1x128xi32>
    %broadcast_in_dim3A_170 = arith.constant 0 : i32
    %broadcast_in_dim3A_171 = vector.broadcast %broadcast_in_dim3A_170 : i32 to vector<1x1xi32>
    %slice3A_172 = vector.extract_strided_slice %select_n3A_169 {offsets = [0, 0], sizes = [1, 127], strides = [1, 1]} : vector<1x128xi32> to vector<1x127xi32>
    %concatenate3A_173 = tpu.concatenate %broadcast_in_dim3A_171, %slice3A_172 in 1 : vector<1x1xi32>, vector<1x127xi32> -> vector<1x128xi32>
    %add3A_174 = arith.addi %select_n3A_169, %concatenate3A_173 : vector<1x128xi32>
    %broadcast_in_dim3A_175 = arith.constant 0 : i32
    %broadcast_in_dim3A_176 = vector.broadcast %broadcast_in_dim3A_175 : i32 to vector<1x2xi32>
    %slice3A_177 = vector.extract_strided_slice %add3A_174 {offsets = [0, 0], sizes = [1, 126], strides = [1, 1]} : vector<1x128xi32> to vector<1x126xi32>
    %concatenate3A_178 = tpu.concatenate %broadcast_in_dim3A_176, %slice3A_177 in 1 : vector<1x2xi32>, vector<1x126xi32> -> vector<1x128xi32>
    %add3A_179 = arith.addi %add3A_174, %concatenate3A_178 : vector<1x128xi32>
    %broadcast_in_dim3A_180 = arith.constant 0 : i32
    %broadcast_in_dim3A_181 = vector.broadcast %broadcast_in_dim3A_180 : i32 to vector<1x4xi32>
    %slice3A_182 = vector.extract_strided_slice %add3A_179 {offsets = [0, 0], sizes = [1, 124], strides = [1, 1]} : vector<1x128xi32> to vector<1x124xi32>
    %concatenate3A_183 = tpu.concatenate %broadcast_in_dim3A_181, %slice3A_182 in 1 : vector<1x4xi32>, vector<1x124xi32> -> vector<1x128xi32>
    %add3A_184 = arith.addi %add3A_179, %concatenate3A_183 : vector<1x128xi32>
    %sub3A_185 = arith.subi %add3A_184, %select_n3A_169 : vector<1x128xi32>
    %convert_element_type3A_186 = arith.sitofp %sub3A_185 : vector<1x128xi32> to vector<1x128xf32>
    %eq3A_187 = vector.broadcast %broadcast_in_dim3A_25 : vector<2048x1xi32> to vector<2048x128xi32>
    %eq3A_188 = arith.cmpi eq, %iota3A, %eq3A_187 : vector<2048x128xi32>
    %add3A_189 = vector.broadcast %convert_element_type3A_186 : vector<1x128xf32> to vector<2048x128xf32>
    %add3A_190 = arith.addf %add3A_189, %sub3A_149 : vector<2048x128xf32>
    %jit3A_191 = arith.constant 0.000000e+00 : f32
    %broadcast_in_dim3A_192 = vector.broadcast %jit3A_191 : f32 to vector<2048x128xf32>
    %select_n3A_193 = arith.select %eq3A_188, %add3A_190, %broadcast_in_dim3A_192 : vector<2048x128xi1>, vector<2048x128xf32>
    %reduce_sum3A_194 = arith.constant dense<0.000000e+00> : vector<2048xf32>
    %reduce_sum3A_195 = vector.multi_reduction <add>, %select_n3A_193, %reduce_sum3A_194 [1] : vector<2048x128xf32> to vector<2048xf32>
    %broadcast_in_dim3A_196 = vector.shape_cast %reduce_sum3A_195 : vector<2048xf32> to vector<2048x1xf32>
    %slice3A_197 = vector.extract_strided_slice %sub3A_149 {offsets = [0, 8], sizes = [2048, 120], strides = [1, 1]} : vector<2048x128xf32> to vector<2048x120xf32>
    %broadcast_in_dim3A_198 = arith.constant 0.000000e+00 : f32
    %broadcast_in_dim3A_199 = vector.broadcast %broadcast_in_dim3A_198 : f32 to vector<2048x8xf32>
    %concatenate3A_200 = tpu.concatenate %slice3A_197, %broadcast_in_dim3A_199 in 1 : vector<2048x120xf32>, vector<2048x8xf32> -> vector<2048x128xf32>
    %eq3A_201 = vector.broadcast %broadcast_in_dim3A_42 : vector<2048x1xi32> to vector<2048x128xi32>
    %eq3A_202 = arith.cmpi eq, %iota3A, %eq3A_201 : vector<2048x128xi32>
    %add3A_203 = arith.addf %convert_element_type3A_186, %slice3A_150 : vector<1x128xf32>
    %add3A_204 = vector.broadcast %add3A_203 : vector<1x128xf32> to vector<2048x128xf32>
    %add3A_205 = arith.addf %add3A_204, %concatenate3A_200 : vector<2048x128xf32>
    %jit3A_206 = arith.constant 0.000000e+00 : f32
    %broadcast_in_dim3A_207 = vector.broadcast %jit3A_206 : f32 to vector<2048x128xf32>
    %select_n3A_208 = arith.select %eq3A_202, %add3A_205, %broadcast_in_dim3A_207 : vector<2048x128xi1>, vector<2048x128xf32>
    %reduce_sum3A_209 = arith.constant dense<0.000000e+00> : vector<2048xf32>
    %reduce_sum3A_210 = vector.multi_reduction <add>, %select_n3A_208, %reduce_sum3A_209 [1] : vector<2048x128xf32> to vector<2048xf32>
    %broadcast_in_dim3A_211 = vector.shape_cast %reduce_sum3A_210 : vector<2048xf32> to vector<2048x1xf32>
    %iota3A_212 = tpu.iota {dimensions = array<i32: 1>} : vector<2048x8xi32>
    %convert_element_type3A_213 = arith.fptosi %broadcast_in_dim3A_196 : vector<2048x1xf32> to vector<2048x1xi32>
    %mul3A_214 = arith.constant 8 : i32
    %mul3A_215 = vector.broadcast %mul3A_214 : i32 to vector<2048x1xi32>
    %mul3A_216 = arith.muli %convert_element_type3A_213, %mul3A_215 : vector<2048x1xi32>
    %add3A_217 = vector.broadcast %mul3A_216 : vector<2048x1xi32> to vector<2048x8xi32>
    %add3A_218 = arith.addi %add3A_217, %iota3A_212 : vector<2048x8xi32>
    %swap3A_219 = arith.constant 0 : index
    %swap3A_220 = arith.constant 0 : index
    %swap3A_221 = vector.load %arg3[%swap3A_219, %swap3A_220] : memref<2048x8xi32, #tpu.memory_space<vmem>>, vector<2048x8xi32>
    tpu.vector_store %arg3[%swap3A_219, %swap3A_220], %add3A_218 {strides = array<i32>} : memref<2048x8xi32, #tpu.memory_space<vmem>>, vector<2048x8xi32>,
    %convert_element_type3A_222 = arith.fptosi %broadcast_in_dim3A_211 : vector<2048x1xf32> to vector<2048x1xi32>
    %mul3A_223 = arith.constant 8 : i32
    %mul3A_224 = vector.broadcast %mul3A_223 : i32 to vector<2048x1xi32>
    %mul3A_225 = arith.muli %convert_element_type3A_222, %mul3A_224 : vector<2048x1xi32>
    %add3A_226 = vector.broadcast %mul3A_225 : vector<2048x1xi32> to vector<2048x8xi32>
    %add3A_227 = arith.addi %add3A_226, %iota3A_212 : vector<2048x8xi32>
    %swap3A_228 = arith.constant 0 : index
    %swap3A_229 = arith.constant 0 : index
    %swap3A_230 = vector.load %arg4[%swap3A_228, %swap3A_229] : memref<2048x8xi32, #tpu.memory_space<vmem>>, vector<2048x8xi32>
    tpu.vector_store %arg4[%swap3A_228, %swap3A_229], %add3A_227 {strides = array<i32>} : memref<2048x8xi32, #tpu.memory_space<vmem>>, vector<2048x8xi32>,
    %convert_element_type3A_231 = arith.fptosi %broadcast_in_dim3A_196 : vector<2048x1xf32> to vector<2048x1xi32>
    %swap3A_232 = arith.constant 0 : index
    %swap3A_233 = arith.constant 0 : index
    %swap3A_234 = vector.load %arg6[%swap3A_232, %swap3A_233] : memref<2048x1xi32, #tpu.memory_space<vmem>>, vector<2048x1xi32>
    tpu.vector_store %arg6[%swap3A_232, %swap3A_233], %convert_element_type3A_231 {strides = array<i32>} : memref<2048x1xi32, #tpu.memory_space<vmem>>, vector<2048x1xi32>,
    %convert_element_type3A_235 = arith.fptosi %broadcast_in_dim3A_211 : vector<2048x1xf32> to vector<2048x1xi32>
    %swap3A_236 = arith.constant 0 : index
    %swap3A_237 = arith.constant 0 : index
    %swap3A_238 = vector.load %arg7[%swap3A_236, %swap3A_237] : memref<2048x1xi32, #tpu.memory_space<vmem>>, vector<2048x1xi32>
    tpu.vector_store %arg7[%swap3A_236, %swap3A_237], %convert_element_type3A_235 {strides = array<i32>} : memref<2048x1xi32, #tpu.memory_space<vmem>>, vector<2048x1xi32>,
    %eq3A_239 = arith.constant 0 : i32
    %eq3A_240 = vector.broadcast %eq3A_239 : i32 to vector<2048x128xi32>
    %eq3A_241 = arith.cmpi eq, %iota3A, %eq3A_240 : vector<2048x128xi32>
    %jit3A_242 = arith.constant 0.000000e+00 : f32
    %broadcast_in_dim3A_243 = vector.shape_cast %div3A_46 : vector<2048x1xf32> to vector<2048x1xf32>
    %broadcast_in_dim3A_244 = vector.broadcast %broadcast_in_dim3A_243 : vector<2048x1xf32> to vector<2048x128xf32>
    %broadcast_in_dim3A_245 = vector.broadcast %jit3A_242 : f32 to vector<2048x128xf32>
    %select_n3A_246 = arith.select %eq3A_241, %broadcast_in_dim3A_244, %broadcast_in_dim3A_245 : vector<2048x128xi1>, vector<2048x128xf32>
    %swap3A_247 = arith.constant 0 : index
    %swap3A_248 = arith.constant 0 : index
    %swap3A_249 = vector.load %arg8[%swap3A_247, %swap3A_248] : memref<2048x128xf32, #tpu.memory_space<vmem>>, vector<2048x128xf32>
    tpu.vector_store %arg8[%swap3A_247, %swap3A_248], %select_n3A_246 {strides = array<i32>} : memref<2048x128xf32, #tpu.memory_space<vmem>>, vector<2048x128xf32>,
    %eq3A_250 = arith.constant 0 : i32
    %eq3A_251 = vector.broadcast %eq3A_250 : i32 to vector<2048x128xi32>
    %eq3A_252 = arith.cmpi eq, %iota3A, %eq3A_251 : vector<2048x128xi32>
    %jit3A_253 = arith.constant 0.000000e+00 : f32
    %broadcast_in_dim3A_254 = vector.shape_cast %div3A_47 : vector<2048x1xf32> to vector<2048x1xf32>
    %broadcast_in_dim3A_255 = vector.broadcast %broadcast_in_dim3A_254 : vector<2048x1xf32> to vector<2048x128xf32>
    %broadcast_in_dim3A_256 = vector.broadcast %jit3A_253 : f32 to vector<2048x128xf32>
    %select_n3A_257 = arith.select %eq3A_252, %broadcast_in_dim3A_255, %broadcast_in_dim3A_256 : vector<2048x128xi1>, vector<2048x128xf32>
    %swap3A_258 = arith.constant 0 : index
    %swap3A_259 = arith.constant 0 : index
    %swap3A_260 = vector.load %arg9[%swap3A_258, %swap3A_259] : memref<2048x128xf32, #tpu.memory_space<vmem>>, vector<2048x128xf32>
    tpu.vector_store %arg9[%swap3A_258, %swap3A_259], %select_n3A_257 {strides = array<i32>} : memref<2048x128xf32, #tpu.memory_space<vmem>>, vector<2048x128xf32>,
    %iota3A_261 = tpu.iota {dimensions = array<i32: 0>} : vector<32x128xi32>
    %mul3A_262 = arith.constant 256 : i32
    %mul3A_263 = vector.broadcast %mul3A_262 : i32 to vector<32x128xi32>
    %mul3A_264 = arith.muli %iota3A_261, %mul3A_263 : vector<32x128xi32>
    %broadcast_in_dim3A_265 = vector.shape_cast %add3A_184 : vector<1x128xi32> to vector<1x128xi32>
    %broadcast_in_dim3A_266 = vector.broadcast %broadcast_in_dim3A_265 : vector<1x128xi32> to vector<32x128xi32>
    %iota3A_267 = tpu.iota {dimensions = array<i32: 1>} : vector<32x128xi32>
    %le3A = arith.cmpi sle, %broadcast_in_dim3A_266, %mul3A_264 : vector<32x128xi32>
    %lt3A_268 = arith.constant 8 : i32
    %lt3A_269 = vector.broadcast %lt3A_268 : i32 to vector<32x128xi32>
    %lt3A_270 = arith.cmpi slt, %iota3A_267, %lt3A_269 : vector<32x128xi32>
    %and3A_271 = arith.andi %le3A, %lt3A_270 : vector<32x128xi1>
    %jit3A_272 = arith.constant 1 : i32
    %jit3A_273 = arith.constant 0 : i32
    %broadcast_in_dim3A_274 = vector.broadcast %jit3A_272 : i32 to vector<32x128xi32>
    %broadcast_in_dim3A_275 = vector.broadcast %jit3A_273 : i32 to vector<32x128xi32>
    %select_n3A_276 = arith.select %and3A_271, %broadcast_in_dim3A_274, %broadcast_in_dim3A_275 : vector<32x128xi1>, vector<32x128xi32>
    %reduce_sum3A_277 = arith.constant dense<0> : vector<32xi32>
    %reduce_sum3A_278 = vector.multi_reduction <add>, %select_n3A_276, %reduce_sum3A_277 [1] : vector<32x128xi32> to vector<32xi32>
    %broadcast_in_dim3A_279 = vector.shape_cast %reduce_sum3A_278 : vector<32xi32> to vector<32x1xi32>
    %min3A = arith.constant 7 : i32
    %min3A_280 = vector.broadcast %min3A : i32 to vector<32x1xi32>
    %min3A_281 = arith.minsi %broadcast_in_dim3A_279, %min3A_280 : vector<32x1xi32>
    %broadcast_in_dim3A_282 = vector.shape_cast %min3A_281 : vector<32x1xi32> to vector<32x1xi32>
    %broadcast_in_dim3A_283 = vector.broadcast %broadcast_in_dim3A_282 : vector<32x1xi32> to vector<32x128xi32>
    %swap3A_284 = arith.constant 0 : index
    %swap3A_285 = arith.constant 0 : index
    %swap3A_286 = vector.load %arg5[%swap3A_284, %swap3A_285] : memref<32x128xi32, #tpu.memory_space<vmem>>, vector<32x128xi32>
    tpu.vector_store %arg5[%swap3A_284, %swap3A_285], %broadcast_in_dim3A_283 {strides = array<i32>} : memref<32x128xi32, #tpu.memory_space<vmem>>, vector<32x128xi32>,
    return
  }
}

module attributes {stable_mosaic.version = 14 : i64} {
  func.func @_gffn_kernel(%arg0: i32, %arg1: i32, %arg2: memref<23xi32, #tpu.memory_space<smem>>, %arg3: memref<256x1024xf32, #tpu.memory_space<vmem>>, %arg4: memref<1x1024x2048xf32, #tpu.memory_space<vmem>>, %arg5: memref<1x2048x1024xf32, #tpu.memory_space<vmem>>, %arg6: memref<256x128xf32, #tpu.memory_space<vmem>>, %arg7: memref<5888x1024xf32, #tpu.memory_space<vmem>>) attributes {dimension_semantics = [#tpu.dimension_semantics<arbitrary>, #tpu.dimension_semantics<arbitrary>], iteration_bounds = array<i64: 2, 23>, scalar_prefetch = 1 : i64, scratch_operands = 0 : i64, tpu.core_type = #tpu.core_type<tc>, window_params = [{transform_indices = @transform_0, window_bounds = array<i64: 256, 1024>}, {transform_indices = @transform_1, window_bounds = array<i64: 1, 1024, 2048>}, {transform_indices = @transform_2, window_bounds = array<i64: 1, 2048, 1024>}, {transform_indices = @transform_3, window_bounds = array<i64: 256, 128>}, {pipeline_mode = #tpu.pipeline_mode<synchronous>, transform_indices = @transform_4, window_bounds = array<i64: 5888, 1024>}]} {
    %get3A = arith.constant 0 : index
    %get3A_0 = arith.constant 0 : index
    %get3A_1 = vector.load %arg3[%get3A, %get3A_0] : memref<256x1024xf32, #tpu.memory_space<vmem>>, vector<256x1024xf32>
    %get3A_2 = arith.constant 0 : index
    %get3A_3 = arith.constant 0 : index
    %get3A_4 = arith.constant 0 : index
    %get3A_5 = vector.load %arg4[%get3A_2, %get3A_3, %get3A_4] : memref<1x1024x2048xf32, #tpu.memory_space<vmem>>, vector<1x1024x2048xf32>
    %get3A_6 = vector.shape_cast %get3A_5 : vector<1x1024x2048xf32> to vector<1024x2048xf32>
    %dot_general3A = arith.constant dense<0.000000e+00> : vector<256x2048xf32>
    %dot_general3A_7 = tpu.matmul %get3A_1, %get3A_6, %dot_general3A {dimension_numbers = #tpu.dot_dimension_numbers<[1], [0], [0], [1], [0, 0, 1, 1], [], []>, transpose_lhs_hint = false} : vector<256x1024xf32>, vector<1024x2048xf32>, vector<256x2048xf32> -> vector<256x2048xf32>
    %logistic3A = arith.negf %dot_general3A_7 : vector<256x2048xf32>
    %logistic3A_8 = math.exp %logistic3A : vector<256x2048xf32>
    %logistic3A_9 = arith.constant 1.000000e+00 : f32
    %logistic3A_10 = vector.broadcast %logistic3A_9 : f32 to vector<256x2048xf32>
    %logistic3A_11 = arith.addf %logistic3A_10, %logistic3A_8 : vector<256x2048xf32>
    %logistic3A_12 = arith.divf %logistic3A_10, %logistic3A_11 : vector<256x2048xf32>
    %mul3A = arith.mulf %dot_general3A_7, %logistic3A_12 : vector<256x2048xf32>
    %convert_element_type3A = arith.truncf %mul3A : vector<256x2048xf32> to vector<256x2048xbf16>
    %get3A_13 = arith.constant 0 : index
    %get3A_14 = arith.constant 0 : index
    %get3A_15 = arith.constant 0 : index
    %get3A_16 = vector.load %arg5[%get3A_13, %get3A_14, %get3A_15] : memref<1x2048x1024xf32, #tpu.memory_space<vmem>>, vector<1x2048x1024xf32>
    %get3A_17 = vector.shape_cast %get3A_16 : vector<1x2048x1024xf32> to vector<2048x1024xf32>
    %dot_general3A_18 = arith.constant dense<0.000000e+00> : vector<256x1024xf32>
    %dot_general3A_19 = tpu.matmul %convert_element_type3A, %get3A_17, %dot_general3A_18 {dimension_numbers = #tpu.dot_dimension_numbers<[1], [0], [0], [1], [0, 0, 1, 1], [], []>, transpose_lhs_hint = false} : vector<256x2048xbf16>, vector<2048x1024xf32>, vector<256x1024xf32> -> vector<256x1024xf32>
    %mul3A_20 = arith.constant 256 : i32
    %mul3A_21 = arith.muli %arg1, %mul3A_20 : i32
    %eq3A = arith.constant 0 : i32
    %eq3A_22 = arith.cmpi eq, %arg0, %eq3A : i32
    %convert_element_type3A_23 = arith.extui %eq3A_22 : i1 to i32
    %cond3A = arith.constant 0 : i32
    %cond3A_24 = arith.cmpi ne, %convert_element_type3A_23, %cond3A : i32
    scf.if %cond3A_24 {
      %swap3A = arith.index_cast %mul3A_21 : i32 to index
      %swap3A_30 = arith.constant 0 : index
      %swap3A_31 = vector.load %arg7[%swap3A, %swap3A_30] : memref<5888x1024xf32, #tpu.memory_space<vmem>>, vector<256x1024xf32>
      tpu.vector_store %arg7[%swap3A, %swap3A_30], %dot_general3A_19 {strides = array<i32>} : memref<5888x1024xf32, #tpu.memory_space<vmem>>, vector<256x1024xf32>,
    } else {
    }
    %eq3A_25 = arith.constant 1 : i32
    %eq3A_26 = arith.cmpi eq, %arg0, %eq3A_25 : i32
    %convert_element_type3A_27 = arith.extui %eq3A_26 : i1 to i32
    %cond3A_28 = arith.constant 0 : i32
    %cond3A_29 = arith.cmpi ne, %convert_element_type3A_27, %cond3A_28 : i32
    scf.if %cond3A_29 {
      %get3A_30 = arith.constant 0 : index
      %get3A_31 = arith.constant 0 : index
      %get3A_32 = vector.load %arg6[%get3A_30, %get3A_31] : memref<256x128xf32, #tpu.memory_space<vmem>>, vector<256x1xf32>
      %get3A_33 = arith.index_cast %mul3A_21 : i32 to index
      %get3A_34 = arith.constant 0 : index
      %get3A_35 = vector.load %arg7[%get3A_33, %get3A_34] : memref<5888x1024xf32, #tpu.memory_space<vmem>>, vector<256x1024xf32>
      %add3A = arith.addf %get3A_35, %dot_general3A_19 : vector<256x1024xf32>
      %mul3A_36 = vector.broadcast %get3A_32 : vector<256x1xf32> to vector<256x1024xf32>
      %mul3A_37 = arith.mulf %add3A, %mul3A_36 : vector<256x1024xf32>
      %swap3A = arith.index_cast %mul3A_21 : i32 to index
      %swap3A_38 = arith.constant 0 : index
      %swap3A_39 = vector.load %arg7[%swap3A, %swap3A_38] : memref<5888x1024xf32, #tpu.memory_space<vmem>>, vector<256x1024xf32>
      tpu.vector_store %arg7[%swap3A, %swap3A_38], %mul3A_37 {strides = array<i32>} : memref<5888x1024xf32, #tpu.memory_space<vmem>>, vector<256x1024xf32>,
    } else {
    }
    return
  }
  func.func @transform_0(%arg0: i32, %arg1: i32, %arg2: memref<23xi32, #tpu.memory_space<smem>>) -> (i32, i32) {
    %c0_i32 = arith.constant 0 : i32
    %c0_i32_0 = arith.constant 0 : i32
    return %arg1, %c0_i32 : i32, i32
  }
  func.func @transform_1(%arg0: i32, %arg1: i32, %arg2: memref<23xi32, #tpu.memory_space<smem>>) -> (i32, i32, i32) {
    %get3A = arith.index_cast %arg1 : i32 to index
    %get3A_0 = memref.load %arg2[%get3A] : memref<23xi32, #tpu.memory_space<smem>>
    %c0_i32 = arith.constant 0 : i32
    %c0_i32_1 = arith.constant 0 : i32
    return %get3A_0, %c0_i32, %arg0 : i32, i32, i32
  }
  func.func @transform_2(%arg0: i32, %arg1: i32, %arg2: memref<23xi32, #tpu.memory_space<smem>>) -> (i32, i32, i32) {
    %get3A = arith.index_cast %arg1 : i32 to index
    %get3A_0 = memref.load %arg2[%get3A] : memref<23xi32, #tpu.memory_space<smem>>
    %c0_i32 = arith.constant 0 : i32
    %c0_i32_1 = arith.constant 0 : i32
    return %get3A_0, %arg0, %c0_i32 : i32, i32, i32
  }
  func.func @transform_3(%arg0: i32, %arg1: i32, %arg2: memref<23xi32, #tpu.memory_space<smem>>) -> (i32, i32) {
    %c0_i32 = arith.constant 0 : i32
    %c0_i32_0 = arith.constant 0 : i32
    return %arg1, %c0_i32 : i32, i32
  }
  func.func @transform_4(%arg0: i32, %arg1: i32, %arg2: memref<23xi32, #tpu.memory_space<smem>>) -> (i32, i32) {
    %c0_i32 = arith.constant 0 : i32
    %c0_i32_0 = arith.constant 0 : i32
    %c0_i32_1 = arith.constant 0 : i32
    return %c0_i32, %c0_i32_0 : i32, i32
  }
}

</mosaic_0001>

<sc_bundles>
// kernel: kernel.6.cloned.1.call-start
scs
__scs_entry_jumppad:
0x0: {  	(pc) =	sbr.rel $0x88, $3  }
0x1: {  	(tag) =	ssettag $0x0;
	lr =	simm.s32 $0x1  }
0x2: {  	[smem:$0x3F9D] =	sst lr;
	_ =	strace $0xD0000000  }
0x3: {  	_ = 	snop  }
0x4: {  	_ = 	snop  }
0x5: {  	_ = 	snop  }
0x6: {  	_ = 	snop  }
0x7: {  	_ = 	snop  }
__scs_overlays_trampoline_lowered:
0x8: {  	[smem:$0x3FAC] =	sst s0  }
0x9: {  	[smem:$0x3FAD] =	sst s1  }
0xa: {  	[smem:$0x3FAE] =	sst s2  }
0xb: {  	[smem:$0x3FAF] =	sst s3  }
0xc: {  	[smem:$0x3FB0] =	sst s4  }
0xd: {  	[smem:$0x3FB1] =	sst s5  }
0xe: {  	[smem:$0x3FB2] =	sst s6  }
0xf: {  	[smem:$0x3FB3] =	sst s7  }
0x10: {  	[smem:$0x3FB4] =	sst s8  }
0x11: {  	[smem:$0x3FB5] =	sst s9;
	s0 =	simm.s32 @!p0 $0x0  }
0x12: {  	s1 =	sld [smem:$0x3F9B];
	s0 =	simm.s32 @p0 $0x1  }
0x13: {  	[smem:$0x3FB6] =	sst s0;
	s0 =	simm.s32 @!p1 $0x0  }
0x14: {  	s2 =	sld [smem:$0x3F9A];
	s0 =	simm.s32 @p1 $0x1  }
0x15: {  	[smem:$0x3FB7] =	sst s0;
	s0 =	simm.s32 @!p2 $0x0  }
0x16: {  	s3 =	sld [smem:$0x3FDB];
	s0 =	simm.s32 @p2 $0x1  }
0x17: {  	s4 =	simm.s32 $0x1BF5;
	[smem:$0x3FB9] =	sst s0  }
0x18: {  	s0 =	sld [smem:$0x3F9C];
	_ =	swait.ge [sflag:s4], $0x0  }
0x19: {  	s7 =	sld [smem:$0x3F9D]  }
0x1a: {  	s8 =	sadd.s32 $0xFFFFE003, lr  }
0x1b: {  	s9 =	sadd.s32 $0xFFFFFEF7, lr;
	s5 =	simm.s32 $0xFFFFFFFF;
	p2 =	slt.u32 s8, $0xFFFFF086  }
0x1c: {  	p1 =	slt.u32 s9, $0xF7A;
	s5 =	simm.s32 @!p2 $0x0  }
0x1d: {  	s5 =	simm.s32 @p1 $0x1;
	p0 =	seq.s32 s7, s2  }
0x1e: {  	s7 =	smul.u32 @!p0 $0xF7A, s2;
	p2 =	seq.s32 @!p0 s5, $0x0  }
0x1f: {  	s9 =	smul.u32 $0xF7A, s1;
	s8 =	simm.s32 @!p0 $0x1BF5;
	p2 =	por !p2, p0  }
0x20: {  	[sflag:s8] =	ssyncset.s32 @!p0 $0xFFFFF086;
	s6 =	sadd.s32 @!p0 s3, s7;
	s7 =	simm.s32 @!p0 $0x108  }
0x21: {  	s3 =	sadd.s32 s3, s9;
	s6 =	sadd.s32 @!p0 $0x88, s6;
	s7 =	simm.s32 @p2 $0x1082  }
0x22: {  	[simem:s7], [sflag:s8] =	dma.local @!p0 [hbm:s6], $0xF7A  }
0x23: {  	s9 =	sor.u32 $0xD0000000, s2;
	s6 =	simm.s32 $0x108;
	_ =	swait.ge @!p0 [sflag:s8], $0x0  }
0x24: {  	s3 =	sadd.s32 $0x88, s3;
	s6 =	simm.s32 @!p1 $0x1082;
	[sflag:s4] =	ssyncset.s32 $0xFFFFF086  }
0x25: {  	[simem:s6], [sflag:s4] =	dma.local [hbm:s3], $0xF7A  }
0x26: {  	[smem:$0x3F9D] =	sst s1;
	(tag) =	ssettag s2;
	_ =	strace s9  }
0x27: {  	s1 =	sld [smem:$0x3FAD]  }
0x28: {  	s2 =	sld [smem:$0x3FAE]  }
0x29: {  	s4 =	sld [smem:$0x3FB0]  }
0x2a: {  	p0 =	seq.s32 s5, $0x0;
	s5 =	sld [smem:$0x3FB1]  }
0x2b: {  	s6 =	sld [smem:$0x3FB2]  }
0x2c: {  	s7 =	sld [smem:$0x3FB3]  }
0x2d: {  	s3 =	simm.s32 $0x108;
	s8 =	sld [smem:$0x3FB4]  }
0x2e: {  	s3 =	simm.s32 @!p0 $0x1082;
	s9 =	sld [smem:$0x3FB5]  }
0x2f: {  	lr =	sadd.s32 s0, s3;
	s0 =	sld [smem:$0x3FAC]  }
0x30: {  	s3 =	sld [smem:$0x3FAF]  }
0x31: {  	[smem:$0x3FB8] =	sst s10  }
0x32: {  	s10 =	sld [smem:$0x3FB6];
	_ =	sdelay $0x3  }
0x33: {  	p0 =	seq.s32 s10, $0x1;
	s10 =	sld [smem:$0x3FB8];
	_ =	sdelay $0x3  }
0x34: {  	[smem:$0x3FB8] =	sst s10  }
0x35: {  	s10 =	sld [smem:$0x3FB7];
	_ =	sdelay $0x3  }
0x36: {  	p1 =	seq.s32 s10, $0x1;
	s10 =	sld [smem:$0x3FB8];
	_ =	sdelay $0x3  }
0x37: {  	[smem:$0x3FB8] =	sst s10  }
0x38: {  	s10 =	sld [smem:$0x3FB9]  }
0x39: {  	_ = 	snop;
	(pc) =	sbr.ind lr, $3  }
0x3a: {  	_ = 	snop  }
0x3b: {  	_ = 	snop  }
0x3c: {  	p2 =	seq.s32 s10, $0x1;
	s10 =	sld [smem:$0x3FB8]  }
0x3d: {  	_ =	shalt  }
0x3e: {  	_ =	shalt  }
0x3f: {  	_ =	shalt  }
0x40: {  	_ =	shalt  }
0x41: {  	_ =	shalt  }
0x42: {  	_ =	shalt  }
0x43: {  	_ =	shalt  }
0x44: {  	_ =	shalt  }
0x45: {  	_ =	shalt  }
0x46: {  	_ =	shalt  }
0x47: {  	_ =	shalt  }
0x48: {  	_ =	shalt  }
0x49: {  	_ =	shalt  }
0x4a: {  	_ =	shalt  }
0x4b: {  	_ =	shalt  }
0x4c: {  	_ =	shalt  }
0x4d: {  	_ =	shalt  }
0x4e: {  	_ =	shalt  }
0x4f: {  	_ =	shalt  }
0x50: {  	_ =	shalt  }
0x51: {  	_ =	shalt  }
0x52: {  	_ =	shalt  }
0x53: {  	_ =	shalt  }
0x54: {  	_ =	shalt  }
0x55: {  	_ =	shalt  }
0x56: {  	_ =	shalt  }
0x57: {  	_ =	shalt  }
0x58: {  	_ =	shalt  }
0x59: {  	_ =	shalt  }
0x5a: {  	_ =	shalt  }
0x5b: {  	_ =	shalt  }
0x5c: {  	_ =	shalt  }
0x5d: {  	_ =	shalt  }
0x5e: {  	_ =	shalt  }
0x5f: {  	_ =	shalt  }
0x60: {  	_ =	shalt  }
0x61: {  	_ =	shalt  }
0x62: {  	_ =	shalt  }
0x63: {  	_ =	shalt  }
0x64: {  	_ =	shalt  }
0x65: {  	_ =	shalt  }
0x66: {  	_ =	shalt  }
0x67: {  	_ =	shalt  }
0x68: {  	_ =	shalt  }
0x69: {  	_ =	shalt  }
0x6a: {  	_ =	shalt  }
0x6b: {  	_ =	shalt  }
0x6c: {  	_ =	shalt  }
0x6d: {  	_ =	shalt  }
0x6e: {  	_ =	shalt  }
0x6f: {  	_ =	shalt  }
0x70: {  	_ =	shalt  }
0x71: {  	_ =	shalt  }
0x72: {  	_ =	shalt  }
0x73: {  	_ =	shalt  }
0x74: {  	_ =	shalt  }
0x75: {  	_ =	shalt  }
0x76: {  	_ =	shalt  }
0x77: {  	_ =	shalt  }
0x78: {  	_ =	shalt  }
0x79: {  	_ =	shalt  }
0x7a: {  	_ =	shalt  }
0x7b: {  	_ =	shalt  }
0x7c: {  	_ =	shalt  }
0x7d: {  	_ =	shalt  }
0x7e: {  	_ =	shalt  }
0x7f: {  	_ =	shalt  }
0x80: {  	_ =	shalt  }
0x81: {  	_ =	shalt  }
0x82: {  	_ =	shalt  }
0x83: {  	_ =	shalt  }
0x84: {  	_ =	shalt  }
0x85: {  	_ =	shalt  }
0x86: {  	_ =	shalt  }
0x87: {  	_ =	shalt  }
.Lfunc_end0:
.L_simem_size_0:
called_computation_lowered:
.L_overlay_start_0:
0x88: {  	s2 =	sld [smem:$0x3FD9]  }
0x89: {  	s3 =	sld [smem:$0x3FFE];
	_ =	sdelay $0x1  }
0x8a: {  	s1 =	srdreg.scid  }
0x8b: {  	s0 =	sand.u32 $0x1, s1  }
0x8c: {  	s14 =	sshll.u32 s0, $0xA;
	s2 =	sadd.s32 s3, s2  }
0x8d: {  	s2 =	sadd.s32 s2, s14  }
0x8e: {  	[smem:$0x3FC4] =	sst s2  }
0x8f: {  	_ = 	snop  }
0x90: {  	s2 =	sld [smem:$0x3FD0];
	_ =	sdelay $0x2  }
0x91: {  	s15 =	simm.s32 $0xA;
	s4 =	simm.s32 $0x10  }
0x92: {  	[smem:s4], [sflag:s15] =	dma.local [hbm:s2], $0x1  }
0x93: {  	_ =	swait.eq [sflag:s15], $0x1  }
0x94: {  	[sflag:s15] =	ssyncset.done $0x0  }
0x95: {  	[sflag:s15] =	ssyncadd.s32 $0xFFFFFFFF  }
0x96: {  	s16 =	sld [smem:$0x10];
	(tm) =	ssettm $0x1  }
0x97: {  	s17 =	sld [smem:$0x3FFB];
	_ =	sdelay $0x3  }
0x98: {  	_ =	strace s17  }
0x99: {  	s3 =	sld [smem:$0x3FFC];
	_ =	sdelay $0x3  }
0x9a: {  	_ =	strace s3  }
0x9b: {  	s3 =	sld [smem:$0x3FFD];
	_ =	sdelay $0x3  }
0x9c: {  	_ =	strace s3  }
0x9d: {  	_ =	strace $0x8FFFFFFF  }
0x9e: {  	s18 =	sld [smem:$0x3FDB];
	_ =	sdelay $0x1  }
0x9f: {  	s19 =	simm.s32 $_scs_section_size  }
0xa0: {  	s5 =	simm.s32 $_size__tile_overlayer_lowered;
	s6 =	simm.s32 $_tile_overlayer_lowered  }
0xa1: {  	s22 =	simm.s32 $0x1BFF;
	s21 =	sshll.u32 s6, $0x1;
	s3 =	sadd.s32 s19, s18  }
0xa2: {  	s7 =	simm.s32 $0x0;
	s20 =	sshll.u32 s5, $0x1;
	s5 =	sadd.s32 s21, s3  }
0xa3: {  	[timem:s7], [sflag:s22] =	dma.local [hbm:s5], s20  }
0xa4: {  	_ =	swait.ge [sflag:s22], s20  }
0xa5: {  	s4 =	ssub.s32 $0x0, s20;
	[sflag:s22] =	ssyncset.done $0x0  }
0xa6: {  	[sflag:s22] =	ssyncadd.s32 s4;
	_ =	sdelay $0x1  }
0xa7: {  	s23 =	simm.s32 $0x1B8B  }
0xa8: {  	_ =	swait.ge [sflag:s23], $0x1  }
0xa9: {  	[sflag:s23] =	ssyncset.done $0x0  }
0xaa: {  	s25 =	simm.s32 $0x1B8E;
	s24 =	sld [smem:$0x3FFE];
	[sflag:s23] =	ssyncadd.s32 $0xFFFFFFFF  }
0xab: {  	s26 =	simm.s32 $execute0_lowered;
	[smem:$0x3FD2] =	sst s25  }
0xac: {  	s5 =	sshll.u32 s26, $0x1;
	_ =	strace $0x80000046;
	[dreg:$0x1] =	wrdreg $0xFFFFFFFF  }
0xad: {  	s28 =	simm.s32 $_size_execute0_lowered;
	s3 =	sadd.s32 s3, s5;
	[dreg:$0x0] =	wrdreg $0x0  }
0xae: {  	s5 =	sshll.u32 s28, $0x1;
	[dreg:$0x2] =	wrdreg s3  }
0xaf: {  	[dreg:$0x3] =	wrdreg s5  }
0xb0: {  	[dreg:$0x4] =	wrdreg $0xC0  }
0xb1: {  	_ =	task [dreg:s7], $0x5FFFF  }
0xb2: {  	[dreg:$0x1] =	wrdreg $0xFFFFFFFF  }
0xb3: {  	[dreg:$0x0] =	wrdreg $0x60  }
0xb4: {  	[dreg:$0x2] =	wrdreg s16  }
0xb5: {  	[dreg:$0x3] =	wrdreg s24  }
0xb6: {  	[dreg:$0x4] =	wrdreg $0x9  }
0xb7: {  	_ =	task.clear_ibuf [dreg:s7], $0x5FFFF;
	_ =	strace $0x90000046  }
0xb8: {  	s29 =	simm.s32 $0x9;
	_ =	strace $0x80000054  }
0xb9: {  	_ =	swait.ge [sflag:s29], $0x1  }
0xba: {  	[sflag:s29] =	ssyncadd.s32 $0xFFFFFFFF  }
0xbb: {  	_ =	strace $0x90000054  }
0xbc: {  	_ =	sfence  }
0xbd: {  	s30 =	sld [smem:$0x0];
	_ =	sdelay $0x2  }
0xbe: {  	s31 =	sshll.u32 s1, $0xD;
	s1 =	sshrl.u32 s1, $0x2  }
0xbf: {  	s3 =	sand.u32 $0x4000, s31;
	s1 =	sadd.s32 s1, s30  }
0xc0: {  	s0 =	sor.u32 s3, s0;
	s1 =	sshll.u32 s1, $0x11  }
0xc1: {  	s0 =	sor.u32 s1, s0  }
0xc2: {  	s0 =	sadd.s32 $0x8F2B, s0  }
0xc3: {  	[sflag:s0] =	ssyncadd.remote.s32 $0x1  }
0xc4: {  	_ =	sfence.sel $0xFFFF  }
0xc5: {  	[dreg:$0x0] =	wrdreg $0xFFFFFFFF;
	(pc) =	sbr.abs _section_cstart, $3  }
0xc6: {  	[dreg:$0x1] =	wrdreg $0xFFFFFFFF  }
0xc7: {  	_ =	task.clear_ibuf [dreg:s7], $0x2FFFF;
	_ =	strace $0x9FFFFFFF  }
0xc8: {  	(tm) =	ssettm $0x7FFFFFFF  }
0xc9: {  	_ =	shalt  }
tec
execute0_lowered:
.L_overlay_start_1:
0x0: {  	(tag) =	ssettag $0x1  }
0x1: {  	s19 =	rddreg [dreg:$0x0]  }
0x2: {  	s28 =	rddreg [dreg:$0x1];
	s1 =	srdreg.scid  }
0x3: {  	s0 =	rddreg [dreg:$0x2];
	s2 =	simm.s32 $0x0;
	s29 =	sand.u32 $0x1, s1  }
0x4: {  	[smem:$0x7FF] =	sst s2;
	s1 =	stileid.u32;
	s3 =	sshll.u32 s29, $0x4  }
0x5: {  	_ =	strace $0x80000047;
	s24 =	sshll.u32 s1, $0xE;
	s21 =	sor.u32 s1, s3  }
0x6: {  	s3 =	sadd.s32 s19, s24;
	_ =	strace $0x80000048;
	s15 =	sshll.u32 s21, $0x2  }
0x7: {  	[tilespmem:s2], [sflag:$0x1] =	stream.linear.gather [hbm4b:s3+s2], $0x8000, $0x200038;
	[tilespmem:$0x10200] =	vst v63  }
0x8: {  	s20 =	sadd.s32 $0x600, s28;
	s4 =	sshll.u32 s21, $0x7;
	s8 =	sor.u32 $0x1, s15  }
0x9: {  	s5 =	simm.s32 $0x10000;
	s4 =	sadd.s32 s20, s4;
	s6 =	sshll.u32 s8, $0xC  }
0xa: {  	[tilespmem:s5], [sflag:$0x3] =	stream.linear.gather [hbm4b:s4+s2], $0x100, $0x200038;
	[tilespmem:$0x10200] =	vst v63  }
0xb: {  	s6 =	sand.u32 $0x3D000, s6;
	_ =	strace $0x90000048  }
0xc: {  	s7 =	simm.s32 $0x8000;
	s6 =	sadd.s32 s19, s6;
	_ =	strace $0x80000049  }
0xd: {  	[tilespmem:s7], [sflag:$0x2] =	stream.linear.gather [hbm4b:s6+s2], $0x8000, $0x200038;
	[tilespmem:$0x10200] =	vst v63  }
0xe: {  	s8 =	sshll.u32 s8, $0x5;
	_ =	strace $0x90000049  }
0xf: {  	s9 =	simm.s32 $0x10100;
	s8 =	sadd.s32 s20, s8;
	_ =	strace $0x8000004A  }
0x10: {  	[tilespmem:s9], [sflag:$0x4] =	stream.linear.gather [hbm4b:s8+s2], $0x100, $0x200038;
	[tilespmem:$0x10200] =	vst v63  }
0x11: {  	_ =	strace $0x9000004A  }
0x12: {  	s10 =	simm.s32 $0x1;
	_ =	strace $0x8000004B  }
0x13: {  	_ =	swait.ge [sflag:s10], $0x8000  }
0x14: {  	[sflag:s10] =	ssyncset.done $0x0  }
0x15: {  	[sflag:s10] =	ssyncadd.s32 $0xFFFF8000  }
0x16: {  	_ =	strace $0x9000004B  }
0x17: {  	s11 =	simm.s32 $0x3;
	_ =	strace $0x8000004C  }
0x18: {  	_ =	swait.ge [sflag:s11], $0x100  }
0x19: {  	[sflag:s11] =	ssyncset.done $0x0  }
0x1a: {  	[sflag:s11] =	ssyncadd.s32 $0xFFFFFF00  }
0x1b: {  	s13 =	simm.s32 $0x100;
	_ =	strace $0x9000004C  }
0x1c: {  	s14 =	simm.s32 $0x5;
	s12 =	sadd.s32 $0x11600, s28;
	_ =	strace $0x8000004D  }
0x1d: {  	[hbm4b:s12+s13] =	stream.indirect.scatter [tilespmem:s2], [sflag:$0x5], $0x80, s5, s13, $0x2000b8;
	[tilespmem:$0x10200] =	vst v63  }
0x1e: {  	_ =	swait.ge [sflag:s14], $0x8000  }
0x1f: {  	s16 =	sor.u32 $0x2, s15;
	[sflag:s14] =	ssyncset.done $0x0  }
0x20: {  	s15 =	sshll.u32 s16, $0xC;
	[sflag:s14] =	ssyncadd.s32 $0xFFFF8000  }
0x21: {  	s15 =	sand.u32 $0x3E000, s15;
	_ =	strace $0x9000004D  }
0x22: {  	s15 =	sadd.s32 s19, s15;
	_ =	strace $0x80000049  }
0x23: {  	[tilespmem:s2], [sflag:$0x1] =	stream.linear.gather [hbm4b:s15+s2], $0x8000, $0x200038;
	[tilespmem:$0x10200] =	vst v63  }
0x24: {  	s16 =	sshll.u32 s16, $0x5;
	_ =	strace $0x90000049  }
0x25: {  	s16 =	sadd.s32 s20, s16;
	_ =	strace $0x8000004A  }
0x26: {  	[tilespmem:s5], [sflag:$0x3] =	stream.linear.gather [hbm4b:s16+s2], $0x100, $0x200038;
	[tilespmem:$0x10200] =	vst v63  }
0x27: {  	_ =	strace $0x9000004A  }
0x28: {  	s17 =	simm.s32 $0x2;
	_ =	strace $0x8000004B  }
0x29: {  	_ =	swait.ge [sflag:s17], $0x8000  }
0x2a: {  	[sflag:s17] =	ssyncset.done $0x0  }
0x2b: {  	[sflag:s17] =	ssyncadd.s32 $0xFFFF8000  }
0x2c: {  	_ =	strace $0x9000004B  }
0x2d: {  	s18 =	simm.s32 $0x4;
	_ =	strace $0x8000004C  }
0x2e: {  	_ =	swait.ge [sflag:s18], $0x100  }
0x2f: {  	[sflag:s18] =	ssyncset.done $0x0  }
0x30: {  	[sflag:s18] =	ssyncadd.s32 $0xFFFFFF00  }
0x31: {  	_ =	strace $0x9000004C  }
0x32: {  	_ =	strace $0x8000004D  }
0x33: {  	[hbm4b:s12+s13] =	stream.indirect.scatter [tilespmem:s7], [sflag:$0x5], $0x80, s9, s13, $0x2000b8;
	[tilespmem:$0x10200] =	vst v63  }
0x34: {  	_ =	swait.ge [sflag:s14], $0x8000  }
0x35: {  	s22 =	sshllo.u32 s21, $0x2;
	[sflag:s14] =	ssyncset.done $0x0  }
0x36: {  	s23 =	sshll.u32 s22, $0xC;
	[sflag:s14] =	ssyncadd.s32 $0xFFFF8000  }
0x37: {  	s23 =	sand.u32 $0x3F000, s23;
	_ =	strace $0x9000004D  }
0x38: {  	s19 =	sadd.s32 s19, s23;
	_ =	strace $0x80000049  }
0x39: {  	[tilespmem:s7], [sflag:$0x2] =	stream.linear.gather [hbm4b:s19+s2], $0x8000, $0x200038;
	[tilespmem:$0x10200] =	vst v63  }
0x3a: {  	s22 =	sshll.u32 s22, $0x5;
	_ =	strace $0x90000049  }
0x3b: {  	s20 =	sadd.s32 s20, s22;
	_ =	strace $0x8000004A  }
0x3c: {  	[tilespmem:s9], [sflag:$0x4] =	stream.linear.gather [hbm4b:s20+s2], $0x100, $0x200038;
	[tilespmem:$0x10200] =	vst v63  }
0x3d: {  	_ =	strace $0x9000004A  }
0x3e: {  	_ =	strace $0x8000004B  }
0x3f: {  	_ =	swait.ge [sflag:s10], $0x8000  }
0x40: {  	[sflag:s10] =	ssyncset.done $0x0  }
0x41: {  	[sflag:s10] =	ssyncadd.s32 $0xFFFF8000  }
0x42: {  	_ =	strace $0x9000004B  }
0x43: {  	_ =	strace $0x8000004C  }
0x44: {  	_ =	swait.ge [sflag:s11], $0x100  }
0x45: {  	[sflag:s11] =	ssyncset.done $0x0  }
0x46: {  	[sflag:s11] =	ssyncadd.s32 $0xFFFFFF00  }
0x47: {  	_ =	strace $0x9000004C  }
0x48: {  	_ =	strace $0x8000004D  }
0x49: {  	[hbm4b:s12+s13] =	stream.indirect.scatter [tilespmem:s2], [sflag:$0x5], $0x80, s5, s13, $0x2000b8;
	[tilespmem:$0x10200] =	vst v63  }
0x4a: {  	_ =	swait.ge [sflag:s14], $0x8000  }
0x4b: {  	[sflag:s14] =	ssyncset.done $0x0  }
0x4c: {  	[sflag:s14] =	ssyncadd.s32 $0xFFFF8000  }
0x4d: {  	_ =	strace $0x9000004D  }
0x4e: {  	_ =	strace $0x8000004B  }
0x4f: {  	_ =	swait.ge [sflag:s17], $0x8000  }
0x50: {  	[sflag:s17] =	ssyncset.done $0x0  }
0x51: {  	[sflag:s17] =	ssyncadd.s32 $0xFFFF8000  }
0x52: {  	_ =	strace $0x9000004B  }
0x53: {  	_ =	strace $0x8000004C  }
0x54: {  	_ =	swait.ge [sflag:s18], $0x100  }
0x55: {  	[sflag:s18] =	ssyncset.done $0x0  }
0x56: {  	[sflag:s18] =	ssyncadd.s32 $0xFFFFFF00  }
0x57: {  	_ =	strace $0x9000004C  }
0x58: {  	_ =	strace $0x8000004D  }
0x59: {  	[hbm4b:s12+s13] =	stream.indirect.scatter [tilespmem:s7], [sflag:$0x5], $0x80, s9, s13, $0x2000b8;
	[tilespmem:$0x10200] =	vst v63  }
0x5a: {  	_ =	swait.ge [sflag:s14], $0x8000  }
0x5b: {  	p0 =	sne.s32 s29, $0x0;
	s21 =	smin.u32 s21, $0x10;
	[sflag:s14] =	ssyncset.done $0x0  }
0x5c: {  	s25 =	sshll.u32 s21, $0x5;
	s21 =	sshll.u32 s21, $0xC;
	[sflag:s14] =	ssyncadd.s32 $0xFFFF8000  }
0x5d: {  	s26 =	sadd.s32 s25, s28;
	s21 =	sadd.s32 s21, s28;
	_ =	strace $0x9000004D  }
0x5e: {  	s21 =	sadd.s32 $0x1600, s21;
	s22 =	simm.s32 @!p0 $0x0;
	_ =	strace @!p0 $0x8000004E  }
0x5f: {  	[tilespmem:s22], [sflag:$0x1] =	stream.linear.gather @!p0 [hbm4b:s21+s22], $0x8000, $0x200038;
	[tilespmem:$0x10200] =	vst v63  }
0x60: {  	s24 =	simm.s32 @!p0 $0x10000;
	s23 =	sadd.s32 $0x400, s26  }
0x61: {  	[tilespmem:s24], [sflag:$0x3] =	stream.linear.gather @!p0 [hbm4b:s23+s22], $0x100, $0x200038;
	[tilespmem:$0x10200] =	vst v63  }
0x62: {  	_ =	strace @!p0 $0x9000004E  }
0x63: {  	s25 =	simm.s32 @!p0 $0x1;
	_ =	strace @!p0 $0x80000051  }
0x64: {  	_ =	swait.ge @!p0 [sflag:s25], $0x8000  }
0x65: {  	[sflag:s25] =	ssyncset.done @!p0 $0x0  }
0x66: {  	[sflag:s25] =	ssyncadd.s32 @!p0 $0xFFFF8000  }
0x67: {  	s29 =	ssub.s32 $0x2, s29;
	_ =	strace @!p0 $0x90000051  }
0x68: {  	s30 =	sshrl.u32 s29, $0x1;
	s26 =	simm.s32 @!p0 $0x3;
	_ =	strace @!p0 $0x80000052  }
0x69: {  	s30 =	ssub.s32 s29, s30;
	_ =	swait.ge @!p0 [sflag:s26], $0x100  }
0x6a: {  	s31 =	smax.u32 s30, $0x1;
	[sflag:s26] =	ssyncset.done @!p0 $0x0  }
0x6b: {  	s29 =	simm.s32 @!p0 $0x100;
	s31 =	sadd.s32 $0xFFFFFFFF, s31;
	[sflag:s26] =	ssyncadd.s32 @!p0 $0xFFFFFF00  }
0x6c: {  	s30 =	simm.s32 @!p0 $0x5;
	p1 =	sne.s32 s31, $0x0;
	_ =	strace @!p0 $0x90000052  }
.Ltmp0:
0x6d: {  	s28 =	sadd.s32 $0xC9600, s28;
	_ =	strace @!p0 $0x80000053;
	(pc) =	sbr.rel @!p1 .LBB2_2-.Ltmp0, $4  }
0x6e: {  	[hbm4b:s28+s29] =	stream.indirect.scatter @!p0 [tilespmem:s22], [sflag:$0x5], $0x80, s24, s29, $0x2000b8;
	[tilespmem:$0x10200] =	vst v63  }
0x6f: {  	_ =	swait.ge @!p0 [sflag:s30], $0x8000  }
0x70: {  	[sflag:s30] =	ssyncset.done @!p0 $0x0  }
0x71: {  	[sflag:s30] =	ssyncadd.s32 @!p0 $0xFFFF8000  }
.LBB2_1:
0x72: {  	s31 =	sadd.s32 $0xFFFFFFFF, s31;
	_ =	strace @!p0 $0x90000053  }
0x73: {  	_ =	strace $0x80000048;
	p1 =	sne.s32 s31, $0x0  }
0x74: {  	[tilespmem:s2], [sflag:$0x1] =	stream.linear.gather [hbm4b:s3+s2], $0x8000, $0x200038;
	[tilespmem:$0x10200] =	vst v63  }
0x75: {  	_ = 	snop  }
0x76: {  	[tilespmem:s5], [sflag:$0x3] =	stream.linear.gather [hbm4b:s4+s2], $0x100, $0x200038;
	[tilespmem:$0x10200] =	vst v63  }
0x77: {  	_ =	strace $0x90000048  }
0x78: {  	_ =	strace $0x80000049  }
0x79: {  	[tilespmem:s7], [sflag:$0x2] =	stream.linear.gather [hbm4b:s6+s2], $0x8000, $0x200038;
	[tilespmem:$0x10200] =	vst v63  }
0x7a: {  	_ =	strace $0x90000049  }
0x7b: {  	_ =	strace $0x8000004A  }
0x7c: {  	[tilespmem:s9], [sflag:$0x4] =	stream.linear.gather [hbm4b:s8+s2], $0x100, $0x200038;
	[tilespmem:$0x10200] =	vst v63  }
0x7d: {  	_ =	strace $0x9000004A  }
0x7e: {  	_ =	strace $0x8000004B  }
0x7f: {  	_ =	swait.ge [sflag:s10], $0x8000  }
0x80: {  	[sflag:s10] =	ssyncset.done $0x0  }
0x81: {  	[sflag:s10] =	ssyncadd.s32 $0xFFFF8000  }
0x82: {  	_ =	strace $0x9000004B  }
0x83: {  	_ =	strace $0x8000004C  }
0x84: {  	_ =	swait.ge [sflag:s11], $0x100  }
0x85: {  	[sflag:s11] =	ssyncset.done $0x0  }
0x86: {  	[sflag:s11] =	ssyncadd.s32 $0xFFFFFF00  }
0x87: {  	_ =	strace $0x9000004C  }
0x88: {  	_ =	strace $0x8000004D  }
0x89: {  	[hbm4b:s12+s13] =	stream.indirect.scatter [tilespmem:s2], [sflag:$0x5], $0x80, s5, s13, $0x2000b8;
	[tilespmem:$0x10200] =	vst v63  }
0x8a: {  	_ =	swait.ge [sflag:s14], $0x8000  }
0x8b: {  	[sflag:s14] =	ssyncset.done $0x0  }
0x8c: {  	[sflag:s14] =	ssyncadd.s32 $0xFFFF8000  }
0x8d: {  	_ =	strace $0x9000004D  }
0x8e: {  	_ =	strace $0x80000049  }
0x8f: {  	[tilespmem:s2], [sflag:$0x1] =	stream.linear.gather [hbm4b:s15+s2], $0x8000, $0x200038;
	[tilespmem:$0x10200] =	vst v63  }
0x90: {  	_ =	strace $0x90000049  }
0x91: {  	_ =	strace $0x8000004A  }
0x92: {  	[tilespmem:s5], [sflag:$0x3] =	stream.linear.gather [hbm4b:s16+s2], $0x100, $0x200038;
	[tilespmem:$0x10200] =	vst v63  }
0x93: {  	_ =	strace $0x9000004A  }
0x94: {  	_ =	strace $0x8000004B  }
0x95: {  	_ =	swait.ge [sflag:s17], $0x8000  }
0x96: {  	[sflag:s17] =	ssyncset.done $0x0  }
0x97: {  	[sflag:s17] =	ssyncadd.s32 $0xFFFF8000  }
0x98: {  	_ =	strace $0x9000004B  }
0x99: {  	_ =	strace $0x8000004C  }
0x9a: {  	_ =	swait.ge [sflag:s18], $0x100  }
0x9b: {  	[sflag:s18] =	ssyncset.done $0x0  }
0x9c: {  	[sflag:s18] =	ssyncadd.s32 $0xFFFFFF00  }
0x9d: {  	_ =	strace $0x9000004C  }
0x9e: {  	_ =	strace $0x8000004D  }
0x9f: {  	[hbm4b:s12+s13] =	stream.indirect.scatter [tilespmem:s7], [sflag:$0x5], $0x80, s9, s13, $0x2000b8;
	[tilespmem:$0x10200] =	vst v63  }
0xa0: {  	_ =	swait.ge [sflag:s14], $0x8000  }
0xa1: {  	[sflag:s14] =	ssyncset.done $0x0  }
0xa2: {  	[sflag:s14] =	ssyncadd.s32 $0xFFFF8000  }
0xa3: {  	_ =	strace $0x9000004D  }
0xa4: {  	_ =	strace $0x80000049  }
0xa5: {  	[tilespmem:s7], [sflag:$0x2] =	stream.linear.gather [hbm4b:s19+s2], $0x8000, $0x200038;
	[tilespmem:$0x10200] =	vst v63  }
0xa6: {  	_ =	strace $0x90000049  }
0xa7: {  	_ =	strace $0x8000004A  }
0xa8: {  	[tilespmem:s9], [sflag:$0x4] =	stream.linear.gather [hbm4b:s20+s2], $0x100, $0x200038;
	[tilespmem:$0x10200] =	vst v63  }
0xa9: {  	_ =	strace $0x9000004A  }
0xaa: {  	_ =	strace $0x8000004B  }
0xab: {  	_ =	swait.ge [sflag:s10], $0x8000  }
0xac: {  	[sflag:s10] =	ssyncset.done $0x0  }
0xad: {  	[sflag:s10] =	ssyncadd.s32 $0xFFFF8000  }
0xae: {  	_ =	strace $0x9000004B  }
0xaf: {  	_ =	strace $0x8000004C  }
0xb0: {  	_ =	swait.ge [sflag:s11], $0x100  }
0xb1: {  	[sflag:s11] =	ssyncset.done $0x0  }
0xb2: {  	[sflag:s11] =	ssyncadd.s32 $0xFFFFFF00  }
0xb3: {  	_ =	strace $0x9000004C  }
0xb4: {  	_ =	strace $0x8000004D  }
0xb5: {  	[hbm4b:s12+s13] =	stream.indirect.scatter [tilespmem:s2], [sflag:$0x5], $0x80, s5, s13, $0x2000b8;
	[tilespmem:$0x10200] =	vst v63  }
0xb6: {  	_ =	swait.ge [sflag:s14], $0x8000  }
0xb7: {  	[sflag:s14] =	ssyncset.done $0x0  }
0xb8: {  	[sflag:s14] =	ssyncadd.s32 $0xFFFF8000  }
0xb9: {  	_ =	strace $0x9000004D  }
0xba: {  	_ =	strace $0x8000004B  }
0xbb: {  	_ =	swait.ge [sflag:s17], $0x8000  }
0xbc: {  	[sflag:s17] =	ssyncset.done $0x0  }
0xbd: {  	[sflag:s17] =	ssyncadd.s32 $0xFFFF8000  }
0xbe: {  	_ =	strace $0x9000004B  }
0xbf: {  	_ =	strace $0x8000004C  }
0xc0: {  	_ =	swait.ge [sflag:s18], $0x100  }
0xc1: {  	[sflag:s18] =	ssyncset.done $0x0  }
0xc2: {  	[sflag:s18] =	ssyncadd.s32 $0xFFFFFF00  }
0xc3: {  	_ =	strace $0x9000004C  }
0xc4: {  	_ =	strace $0x8000004D  }
0xc5: {  	[hbm4b:s12+s13] =	stream.indirect.scatter [tilespmem:s7], [sflag:$0x5], $0x80, s9, s13, $0x2000b8;
	[tilespmem:$0x10200] =	vst v63  }
0xc6: {  	_ =	swait.ge [sflag:s14], $0x8000  }
0xc7: {  	[sflag:s14] =	ssyncset.done $0x0  }
0xc8: {  	[sflag:s14] =	ssyncadd.s32 $0xFFFF8000  }
0xc9: {  	_ =	strace $0x9000004D  }
0xca: {  	_ =	strace @!p0 $0x8000004E  }
0xcb: {  	[tilespmem:s22], [sflag:$0x1] =	stream.linear.gather @!p0 [hbm4b:s21+s22], $0x8000, $0x200038;
	[tilespmem:$0x10200] =	vst v63  }
0xcc: {  	_ = 	snop  }
0xcd: {  	[tilespmem:s24], [sflag:$0x3] =	stream.linear.gather @!p0 [hbm4b:s23+s22], $0x100, $0x200038;
	[tilespmem:$0x10200] =	vst v63  }
0xce: {  	_ =	strace @!p0 $0x9000004E  }
0xcf: {  	_ =	strace @!p0 $0x80000051  }
0xd0: {  	_ =	swait.ge @!p0 [sflag:s25], $0x8000  }
0xd1: {  	[sflag:s25] =	ssyncset.done @!p0 $0x0  }
0xd2: {  	[sflag:s25] =	ssyncadd.s32 @!p0 $0xFFFF8000  }
0xd3: {  	_ =	strace @!p0 $0x90000051  }
0xd4: {  	_ =	strace @!p0 $0x80000052  }
0xd5: {  	_ =	swait.ge @!p0 [sflag:s26], $0x100  }
0xd6: {  	[sflag:s26] =	ssyncset.done @!p0 $0x0  }
0xd7: {  	[sflag:s26] =	ssyncadd.s32 @!p0 $0xFFFFFF00  }
0xd8: {  	_ =	strace @!p0 $0x90000052  }
.Ltmp1:
0xd9: {  	_ =	strace @!p0 $0x80000053;
	(pc) =	sbr.rel @p1 .LBB2_1-.Ltmp1, $4  }
0xda: {  	[hbm4b:s28+s29] =	stream.indirect.scatter @!p0 [tilespmem:s22], [sflag:$0x5], $0x80, s24, s29, $0x2000b8;
	[tilespmem:$0x10200] =	vst v63  }
0xdb: {  	_ =	swait.ge @!p0 [sflag:s30], $0x8000  }
0xdc: {  	[sflag:s30] =	ssyncset.done @!p0 $0x0  }
0xdd: {  	[sflag:s30] =	ssyncadd.s32 @!p0 $0xFFFF8000  }
.LBB2_2:
0xde: {  	_ =	strace @!p0 $0x90000053  }
0xdf: {  	_ =	sfence.sel $0x180000  }
0xe0: {  	[bflag:$0x0] =	sbarrier.arrive $0xFFFF  }
0xe1: {  	p0 =	sne.s32 s1, $0x0;
	_ =	strace $0x90000047  }
0xe2: {  	s0 =	sadd.s32 @!p0 $0x100000, s0;
	[bflag:$0x2] =	sbarrier.arrive $0xFFFF  }
0xe3: {  	[sflag:s0] =	ssyncadd.tile.s32 @!p0 $0x1;
	_ =	shalt  }
.Lfunc_end2:
_tile_overlayer_lowered:
.L_overlay_start_2:
0xe4: {  	(tag) =	ssettag $0x2  }
0xe5: {  	s0 =	rddreg [dreg:$0x0];
	s2 =	stileid.u32  }
0xe6: {  	s1 =	rddreg [dreg:$0x1];
	p0 =	sne.s32 s2, $0x0  }
0xe7: {  	s3 =	rddreg [dreg:$0x2];
	[bflag:$0x3] =	sbarrier.arrive $0xFFFF;
	s2 =	simm.s32 @!p0 $0x1C01  }
0xe8: {  	[timem:s3], [sflag:s2] =	dma.local @!p0 [hbm:s0], s1  }
0xe9: {  	s0 =	simm.s32 @!p0 $0x1  }
0xea: {  	_ =	swait.ge @!p0 [sflag:s0], s1  }
0xeb: {  	s1 =	ssub.s32 @!p0 $0x0, s1;
	[sflag:s0] =	ssyncset.done @!p0 $0x0  }
0xec: {  	[sflag:s0] =	ssyncadd.s32 @!p0 s1  }
0xed: {  	[bflag:$0x3] =	sbarrier.arrive $0xFFFF  }
0xee: {  	_ =	shalt  }

// kernel: kernel.9.cloned.1.call-start
scs
__scs_entry_jumppad:
0x0: {  	(pc) =	sbr.rel $0x88, $3  }
0x1: {  	(tag) =	ssettag $0x0;
	lr =	simm.s32 $0x1  }
0x2: {  	[smem:$0x3F9D] =	sst lr;
	_ =	strace $0xD0000000  }
0x3: {  	_ = 	snop  }
0x4: {  	_ = 	snop  }
0x5: {  	_ = 	snop  }
0x6: {  	_ = 	snop  }
0x7: {  	_ = 	snop  }
__scs_overlays_trampoline_lowered:
0x8: {  	[smem:$0x3FAC] =	sst s0  }
0x9: {  	[smem:$0x3FAD] =	sst s1  }
0xa: {  	[smem:$0x3FAE] =	sst s2  }
0xb: {  	[smem:$0x3FAF] =	sst s3  }
0xc: {  	[smem:$0x3FB0] =	sst s4  }
0xd: {  	[smem:$0x3FB1] =	sst s5  }
0xe: {  	[smem:$0x3FB2] =	sst s6  }
0xf: {  	[smem:$0x3FB3] =	sst s7  }
0x10: {  	[smem:$0x3FB4] =	sst s8  }
0x11: {  	[smem:$0x3FB5] =	sst s9;
	s0 =	simm.s32 @!p0 $0x0  }
0x12: {  	s1 =	sld [smem:$0x3F9B];
	s0 =	simm.s32 @p0 $0x1  }
0x13: {  	[smem:$0x3FB6] =	sst s0;
	s0 =	simm.s32 @!p1 $0x0  }
0x14: {  	s2 =	sld [smem:$0x3F9A];
	s0 =	simm.s32 @p1 $0x1  }
0x15: {  	[smem:$0x3FB7] =	sst s0;
	s0 =	simm.s32 @!p2 $0x0  }
0x16: {  	s3 =	sld [smem:$0x3FDB];
	s0 =	simm.s32 @p2 $0x1  }
0x17: {  	s4 =	simm.s32 $0x1BF5;
	[smem:$0x3FB9] =	sst s0  }
0x18: {  	s0 =	sld [smem:$0x3F9C];
	_ =	swait.ge [sflag:s4], $0x0  }
0x19: {  	s7 =	sld [smem:$0x3F9D]  }
0x1a: {  	s8 =	sadd.s32 $0xFFFFE003, lr  }
0x1b: {  	s9 =	sadd.s32 $0xFFFFFEF7, lr;
	s5 =	simm.s32 $0xFFFFFFFF;
	p2 =	slt.u32 s8, $0xFFFFF086  }
0x1c: {  	p1 =	slt.u32 s9, $0xF7A;
	s5 =	simm.s32 @!p2 $0x0  }
0x1d: {  	s5 =	simm.s32 @p1 $0x1;
	p0 =	seq.s32 s7, s2  }
0x1e: {  	s7 =	smul.u32 @!p0 $0xF7A, s2;
	p2 =	seq.s32 @!p0 s5, $0x0  }
0x1f: {  	s9 =	smul.u32 $0xF7A, s1;
	s8 =	simm.s32 @!p0 $0x1BF5;
	p2 =	por !p2, p0  }
0x20: {  	[sflag:s8] =	ssyncset.s32 @!p0 $0xFFFFF086;
	s6 =	sadd.s32 @!p0 s3, s7;
	s7 =	simm.s32 @!p0 $0x108  }
0x21: {  	s3 =	sadd.s32 s3, s9;
	s6 =	sadd.s32 @!p0 $0x88, s6;
	s7 =	simm.s32 @p2 $0x1082  }
0x22: {  	[simem:s7], [sflag:s8] =	dma.local @!p0 [hbm:s6], $0xF7A  }
0x23: {  	s9 =	sor.u32 $0xD0000000, s2;
	s6 =	simm.s32 $0x108;
	_ =	swait.ge @!p0 [sflag:s8], $0x0  }
0x24: {  	s3 =	sadd.s32 $0x88, s3;
	s6 =	simm.s32 @!p1 $0x1082;
	[sflag:s4] =	ssyncset.s32 $0xFFFFF086  }
0x25: {  	[simem:s6], [sflag:s4] =	dma.local [hbm:s3], $0xF7A  }
0x26: {  	[smem:$0x3F9D] =	sst s1;
	(tag) =	ssettag s2;
	_ =	strace s9  }
0x27: {  	s1 =	sld [smem:$0x3FAD]  }
0x28: {  	s2 =	sld [smem:$0x3FAE]  }
0x29: {  	s4 =	sld [smem:$0x3FB0]  }
0x2a: {  	p0 =	seq.s32 s5, $0x0;
	s5 =	sld [smem:$0x3FB1]  }
0x2b: {  	s6 =	sld [smem:$0x3FB2]  }
0x2c: {  	s7 =	sld [smem:$0x3FB3]  }
0x2d: {  	s3 =	simm.s32 $0x108;
	s8 =	sld [smem:$0x3FB4]  }
0x2e: {  	s3 =	simm.s32 @!p0 $0x1082;
	s9 =	sld [smem:$0x3FB5]  }
0x2f: {  	lr =	sadd.s32 s0, s3;
	s0 =	sld [smem:$0x3FAC]  }
0x30: {  	s3 =	sld [smem:$0x3FAF]  }
0x31: {  	[smem:$0x3FB8] =	sst s10  }
0x32: {  	s10 =	sld [smem:$0x3FB6];
	_ =	sdelay $0x3  }
0x33: {  	p0 =	seq.s32 s10, $0x1;
	s10 =	sld [smem:$0x3FB8];
	_ =	sdelay $0x3  }
0x34: {  	[smem:$0x3FB8] =	sst s10  }
0x35: {  	s10 =	sld [smem:$0x3FB7];
	_ =	sdelay $0x3  }
0x36: {  	p1 =	seq.s32 s10, $0x1;
	s10 =	sld [smem:$0x3FB8];
	_ =	sdelay $0x3  }
0x37: {  	[smem:$0x3FB8] =	sst s10  }
0x38: {  	s10 =	sld [smem:$0x3FB9]  }
0x39: {  	_ = 	snop;
	(pc) =	sbr.ind lr, $3  }
0x3a: {  	_ = 	snop  }
0x3b: {  	_ = 	snop  }
0x3c: {  	p2 =	seq.s32 s10, $0x1;
	s10 =	sld [smem:$0x3FB8]  }
0x3d: {  	_ =	shalt  }
0x3e: {  	_ =	shalt  }
0x3f: {  	_ =	shalt  }
0x40: {  	_ =	shalt  }
0x41: {  	_ =	shalt  }
0x42: {  	_ =	shalt  }
0x43: {  	_ =	shalt  }
0x44: {  	_ =	shalt  }
0x45: {  	_ =	shalt  }
0x46: {  	_ =	shalt  }
0x47: {  	_ =	shalt  }
0x48: {  	_ =	shalt  }
0x49: {  	_ =	shalt  }
0x4a: {  	_ =	shalt  }
0x4b: {  	_ =	shalt  }
0x4c: {  	_ =	shalt  }
0x4d: {  	_ =	shalt  }
0x4e: {  	_ =	shalt  }
0x4f: {  	_ =	shalt  }
0x50: {  	_ =	shalt  }
0x51: {  	_ =	shalt  }
0x52: {  	_ =	shalt  }
0x53: {  	_ =	shalt  }
0x54: {  	_ =	shalt  }
0x55: {  	_ =	shalt  }
0x56: {  	_ =	shalt  }
0x57: {  	_ =	shalt  }
0x58: {  	_ =	shalt  }
0x59: {  	_ =	shalt  }
0x5a: {  	_ =	shalt  }
0x5b: {  	_ =	shalt  }
0x5c: {  	_ =	shalt  }
0x5d: {  	_ =	shalt  }
0x5e: {  	_ =	shalt  }
0x5f: {  	_ =	shalt  }
0x60: {  	_ =	shalt  }
0x61: {  	_ =	shalt  }
0x62: {  	_ =	shalt  }
0x63: {  	_ =	shalt  }
0x64: {  	_ =	shalt  }
0x65: {  	_ =	shalt  }
0x66: {  	_ =	shalt  }
0x67: {  	_ =	shalt  }
0x68: {  	_ =	shalt  }
0x69: {  	_ =	shalt  }
0x6a: {  	_ =	shalt  }
0x6b: {  	_ =	shalt  }
0x6c: {  	_ =	shalt  }
0x6d: {  	_ =	shalt  }
0x6e: {  	_ =	shalt  }
0x6f: {  	_ =	shalt  }
0x70: {  	_ =	shalt  }
0x71: {  	_ =	shalt  }
0x72: {  	_ =	shalt  }
0x73: {  	_ =	shalt  }
0x74: {  	_ =	shalt  }
0x75: {  	_ =	shalt  }
0x76: {  	_ =	shalt  }
0x77: {  	_ =	shalt  }
0x78: {  	_ =	shalt  }
0x79: {  	_ =	shalt  }
0x7a: {  	_ =	shalt  }
0x7b: {  	_ =	shalt  }
0x7c: {  	_ =	shalt  }
0x7d: {  	_ =	shalt  }
0x7e: {  	_ =	shalt  }
0x7f: {  	_ =	shalt  }
0x80: {  	_ =	shalt  }
0x81: {  	_ =	shalt  }
0x82: {  	_ =	shalt  }
0x83: {  	_ =	shalt  }
0x84: {  	_ =	shalt  }
0x85: {  	_ =	shalt  }
0x86: {  	_ =	shalt  }
0x87: {  	_ =	shalt  }
.Lfunc_end0:
.L_simem_size_0:
called_computation.1_lowered:
.L_overlay_start_0:
0x88: {  	s2 =	sld [smem:$0x3FD9]  }
0x89: {  	s3 =	sld [smem:$0x3FFE];
	_ =	sdelay $0x1  }
0x8a: {  	s1 =	srdreg.scid  }
0x8b: {  	s0 =	sand.u32 $0x1, s1  }
0x8c: {  	s16 =	sshll.u32 s0, $0xA;
	s2 =	sadd.s32 s3, s2  }
0x8d: {  	s2 =	sadd.s32 s2, s16  }
0x8e: {  	[smem:$0x3FC4] =	sst s2  }
0x8f: {  	_ = 	snop  }
0x90: {  	(tm) =	ssettm $0x1  }
0x91: {  	s17 =	sld [smem:$0x3FFB];
	_ =	sdelay $0x3  }
0x92: {  	_ =	strace s17  }
0x93: {  	s2 =	sld [smem:$0x3FFC];
	_ =	sdelay $0x3  }
0x94: {  	_ =	strace s2  }
0x95: {  	s2 =	sld [smem:$0x3FFD];
	_ =	sdelay $0x3  }
0x96: {  	_ =	strace s2  }
0x97: {  	_ =	strace $0x8FFFFFFF  }
0x98: {  	s18 =	sld [smem:$0x3FDB];
	_ =	sdelay $0x1  }
0x99: {  	s19 =	simm.s32 $_scs_section_size  }
0x9a: {  	s4 =	simm.s32 $_size__tile_overlayer_lowered;
	s5 =	simm.s32 $_tile_overlayer_lowered  }
0x9b: {  	s22 =	simm.s32 $0x1BFF;
	s21 =	sshll.u32 s5, $0x1;
	s2 =	sadd.s32 s19, s18  }
0x9c: {  	s6 =	simm.s32 $0x0;
	s20 =	sshll.u32 s4, $0x1;
	s4 =	sadd.s32 s21, s2  }
0x9d: {  	[timem:s6], [sflag:s22] =	dma.local [hbm:s4], s20  }
0x9e: {  	_ =	swait.ge [sflag:s22], s20  }
0x9f: {  	s3 =	ssub.s32 $0x0, s20;
	[sflag:s22] =	ssyncset.done $0x0  }
0xa0: {  	[sflag:s22] =	ssyncadd.s32 s3;
	_ =	sdelay $0x1  }
0xa1: {  	s23 =	simm.s32 $0x1B8B  }
0xa2: {  	_ =	swait.ge [sflag:s23], $0x1  }
0xa3: {  	[sflag:s23] =	ssyncset.done $0x0  }
0xa4: {  	s25 =	simm.s32 $0x1B8E;
	s24 =	sld [smem:$0x3FFE];
	[sflag:s23] =	ssyncadd.s32 $0xFFFFFFFF  }
0xa5: {  	s26 =	simm.s32 $execute0_lowered;
	[smem:$0x3FD2] =	sst s25  }
0xa6: {  	s4 =	sshll.u32 s26, $0x1;
	_ =	strace $0x80000055;
	[dreg:$0x1] =	wrdreg $0xFFFFFFFF  }
0xa7: {  	s28 =	simm.s32 $_size_execute0_lowered;
	s2 =	sadd.s32 s2, s4;
	[dreg:$0x0] =	wrdreg $0x0  }
0xa8: {  	s4 =	sshll.u32 s28, $0x1;
	[dreg:$0x2] =	wrdreg s2  }
0xa9: {  	[dreg:$0x3] =	wrdreg s4  }
0xaa: {  	[dreg:$0x4] =	wrdreg $0xC0  }
0xab: {  	_ =	task [dreg:s6], $0x5FFFF  }
0xac: {  	[dreg:$0x1] =	wrdreg $0xFFFFFFFF  }
0xad: {  	[dreg:$0x0] =	wrdreg $0x60  }
0xae: {  	[dreg:$0x2] =	wrdreg s24  }
0xaf: {  	[dreg:$0x3] =	wrdreg $0x9  }
0xb0: {  	_ =	task.clear_ibuf [dreg:s6], $0x4FFFF;
	_ =	strace $0x90000055  }
0xb1: {  	s29 =	simm.s32 $0x9;
	_ =	strace $0x80000060  }
0xb2: {  	_ =	swait.ge [sflag:s29], $0x1  }
0xb3: {  	[sflag:s29] =	ssyncadd.s32 $0xFFFFFFFF  }
0xb4: {  	_ =	strace $0x90000060  }
0xb5: {  	_ =	sfence  }
0xb6: {  	s30 =	sld [smem:$0x0];
	_ =	sdelay $0x2  }
0xb7: {  	s31 =	sshll.u32 s1, $0xD;
	s1 =	sshrl.u32 s1, $0x2  }
0xb8: {  	s3 =	sand.u32 $0x4000, s31;
	s1 =	sadd.s32 s1, s30  }
0xb9: {  	s0 =	sor.u32 s3, s0;
	s1 =	sshll.u32 s1, $0x11  }
0xba: {  	s0 =	sor.u32 s1, s0  }
0xbb: {  	s0 =	sadd.s32 $0x8F2B, s0  }
0xbc: {  	[sflag:s0] =	ssyncadd.remote.s32 $0x1  }
0xbd: {  	_ =	sfence.sel $0xFFFF  }
0xbe: {  	[dreg:$0x0] =	wrdreg $0xFFFFFFFF;
	(pc) =	sbr.abs _section_cstart, $3  }
0xbf: {  	[dreg:$0x1] =	wrdreg $0xFFFFFFFF  }
0xc0: {  	_ =	task.clear_ibuf [dreg:s6], $0x2FFFF;
	_ =	strace $0x9FFFFFFF  }
0xc1: {  	(tm) =	ssettm $0x7FFFFFFF  }
tec
execute0_lowered:
.L_overlay_start_1:
0x0: {  	(tag) =	ssettag $0x1  }
0x1: {  	s0 =	srdreg.scid  }
0x2: {  	s21 =	sand.u32 $0x1, s0  }
0x3: {  	s1 =	stileid.u32;
	s3 =	sshll.u32 s21, $0x4  }
0x4: {  	s15 =	rddreg [dreg:$0x0];
	s2 =	simm.s32 $0x0;
	s16 =	sor.u32 s1, s3  }
0x5: {  	[smem:$0x7FF] =	sst s2;
	s3 =	sshll.u32 s16, $0x6  }
0x6: {  	s0 =	rddreg [dreg:$0x1];
	_ =	strace $0x80000056;
	s8 =	sadd.s32 s3, s15  }
0x7: {  	_ =	strace $0x80000057;
	s3 =	sadd.s32 $0x600, s8  }
0x8: {  	[tilespmem:s2], [sflag:$0x1] =	stream.linear.gather [hbm4b:s3+s2], $0x100, $0x200038;
	[tilespmem:$0x10400] =	vst v63  }
0x9: {  	s5 =	simm.s32 $0x200;
	s4 =	sadd.s32 $0xE00, s8  }
0xa: {  	[tilespmem:s5], [sflag:$0x3] =	stream.linear.gather [hbm4b:s4+s2], $0x100, $0x200038;
	[tilespmem:$0x10400] =	vst v63  }
0xb: {  	_ =	strace $0x90000057  }
0xc: {  	s7 =	simm.s32 $0x100;
	s6 =	sadd.s32 $0x620, s8;
	_ =	strace $0x80000058  }
0xd: {  	[tilespmem:s7], [sflag:$0x2] =	stream.linear.gather [hbm4b:s6+s2], $0x100, $0x200038;
	[tilespmem:$0x10400] =	vst v63  }
0xe: {  	_ =	strace $0x90000058  }
0xf: {  	s9 =	simm.s32 $0x300;
	s8 =	sadd.s32 $0xE20, s8;
	_ =	strace $0x80000059  }
0x10: {  	[tilespmem:s9], [sflag:$0x4] =	stream.linear.gather [hbm4b:s8+s2], $0x100, $0x200038;
	[tilespmem:$0x10400] =	vst v63  }
0x11: {  	_ =	strace $0x90000059  }
0x12: {  	s10 =	simm.s32 $0x1;
	_ =	strace $0x8000005A  }
0x13: {  	_ =	swait.ge [sflag:s10], $0x100  }
0x14: {  	[sflag:s10] =	ssyncset.done $0x0  }
0x15: {  	[sflag:s10] =	ssyncadd.s32 $0xFFFFFF00  }
0x16: {  	_ =	strace $0x9000005A  }
0x17: {  	s11 =	simm.s32 $0x3;
	_ =	strace $0x8000005B  }
0x18: {  	_ =	swait.ge [sflag:s11], $0x100  }
0x19: {  	[sflag:s11] =	ssyncset.done $0x0  }
0x1a: {  	[sflag:s11] =	ssyncadd.s32 $0xFFFFFF00  }
0x1b: {  	s13 =	simm.s32 $0x400;
	_ =	strace $0x9000005B  }
0x1c: {  	s14 =	simm.s32 $0x7;
	s12 =	sadd.s32 $0xB9600, s15;
	_ =	strace $0x8000005C  }
0x1d: {  	[tilespmem:s13], [sflag:$0x7] =	stream.indirect.gather [hbm4b:s12+s7], $0x80, s2, s7, $0x2000b8;
	[tilespmem:$0x10400] =	vst v63  }
0x1e: {  	_ =	swait.ge [sflag:s14], $0x8000  }
0x1f: {  	[sflag:s14] =	ssyncset.done $0x0  }
0x20: {  	[sflag:s14] =	ssyncadd.s32 $0xFFFF8000  }
0x21: {  	[tilespmem:s13], [sflag:$0x7] =	stream.indirect.gather.add.f32 [hbm:s12], $0x80, s5, s7, $0x2000b8;
	[tilespmem:$0x10400] =	vst v63  }
0x22: {  	_ =	swait.ge [sflag:s14], $0x8000  }
0x23: {  	[sflag:s14] =	ssyncset.done $0x0  }
0x24: {  	s16 =	sshll.u32 s16, $0xD;
	[sflag:s14] =	ssyncadd.s32 $0xFFFF8000  }
0x25: {  	s19 =	sadd.s32 s16, s15;
	_ =	strace $0x9000005C  }
0x26: {  	s15 =	sadd.s32 $0x1600, s19;
	_ =	strace $0x8000005D  }
0x27: {  	[hbm4b:s15+s2] =	stream.linear.scatter [tilespmem:s13], [sflag:$0x5], $0x8000, $0x200038;
	[tilespmem:$0x10400] =	vst v63  }
0x28: {  	_ =	strace $0x9000005D  }
0x29: {  	s16 =	simm.s32 $0x2;
	_ =	strace $0x8000005A  }
0x2a: {  	_ =	swait.ge [sflag:s16], $0x100  }
0x2b: {  	[sflag:s16] =	ssyncset.done $0x0  }
0x2c: {  	[sflag:s16] =	ssyncadd.s32 $0xFFFFFF00  }
0x2d: {  	_ =	strace $0x9000005A  }
0x2e: {  	s17 =	simm.s32 $0x4;
	_ =	strace $0x8000005B  }
0x2f: {  	_ =	swait.ge [sflag:s17], $0x100  }
0x30: {  	[sflag:s17] =	ssyncset.done $0x0  }
0x31: {  	[sflag:s17] =	ssyncadd.s32 $0xFFFFFF00  }
0x32: {  	_ =	strace $0x9000005B  }
0x33: {  	s18 =	simm.s32 $0x8400;
	_ =	strace $0x8000005C  }
0x34: {  	[tilespmem:s18], [sflag:$0x7] =	stream.indirect.gather [hbm4b:s12+s7], $0x80, s7, s7, $0x2000b8;
	[tilespmem:$0x10400] =	vst v63  }
0x35: {  	_ =	swait.ge [sflag:s14], $0x8000  }
0x36: {  	[sflag:s14] =	ssyncset.done $0x0  }
0x37: {  	[sflag:s14] =	ssyncadd.s32 $0xFFFF8000  }
0x38: {  	[tilespmem:s18], [sflag:$0x7] =	stream.indirect.gather.add.f32 [hbm:s12], $0x80, s9, s7, $0x2000b8;
	[tilespmem:$0x10400] =	vst v63  }
0x39: {  	_ =	swait.ge [sflag:s14], $0x8000  }
0x3a: {  	[sflag:s14] =	ssyncset.done $0x0  }
0x3b: {  	[sflag:s14] =	ssyncadd.s32 $0xFFFF8000  }
0x3c: {  	_ =	strace $0x9000005C  }
0x3d: {  	s19 =	sadd.s32 $0x2600, s19;
	_ =	strace $0x8000005D  }
0x3e: {  	[hbm4b:s19+s2] =	stream.linear.scatter [tilespmem:s18], [sflag:$0x6], $0x8000, $0x200038;
	[tilespmem:$0x10400] =	vst v63  }
0x3f: {  	s21 =	ssub.s32 $0x2, s21;
	_ =	strace $0x9000005D  }
0x40: {  	s20 =	simm.s32 $0x5;
	s22 =	sshrl.u32 s21, $0x1;
	_ =	strace $0x8000005E  }
0x41: {  	s22 =	ssub.s32 s21, s22;
	_ =	swait.ge [sflag:s20], $0x8000  }
0x42: {  	s22 =	smax.u32 s22, $0x1;
	[sflag:s20] =	ssyncset.done $0x0  }
0x43: {  	p0 =	sne.s32 s22, $0x1;
	[sflag:s20] =	ssyncadd.s32 $0xFFFF8000  }
.Ltmp0:
0x44: {  	_ =	strace $0x9000005E;
	(pc) =	sbr.rel @!p0 .LBB2_2-.Ltmp0, $4  }
0x45: {  	s21 =	simm.s32 $0x6;
	_ =	strace $0x8000005F  }
0x46: {  	_ =	swait.ge [sflag:s21], $0x8000  }
0x47: {  	[sflag:s21] =	ssyncset.done $0x0  }
0x48: {  	s22 =	sadd.s32 $0xFFFFFFFF, s22;
	[sflag:s21] =	ssyncadd.s32 $0xFFFF8000  }
.LBB2_1:
0x49: {  	p0 =	sne.s32 s22, $0x1;
	s22 =	sadd.s32 $0xFFFFFFFF, s22;
	_ =	strace $0x9000005F  }
0x4a: {  	_ =	strace $0x80000057  }
0x4b: {  	[tilespmem:s2], [sflag:$0x1] =	stream.linear.gather [hbm4b:s3+s2], $0x100, $0x200038;
	[tilespmem:$0x10400] =	vst v63  }
0x4c: {  	_ = 	snop  }
0x4d: {  	[tilespmem:s5], [sflag:$0x3] =	stream.linear.gather [hbm4b:s4+s2], $0x100, $0x200038;
	[tilespmem:$0x10400] =	vst v63  }
0x4e: {  	_ =	strace $0x90000057  }
0x4f: {  	_ =	strace $0x80000058  }
0x50: {  	[tilespmem:s7], [sflag:$0x2] =	stream.linear.gather [hbm4b:s6+s2], $0x100, $0x200038;
	[tilespmem:$0x10400] =	vst v63  }
0x51: {  	_ =	strace $0x90000058  }
0x52: {  	_ =	strace $0x80000059  }
0x53: {  	[tilespmem:s9], [sflag:$0x4] =	stream.linear.gather [hbm4b:s8+s2], $0x100, $0x200038;
	[tilespmem:$0x10400] =	vst v63  }
0x54: {  	_ =	strace $0x90000059  }
0x55: {  	_ =	strace $0x8000005A  }
0x56: {  	_ =	swait.ge [sflag:s10], $0x100  }
0x57: {  	[sflag:s10] =	ssyncset.done $0x0  }
0x58: {  	[sflag:s10] =	ssyncadd.s32 $0xFFFFFF00  }
0x59: {  	_ =	strace $0x9000005A  }
0x5a: {  	_ =	strace $0x8000005B  }
0x5b: {  	_ =	swait.ge [sflag:s11], $0x100  }
0x5c: {  	[sflag:s11] =	ssyncset.done $0x0  }
0x5d: {  	[sflag:s11] =	ssyncadd.s32 $0xFFFFFF00  }
0x5e: {  	_ =	strace $0x9000005B  }
0x5f: {  	_ =	strace $0x8000005C  }
0x60: {  	[tilespmem:s13], [sflag:$0x7] =	stream.indirect.gather [hbm4b:s12+s7], $0x80, s2, s7, $0x2000b8;
	[tilespmem:$0x10400] =	vst v63  }
0x61: {  	_ =	swait.ge [sflag:s14], $0x8000  }
0x62: {  	[sflag:s14] =	ssyncset.done $0x0  }
0x63: {  	[sflag:s14] =	ssyncadd.s32 $0xFFFF8000  }
0x64: {  	[tilespmem:s13], [sflag:$0x7] =	stream.indirect.gather.add.f32 [hbm:s12], $0x80, s5, s7, $0x2000b8;
	[tilespmem:$0x10400] =	vst v63  }
0x65: {  	_ =	swait.ge [sflag:s14], $0x8000  }
0x66: {  	[sflag:s14] =	ssyncset.done $0x0  }
0x67: {  	[sflag:s14] =	ssyncadd.s32 $0xFFFF8000  }
0x68: {  	_ =	strace $0x9000005C  }
0x69: {  	_ =	strace $0x8000005D  }
0x6a: {  	[hbm4b:s15+s2] =	stream.linear.scatter [tilespmem:s13], [sflag:$0x5], $0x8000, $0x200038;
	[tilespmem:$0x10400] =	vst v63  }
0x6b: {  	_ =	strace $0x9000005D  }
0x6c: {  	_ =	strace $0x8000005A  }
0x6d: {  	_ =	swait.ge [sflag:s16], $0x100  }
0x6e: {  	[sflag:s16] =	ssyncset.done $0x0  }
0x6f: {  	[sflag:s16] =	ssyncadd.s32 $0xFFFFFF00  }
0x70: {  	_ =	strace $0x9000005A  }
0x71: {  	_ =	strace $0x8000005B  }
0x72: {  	_ =	swait.ge [sflag:s17], $0x100  }
0x73: {  	[sflag:s17] =	ssyncset.done $0x0  }
0x74: {  	[sflag:s17] =	ssyncadd.s32 $0xFFFFFF00  }
0x75: {  	_ =	strace $0x9000005B  }
0x76: {  	_ =	strace $0x8000005C  }
0x77: {  	[tilespmem:s18], [sflag:$0x7] =	stream.indirect.gather [hbm4b:s12+s7], $0x80, s7, s7, $0x2000b8;
	[tilespmem:$0x10400] =	vst v63  }
0x78: {  	_ =	swait.ge [sflag:s14], $0x8000  }
0x79: {  	[sflag:s14] =	ssyncset.done $0x0  }
0x7a: {  	[sflag:s14] =	ssyncadd.s32 $0xFFFF8000  }
0x7b: {  	[tilespmem:s18], [sflag:$0x7] =	stream.indirect.gather.add.f32 [hbm:s12], $0x80, s9, s7, $0x2000b8;
	[tilespmem:$0x10400] =	vst v63  }
0x7c: {  	_ =	swait.ge [sflag:s14], $0x8000  }
0x7d: {  	[sflag:s14] =	ssyncset.done $0x0  }
0x7e: {  	[sflag:s14] =	ssyncadd.s32 $0xFFFF8000  }
0x7f: {  	_ =	strace $0x9000005C  }
0x80: {  	_ =	strace $0x8000005D  }
0x81: {  	[hbm4b:s19+s2] =	stream.linear.scatter [tilespmem:s18], [sflag:$0x6], $0x8000, $0x200038;
	[tilespmem:$0x10400] =	vst v63  }
0x82: {  	_ =	strace $0x9000005D  }
0x83: {  	_ =	strace $0x8000005E  }
0x84: {  	_ =	swait.ge [sflag:s20], $0x8000  }
0x85: {  	[sflag:s20] =	ssyncset.done $0x0  }
0x86: {  	[sflag:s20] =	ssyncadd.s32 $0xFFFF8000  }
.Ltmp1:
0x87: {  	_ =	strace $0x9000005E;
	(pc) =	sbr.rel @p0 .LBB2_1-.Ltmp1, $4  }
0x88: {  	_ =	strace $0x8000005F  }
0x89: {  	_ =	swait.ge [sflag:s21], $0x8000  }
0x8a: {  	[sflag:s21] =	ssyncset.done $0x0  }
0x8b: {  	[sflag:s21] =	ssyncadd.s32 $0xFFFF8000  }
.LBB2_2:
0x8c: {  	_ =	strace $0x9000005F  }
0x8d: {  	_ =	sfence.sel $0x180000  }
0x8e: {  	[bflag:$0x0] =	sbarrier.arrive $0xFFFF  }
0x8f: {  	p0 =	sne.s32 s1, $0x0;
	_ =	strace $0x90000056  }
0x90: {  	s0 =	sadd.s32 @!p0 $0x100000, s0;
	[bflag:$0x2] =	sbarrier.arrive $0xFFFF  }
0x91: {  	[sflag:s0] =	ssyncadd.tile.s32 @!p0 $0x1;
	_ =	shalt  }
.Lfunc_end2:
_tile_overlayer_lowered:
.L_overlay_start_2:
0x92: {  	(tag) =	ssettag $0x2  }
0x93: {  	s0 =	rddreg [dreg:$0x0];
	s2 =	stileid.u32  }
0x94: {  	s1 =	rddreg [dreg:$0x1];
	p0 =	sne.s32 s2, $0x0  }
0x95: {  	s3 =	rddreg [dreg:$0x2];
	[bflag:$0x3] =	sbarrier.arrive $0xFFFF;
	s2 =	simm.s32 @!p0 $0x1C01  }
0x96: {  	[timem:s3], [sflag:s2] =	dma.local @!p0 [hbm:s0], s1  }
0x97: {  	s0 =	simm.s32 @!p0 $0x1  }
0x98: {  	_ =	swait.ge @!p0 [sflag:s0], s1  }
0x99: {  	s1 =	ssub.s32 @!p0 $0x0, s1;
	[sflag:s0] =	ssyncset.done @!p0 $0x0  }
0x9a: {  	[sflag:s0] =	ssyncadd.s32 @!p0 s1  }
0x9b: {  	[bflag:$0x3] =	sbarrier.arrive $0xFFFF  }
0x9c: {  	_ =	shalt  }

</sc_bundles>
